<compile_context>
chip_gen: v7x
topology: tpu7x:2x2x1
jax: 0.10.2.dev20260603
libtpu: 0.0.44.dev20260713+nightly
codegen_flags: <defaults>
</compile_context>

<pallas_src>
import jax
import jax.numpy as jnp
from jax import lax
from jax.experimental import pallas as pl
from jax.experimental.pallas import tpu as pltpu
import jax.experimental.pallas.tpu_sc as plsc

N = 320000
D = 128
NUM_SEG = 16384
HALF = NUM_SEG // 2
NSUB = 16
R = 128
NSLOT = 3
NWIN16 = N // 16
TRASH = HALF


def _body(x_hbm, seg_hbm, out_hbm, acc_sh,
          buf0, buf1, buf2, ix0, ix1, ix2, probe,
          sx0, sx1, sx2, si0, si1, si2, ss0, ss1, ss2):
    c = lax.axis_index("c")
    s = lax.axis_index("s")
    slots = ((buf0, ix0, sx0, si0, ss0),
             (buf1, ix1, sx1, si1, ss1),
             (buf2, ix2, sx2, si2, ss2))

    zero16 = jnp.zeros((16,), jnp.float32)

    def zrow(r, _):
        for j in range(D // 16):
            buf0[r, pl.ds(j * 16, 16)] = zero16
        return 0

    lax.fori_loop(0, R, zrow, 0)
    zd = []
    for t in range(512 // R):
        zd.append(pltpu.async_copy(
            buf0, acc_sh.at[pl.ds(pl.multiple_of(s * 512 + t * R, R), R)],
            ss0))

    def probe_win(w):
        pltpu.sync_copy(seg_hbm.at[pl.ds(pl.multiple_of(w * 16, 16), 16)],
                        probe)

    def bstep(_, st):
        lo, hi = st
        active = (hi - lo) > 1
        mid = lo + (hi - lo) // 2
        probe_win(jnp.maximum(mid, 0))
        pred = probe[...][0] < HALF
        take = active & pred
        lo2 = jnp.where(take, mid, lo)
        hi2 = jnp.where(active & (~pred), mid, hi)
        return lo2, hi2

    lo, hi = lax.fori_loop(
        0, 15, bstep, (jnp.int32(-1), jnp.int32(NWIN16)))
    probe_win(jnp.maximum(lo, 0))
    pv = probe[...]
    cnt_lo = jnp.int32(0)
    for i in range(16):
        cnt_lo = cnt_lo + jnp.minimum(
            jnp.maximum(HALF - pv[i], 0), 1)
    p_split = jnp.where(lo < 0, 0, lo * 16 + cnt_lo).astype(jnp.int32)

    base = jnp.where(c == 0, 0, p_split)
    limit = jnp.where(c == 0, p_split, N)
    length = limit - base
    r0 = base + (s * length) // NSUB
    r1 = base + ((s + 1) * length) // NSUB
    a0 = r0 - lax.rem(r0, 8)
    nwin = (r1 - a0 + (R - 1)) // R

    seg_base = c * HALF
    lane = lax.iota(jnp.int32, 16)

    def st_of(k):
        return pl.multiple_of(jnp.minimum(a0 + k * R, N - R), 8)

    def issue_gather(k, slot):
        buf, ix, sx, si, _ = slot

        @pl.when(k < nwin)
        def _():
            st = st_of(k)
            pltpu.async_copy(x_hbm.at[pl.ds(st, R)], buf, sx)
            pltpu.async_copy(seg_hbm.at[pl.ds(st, R)], ix.at[0], si)

    def consume(k, slot):
        buf, ix, sx, si, ss = slot

        @pl.when(k < nwin)
        def _():
            pltpu.make_async_copy(x_hbm.at[pl.ds(0, R)], buf, sx).wait()
            pltpu.make_async_copy(seg_hbm.at[pl.ds(0, R)], ix.at[0],
                                  si).wait()
            st = st_of(k)
            lo_k = jnp.maximum(a0 + k * R, r0)
            hi_k = jnp.minimum(a0 + k * R + R, r1)
            for j in range(R // 16):
                seg = ix[0, pl.ds(j * 16, 16)]
                g = st + j * 16 + lane
                valid = (g >= lo_k) & (g < hi_k)
                li = jnp.where(valid, seg - seg_base, TRASH)
                ix[0, pl.ds(j * 16, 16)] = li
            pltpu.async_copy(buf, acc_sh.at[ix.at[0]], ss, add=True)

    def wait_scatter(k, slot):
        buf, ix, _, _, ss = slot

        @pl.when((k >= 0) & (k < nwin))
        def _():
            pltpu.make_async_copy(buf, acc_sh.at[ix.at[0]], ss).wait()

    for d in zd:
        d.wait()
    issue_gather(jnp.int32(0), slots[0])
    issue_gather(jnp.int32(1), slots[1])
    plsc.subcore_barrier()

    def outer(g, _):
        for b in range(NSLOT):
            k = g * NSLOT + b
            consume(k, slots[b])
            pb = (b - 1) % NSLOT
            wait_scatter(k - 1, slots[pb])
            issue_gather(k + 2, slots[pb])
        return 0

    lax.fori_loop(0, (nwin + NSLOT - 1) // NSLOT, outer, 0)
    @pl.when((lax.rem(nwin, NSLOT) == 0) & (nwin > 0))
    def _():
        buf, ix, _, _, ss = slots[NSLOT - 1]
        pltpu.make_async_copy(buf, acc_sh.at[ix.at[0]], ss).wait()

    plsc.subcore_barrier()

    pltpu.sync_copy(acc_sh.at[pl.ds(pl.multiple_of(s * 512, 512), 512)],
                    out_hbm.at[pl.ds(pl.multiple_of(c * HALF + s * 512, 512),
                                     512)])


@jax.jit
def _segment_sum(outputs, atom_split):
    mesh = plsc.VectorSubcoreMesh(core_axis_name="c", subcore_axis_name="s")
    return pl.kernel(
        _body,
        out_type=jax.ShapeDtypeStruct((NUM_SEG, D), jnp.float32),
        mesh=mesh,
        scratch_types=[
            pltpu.MemorySpace.VMEM_SHARED((HALF + 1, D), jnp.float32),
            pltpu.VMEM((R, D), jnp.float32),
            pltpu.VMEM((R, D), jnp.float32),
            pltpu.VMEM((R, D), jnp.float32),
            pltpu.VMEM((1, R), jnp.int32),
            pltpu.VMEM((1, R), jnp.int32),
            pltpu.VMEM((1, R), jnp.int32),
            pltpu.VMEM((16,), jnp.int32),
            pltpu.SemaphoreType.DMA,
            pltpu.SemaphoreType.DMA,
            pltpu.SemaphoreType.DMA,
            pltpu.SemaphoreType.DMA,
            pltpu.SemaphoreType.DMA,
            pltpu.SemaphoreType.DMA,
            pltpu.SemaphoreType.DMA,
            pltpu.SemaphoreType.DMA,
            pltpu.SemaphoreType.DMA,
        ],
    )(outputs, atom_split)


def kernel(outputs, pair_features, atom_split, dummy):
    return (_segment_sum(outputs, atom_split), pair_features)

# --- scband reference (transcript-rebuilt; emitter-appended) ---
"""Pipeline reference for scband-weave-gather-47725676593203 (READ-ONLY COPY).

The authoritative reference and input builder live on the scoring server;
editing this copy changes nothing except your own understanding.
"""

import jax, jax.numpy as jnp
import numpy as np

N = 320000
D = 128
NUM_SEG = 16384
PAIR_D = 14


def setup_inputs(seed: int = 0) -> dict:
    key = jax.random.key(seed)
    k1, k2, k3 = jax.random.split(key, 3)
    outputs = jax.random.normal(k1, (N, D), dtype=jnp.float32)
    pair_features = jax.random.normal(k2, (N, PAIR_D), dtype=jnp.float32)
    atom_split = jnp.sort(jax.random.randint(k3, (N,), 0, NUM_SEG, dtype=jnp.int32))
    dummy = jnp.zeros((1,), dtype=jnp.int32)
    return {"outputs": outputs, "pair_features": pair_features, "atom_split": atom_split, "dummy": dummy}


def reference(outputs, pair_features, atom_split, dummy):
    # WeaveGather.forward with gaussian_expand=False:
    #   output_molecules = scatter_add(outputs, atom_split, dim=0)
    #   return (output_molecules, pair_features)
    output_molecules = jax.ops.segment_sum(outputs, atom_split, num_segments=NUM_SEG)
    return (output_molecules, pair_features)

if __name__ == "__main__":
    import jax
    _d = setup_inputs()
    print(jax.jit(kernel)(*tuple(_d.values())))

</pallas_src>

<mosaic_0001>
#map = affine_map<(d0, d1) -> (0, 0)>
#map1 = affine_map<(d0, d1) -> (0)>
module attributes {stable_mosaic.version = 14 : i64} {
  func.func @_body(%arg0: i32, %arg1: i32, %arg2: memref<320000x128xf32, #tpu.memory_space<hbm>>, %arg3: memref<320000xi32, #tpu.memory_space<hbm>>, %arg4: memref<16384x128xf32, #tpu.memory_space<hbm>>, %arg5: memref<8193x128xf32, #tpu.memory_space<vmem_shared>>, %arg6: memref<128x128xf32, #tpu.memory_space<vmem>>, %arg7: memref<128x128xf32, #tpu.memory_space<vmem>>, %arg8: memref<128x128xf32, #tpu.memory_space<vmem>>, %arg9: memref<1x128xi32, #tpu.memory_space<vmem>>, %arg10: memref<1x128xi32, #tpu.memory_space<vmem>>, %arg11: memref<1x128xi32, #tpu.memory_space<vmem>>, %arg12: memref<16xi32, #tpu.memory_space<vmem>>, %arg13: memref<!tpu.dma_semaphore, #tpu.memory_space<semaphore_mem>>, %arg14: memref<!tpu.dma_semaphore, #tpu.memory_space<semaphore_mem>>, %arg15: memref<!tpu.dma_semaphore, #tpu.memory_space<semaphore_mem>>, %arg16: memref<!tpu.dma_semaphore, #tpu.memory_space<semaphore_mem>>, %arg17: memref<!tpu.dma_semaphore, #tpu.memory_space<semaphore_mem>>, %arg18: memref<!tpu.dma_semaphore, #tpu.memory_space<semaphore_mem>>, %arg19: memref<!tpu.dma_semaphore, #tpu.memory_space<semaphore_mem>>, %arg20: memref<!tpu.dma_semaphore, #tpu.memory_space<semaphore_mem>>, %arg21: memref<!tpu.dma_semaphore, #tpu.memory_space<semaphore_mem>>) attributes {dimension_semantics = [#tpu.dimension_semantics<core_parallel>, #tpu.dimension_semantics<subcore_parallel>], iteration_bounds = array<i64: 2, 16>, scalar_prefetch = 0 : i64, scratch_operands = 17 : i64, tpu.core_type = #tpu.core_type<sc_vector_subcore>, window_params = [{transform_indices = #map}, {transform_indices = #map1}, {transform_indices = #map}]} {
    %broadcast_in_dim3A = arith.constant 0.000000e+00 : f32
    %broadcast_in_dim3A_0 = vector.broadcast %broadcast_in_dim3A : f32 to vector<16xf32>
    %scan3A = arith.constant 0 : i32
    %scan3A_1 = arith.constant 0 : i32
    %scan3A_2 = arith.constant 128 : i32
    %scan3A_3 = arith.addi %scan3A_1, %scan3A_2 : i32
    %scan3A_4 = arith.constant 1 : i32
    %scan3A_5 = scf.for %scan3A_370 = %scan3A_1 to %scan3A_3 step %scan3A_4 iter_args(%scan3A_371 = %scan3A) -> (i32)  : i32 {
      %swap3A = arith.index_cast %scan3A_370 : i32 to index
      %swap3A_372 = arith.constant 0 : index
      %swap3A_373 = tpu.vector_load %arg6[%swap3A, %swap3A_372] {strides = array<i32>} : memref<128x128xf32, #tpu.memory_space<vmem>>, vector<1x16xf32>,
      %swap3A_374 = vector.shape_cast %swap3A_373 : vector<1x16xf32> to vector<16xf32>
      %swap3A_375 = vector.shape_cast %broadcast_in_dim3A_0 : vector<16xf32> to vector<1x16xf32>
      tpu.vector_store %arg6[%swap3A, %swap3A_372], %swap3A_375 {strides = array<i32>} : memref<128x128xf32, #tpu.memory_space<vmem>>, vector<1x16xf32>,
      %swap3A_376 = arith.index_cast %scan3A_370 : i32 to index
      %swap3A_377 = arith.constant 16 : index
      %swap3A_378 = tpu.vector_load %arg6[%swap3A_376, %swap3A_377] {strides = array<i32>} : memref<128x128xf32, #tpu.memory_space<vmem>>, vector<1x16xf32>,
      %swap3A_379 = vector.shape_cast %swap3A_378 : vector<1x16xf32> to vector<16xf32>
      %swap3A_380 = vector.shape_cast %broadcast_in_dim3A_0 : vector<16xf32> to vector<1x16xf32>
      tpu.vector_store %arg6[%swap3A_376, %swap3A_377], %swap3A_380 {strides = array<i32>} : memref<128x128xf32, #tpu.memory_space<vmem>>, vector<1x16xf32>,
      %swap3A_381 = arith.index_cast %scan3A_370 : i32 to index
      %swap3A_382 = arith.constant 32 : index
      %swap3A_383 = tpu.vector_load %arg6[%swap3A_381, %swap3A_382] {strides = array<i32>} : memref<128x128xf32, #tpu.memory_space<vmem>>, vector<1x16xf32>,
      %swap3A_384 = vector.shape_cast %swap3A_383 : vector<1x16xf32> to vector<16xf32>
      %swap3A_385 = vector.shape_cast %broadcast_in_dim3A_0 : vector<16xf32> to vector<1x16xf32>
      tpu.vector_store %arg6[%swap3A_381, %swap3A_382], %swap3A_385 {strides = array<i32>} : memref<128x128xf32, #tpu.memory_space<vmem>>, vector<1x16xf32>,
      %swap3A_386 = arith.index_cast %scan3A_370 : i32 to index
      %swap3A_387 = arith.constant 48 : index
      %swap3A_388 = tpu.vector_load %arg6[%swap3A_386, %swap3A_387] {strides = array<i32>} : memref<128x128xf32, #tpu.memory_space<vmem>>, vector<1x16xf32>,
      %swap3A_389 = vector.shape_cast %swap3A_388 : vector<1x16xf32> to vector<16xf32>
      %swap3A_390 = vector.shape_cast %broadcast_in_dim3A_0 : vector<16xf32> to vector<1x16xf32>
      tpu.vector_store %arg6[%swap3A_386, %swap3A_387], %swap3A_390 {strides = array<i32>} : memref<128x128xf32, #tpu.memory_space<vmem>>, vector<1x16xf32>,
      %swap3A_391 = arith.index_cast %scan3A_370 : i32 to index
      %swap3A_392 = arith.constant 64 : index
      %swap3A_393 = tpu.vector_load %arg6[%swap3A_391, %swap3A_392] {strides = array<i32>} : memref<128x128xf32, #tpu.memory_space<vmem>>, vector<1x16xf32>,
      %swap3A_394 = vector.shape_cast %swap3A_393 : vector<1x16xf32> to vector<16xf32>
      %swap3A_395 = vector.shape_cast %broadcast_in_dim3A_0 : vector<16xf32> to vector<1x16xf32>
      tpu.vector_store %arg6[%swap3A_391, %swap3A_392], %swap3A_395 {strides = array<i32>} : memref<128x128xf32, #tpu.memory_space<vmem>>, vector<1x16xf32>,
      %swap3A_396 = arith.index_cast %scan3A_370 : i32 to index
      %swap3A_397 = arith.constant 80 : index
      %swap3A_398 = tpu.vector_load %arg6[%swap3A_396, %swap3A_397] {strides = array<i32>} : memref<128x128xf32, #tpu.memory_space<vmem>>, vector<1x16xf32>,
      %swap3A_399 = vector.shape_cast %swap3A_398 : vector<1x16xf32> to vector<16xf32>
      %swap3A_400 = vector.shape_cast %broadcast_in_dim3A_0 : vector<16xf32> to vector<1x16xf32>
      tpu.vector_store %arg6[%swap3A_396, %swap3A_397], %swap3A_400 {strides = array<i32>} : memref<128x128xf32, #tpu.memory_space<vmem>>, vector<1x16xf32>,
      %swap3A_401 = arith.index_cast %scan3A_370 : i32 to index
      %swap3A_402 = arith.constant 96 : index
      %swap3A_403 = tpu.vector_load %arg6[%swap3A_401, %swap3A_402] {strides = array<i32>} : memref<128x128xf32, #tpu.memory_space<vmem>>, vector<1x16xf32>,
      %swap3A_404 = vector.shape_cast %swap3A_403 : vector<1x16xf32> to vector<16xf32>
      %swap3A_405 = vector.shape_cast %broadcast_in_dim3A_0 : vector<16xf32> to vector<1x16xf32>
      tpu.vector_store %arg6[%swap3A_401, %swap3A_402], %swap3A_405 {strides = array<i32>} : memref<128x128xf32, #tpu.memory_space<vmem>>, vector<1x16xf32>,
      %swap3A_406 = arith.index_cast %scan3A_370 : i32 to index
      %swap3A_407 = arith.constant 112 : index
      %swap3A_408 = tpu.vector_load %arg6[%swap3A_406, %swap3A_407] {strides = array<i32>} : memref<128x128xf32, #tpu.memory_space<vmem>>, vector<1x16xf32>,
      %swap3A_409 = vector.shape_cast %swap3A_408 : vector<1x16xf32> to vector<16xf32>
      %swap3A_410 = vector.shape_cast %broadcast_in_dim3A_0 : vector<16xf32> to vector<1x16xf32>
      tpu.vector_store %arg6[%swap3A_406, %swap3A_407], %swap3A_410 {strides = array<i32>} : memref<128x128xf32, #tpu.memory_space<vmem>>, vector<1x16xf32>,
      %scan3A_411 = arith.constant 0 : i32
      scf.yield %scan3A_411 : i32
    }
    %scan3A_6 = arith.constant 128 : i32
    %mul3A = arith.constant 512 : i32
    %mul3A_7 = arith.muli %arg1, %mul3A : i32
    %add3A = arith.constant 0 : i32
    %add3A_8 = arith.addi %mul3A_7, %add3A : i32
    %multiple_of3A = tpu.assume_multiple %add3A_8, 128 : i32
    %dma_start3A = arith.constant 0 : i32
    %dma_start3A_9 = tpu.memref_slice %arg5[%multiple_of3A, %dma_start3A] : memref<8193x128xf32, #tpu.memory_space<vmem_shared>> -> memref<128x128xf32, #tpu.memory_space<vmem_shared>>
    %dma_start3A_10 = arith.constant 0 : i32
    %dma_start3A_11 = tpu.memref_slice %arg5[%multiple_of3A, %dma_start3A_10] : memref<8193x128xf32, #tpu.memory_space<vmem_shared>> -> memref<128x128xf32, #tpu.memory_space<vmem_shared>>
    tpu.enqueue_dma source(%arg6 : memref<128x128xf32, #tpu.memory_space<vmem>>) target(%dma_start3A_11 : memref<128x128xf32, #tpu.memory_space<vmem_shared>>) target_semaphore(%arg19 : memref<!tpu.dma_semaphore, #tpu.memory_space<semaphore_mem>>)
    %mul3A_12 = arith.constant 512 : i32
    %mul3A_13 = arith.muli %arg1, %mul3A_12 : i32
    %add3A_14 = arith.constant 128 : i32
    %add3A_15 = arith.addi %mul3A_13, %add3A_14 : i32
    %multiple_of3A_16 = tpu.assume_multiple %add3A_15, 128 : i32
    %dma_start3A_17 = arith.constant 0 : i32
    %dma_start3A_18 = tpu.memref_slice %arg5[%multiple_of3A_16, %dma_start3A_17] : memref<8193x128xf32, #tpu.memory_space<vmem_shared>> -> memref<128x128xf32, #tpu.memory_space<vmem_shared>>
    %dma_start3A_19 = arith.constant 0 : i32
    %dma_start3A_20 = tpu.memref_slice %arg5[%multiple_of3A_16, %dma_start3A_19] : memref<8193x128xf32, #tpu.memory_space<vmem_shared>> -> memref<128x128xf32, #tpu.memory_space<vmem_shared>>
    tpu.enqueue_dma source(%arg6 : memref<128x128xf32, #tpu.memory_space<vmem>>) target(%dma_start3A_20 : memref<128x128xf32, #tpu.memory_space<vmem_shared>>) target_semaphore(%arg19 : memref<!tpu.dma_semaphore, #tpu.memory_space<semaphore_mem>>)
    %mul3A_21 = arith.constant 512 : i32
    %mul3A_22 = arith.muli %arg1, %mul3A_21 : i32
    %add3A_23 = arith.constant 256 : i32
    %add3A_24 = arith.addi %mul3A_22, %add3A_23 : i32
    %multiple_of3A_25 = tpu.assume_multiple %add3A_24, 128 : i32
    %dma_start3A_26 = arith.constant 0 : i32
    %dma_start3A_27 = tpu.memref_slice %arg5[%multiple_of3A_25, %dma_start3A_26] : memref<8193x128xf32, #tpu.memory_space<vmem_shared>> -> memref<128x128xf32, #tpu.memory_space<vmem_shared>>
    %dma_start3A_28 = arith.constant 0 : i32
    %dma_start3A_29 = tpu.memref_slice %arg5[%multiple_of3A_25, %dma_start3A_28] : memref<8193x128xf32, #tpu.memory_space<vmem_shared>> -> memref<128x128xf32, #tpu.memory_space<vmem_shared>>
    tpu.enqueue_dma source(%arg6 : memref<128x128xf32, #tpu.memory_space<vmem>>) target(%dma_start3A_29 : memref<128x128xf32, #tpu.memory_space<vmem_shared>>) target_semaphore(%arg19 : memref<!tpu.dma_semaphore, #tpu.memory_space<semaphore_mem>>)
    %mul3A_30 = arith.constant 512 : i32
    %mul3A_31 = arith.muli %arg1, %mul3A_30 : i32
    %add3A_32 = arith.constant 384 : i32
    %add3A_33 = arith.addi %mul3A_31, %add3A_32 : i32
    %multiple_of3A_34 = tpu.assume_multiple %add3A_33, 128 : i32
    %dma_start3A_35 = arith.constant 0 : i32
    %dma_start3A_36 = tpu.memref_slice %arg5[%multiple_of3A_34, %dma_start3A_35] : memref<8193x128xf32, #tpu.memory_space<vmem_shared>> -> memref<128x128xf32, #tpu.memory_space<vmem_shared>>
    %dma_start3A_37 = arith.constant 0 : i32
    %dma_start3A_38 = tpu.memref_slice %arg5[%multiple_of3A_34, %dma_start3A_37] : memref<8193x128xf32, #tpu.memory_space<vmem_shared>> -> memref<128x128xf32, #tpu.memory_space<vmem_shared>>
    tpu.enqueue_dma source(%arg6 : memref<128x128xf32, #tpu.memory_space<vmem>>) target(%dma_start3A_38 : memref<128x128xf32, #tpu.memory_space<vmem_shared>>) target_semaphore(%arg19 : memref<!tpu.dma_semaphore, #tpu.memory_space<semaphore_mem>>)
    %scan3A_39 = arith.constant -1 : i32
    %scan3A_40 = arith.constant 20000 : i32
    %scan3A_41 = arith.constant 0 : i32
    %scan3A_42 = arith.constant 15 : i32
    %scan3A_43 = arith.addi %scan3A_41, %scan3A_42 : i32
    %scan3A_44 = arith.constant 1 : i32
    %scan3A_45:2 = scf.for %scan3A_370 = %scan3A_41 to %scan3A_43 step %scan3A_44 iter_args(%scan3A_371 = %scan3A_39, %scan3A_372 = %scan3A_40) -> (i32, i32)  : i32 {
      %sub3A_373 = arith.subi %scan3A_372, %scan3A_371 : i32
      %gt3A_374 = arith.constant 1 : i32
      %gt3A_375 = arith.cmpi sgt, %sub3A_373, %gt3A_374 : i32
      %sub3A_376 = arith.subi %scan3A_372, %scan3A_371 : i32
      %jit3A_377 = arith.constant 2 : i32
      %div3A_378 = arith.divsi %sub3A_376, %jit3A_377 : i32
      %sign3A_379 = arith.constant 0 : i32
      %sign3A_380 = arith.cmpi sgt, %sub3A_376, %sign3A_379 : i32
      %sign3A_381 = arith.extui %sign3A_380 : i1 to i32
      %sign3A_382 = arith.constant 0 : i32
      %sign3A_383 = arith.cmpi slt, %sub3A_376, %sign3A_382 : i32
      %sign3A_384 = arith.extui %sign3A_383 : i1 to i32
      %sign3A_385 = arith.subi %sign3A_381, %sign3A_384 : i32
      %sign3A_386 = arith.constant 0 : i32
      %sign3A_387 = arith.cmpi sgt, %jit3A_377, %sign3A_386 : i32
      %sign3A_388 = arith.extui %sign3A_387 : i1 to i32
      %sign3A_389 = arith.constant 0 : i32
      %sign3A_390 = arith.cmpi slt, %jit3A_377, %sign3A_389 : i32
      %sign3A_391 = arith.extui %sign3A_390 : i1 to i32
      %sign3A_392 = arith.subi %sign3A_388, %sign3A_391 : i32
      %ne3A_393 = arith.cmpi ne, %sign3A_385, %sign3A_392 : i32
      %rem3A_394 = arith.remsi %sub3A_376, %jit3A_377 : i32
      %ne3A_395 = arith.constant 0 : i32
      %ne3A_396 = arith.cmpi ne, %rem3A_394, %ne3A_395 : i32
      %and3A_397 = arith.andi %ne3A_393, %ne3A_396 : i1
      %sub3A_398 = arith.constant 1 : i32
      %sub3A_399 = arith.subi %div3A_378, %sub3A_398 : i32
      %select_n3A_400 = arith.select %and3A_397, %sub3A_399, %div3A_378 : i32
      %add3A_401 = arith.addi %scan3A_371, %select_n3A_400 : i32
      %max3A_402 = arith.constant 0 : i32
      %max3A_403 = arith.maxsi %add3A_401, %max3A_402 : i32
      %mul3A_404 = arith.constant 16 : i32
      %mul3A_405 = arith.muli %max3A_403, %mul3A_404 : i32
      %multiple_of3A_406 = tpu.assume_multiple %mul3A_405, 16 : i32
      "tpu.region"() ({
        %run_scoped3A = tpu.sem_alloc : memref<!tpu.dma_semaphore, #tpu.memory_space<semaphore_mem>>
        %dma_start3A_419 = tpu.memref_slice %arg3[%multiple_of3A_406] : memref<320000xi32, #tpu.memory_space<hbm>> -> memref<16xi32, #tpu.memory_space<hbm>>
        %dma_start3A_420 = tpu.memref_slice %arg3[%multiple_of3A_406] : memref<320000xi32, #tpu.memory_space<hbm>> -> memref<16xi32, #tpu.memory_space<hbm>>
        tpu.enqueue_dma source(%dma_start3A_420 : memref<16xi32, #tpu.memory_space<hbm>>) target(%arg12 : memref<16xi32, #tpu.memory_space<vmem>>) target_semaphore(%run_scoped3A : memref<!tpu.dma_semaphore, #tpu.memory_space<semaphore_mem>>)
        %dma_wait3A_421 = tpu.memref_slice %arg3[%multiple_of3A_406] : memref<320000xi32, #tpu.memory_space<hbm>> -> memref<16xi32, #tpu.memory_space<hbm>>
        %dma_wait3A_422 = tpu.memref_slice %arg3[%multiple_of3A_406] : memref<320000xi32, #tpu.memory_space<hbm>> -> memref<16xi32, #tpu.memory_space<hbm>>
        tpu.wait_dma2 semaphore(%run_scoped3A : memref<!tpu.dma_semaphore, #tpu.memory_space<semaphore_mem>>) src(%dma_wait3A_422 : memref<16xi32, #tpu.memory_space<hbm>>) dst(%arg12 : memref<16xi32, #tpu.memory_space<vmem>>)
        tpu.yield
      }) : () -> ()
      %get3A_407 = arith.constant 0 : index
      %get3A_408 = tpu.vector_load %arg12[%get3A_407] {strides = array<i32>} : memref<16xi32, #tpu.memory_space<vmem>>, vector<16xi32>,
      %get3A_409 = vector.shape_cast %get3A_408 : vector<16xi32> to vector<16xi32>
      %slice3A_410 = vector.extract_strided_slice %get3A_409 {offsets = [0], sizes = [1], strides = [1]} : vector<16xi32> to vector<1xi32>
      %squeeze3A_411 = vector.extract %slice3A_410[0] : i32 from vector<1xi32>
      %lt3A_412 = arith.constant 8192 : i32
      %lt3A_413 = arith.cmpi slt, %squeeze3A_411, %lt3A_412 : i32
      %and3A_414 = arith.andi %gt3A_375, %lt3A_413 : i1
      %select_n3A_415 = arith.select %and3A_414, %add3A_401, %scan3A_371 : i32
      %not3A = arith.constant true
      %not3A_416 = arith.xori %lt3A_413, %not3A : i1
      %and3A_417 = arith.andi %gt3A_375, %not3A_416 : i1
      %select_n3A_418 = arith.select %and3A_417, %add3A_401, %scan3A_372 : i32
      scf.yield %select_n3A_415, %select_n3A_418 : i32, i32
    }
    %scan3A_46 = arith.constant 15 : i32
    %max3A = arith.constant 0 : i32
    %max3A_47 = arith.maxsi %scan3A_45#0, %max3A : i32
    %mul3A_48 = arith.constant 16 : i32
    %mul3A_49 = arith.muli %max3A_47, %mul3A_48 : i32
    %multiple_of3A_50 = tpu.assume_multiple %mul3A_49, 16 : i32
    "tpu.region"() ({
      %run_scoped3A = tpu.sem_alloc : memref<!tpu.dma_semaphore, #tpu.memory_space<semaphore_mem>>
      %dma_start3A_370 = tpu.memref_slice %arg3[%multiple_of3A_50] : memref<320000xi32, #tpu.memory_space<hbm>> -> memref<16xi32, #tpu.memory_space<hbm>>
      %dma_start3A_371 = tpu.memref_slice %arg3[%multiple_of3A_50] : memref<320000xi32, #tpu.memory_space<hbm>> -> memref<16xi32, #tpu.memory_space<hbm>>
      tpu.enqueue_dma source(%dma_start3A_371 : memref<16xi32, #tpu.memory_space<hbm>>) target(%arg12 : memref<16xi32, #tpu.memory_space<vmem>>) target_semaphore(%run_scoped3A : memref<!tpu.dma_semaphore, #tpu.memory_space<semaphore_mem>>)
      %dma_wait3A_372 = tpu.memref_slice %arg3[%multiple_of3A_50] : memref<320000xi32, #tpu.memory_space<hbm>> -> memref<16xi32, #tpu.memory_space<hbm>>
      %dma_wait3A_373 = tpu.memref_slice %arg3[%multiple_of3A_50] : memref<320000xi32, #tpu.memory_space<hbm>> -> memref<16xi32, #tpu.memory_space<hbm>>
      tpu.wait_dma2 semaphore(%run_scoped3A : memref<!tpu.dma_semaphore, #tpu.memory_space<semaphore_mem>>) src(%dma_wait3A_373 : memref<16xi32, #tpu.memory_space<hbm>>) dst(%arg12 : memref<16xi32, #tpu.memory_space<vmem>>)
      tpu.yield
    }) : () -> ()
    %get3A = arith.constant 0 : index
    %get3A_51 = tpu.vector_load %arg12[%get3A] {strides = array<i32>} : memref<16xi32, #tpu.memory_space<vmem>>, vector<16xi32>,
    %get3A_52 = vector.shape_cast %get3A_51 : vector<16xi32> to vector<16xi32>
    %slice3A = vector.extract_strided_slice %get3A_52 {offsets = [0], sizes = [1], strides = [1]} : vector<16xi32> to vector<1xi32>
    %squeeze3A = vector.extract %slice3A[0] : i32 from vector<1xi32>
    %sub3A = arith.constant 8192 : i32
    %sub3A_53 = arith.subi %sub3A, %squeeze3A : i32
    %max3A_54 = arith.constant 0 : i32
    %max3A_55 = arith.maxsi %sub3A_53, %max3A_54 : i32
    %min3A = arith.constant 1 : i32
    %min3A_56 = arith.minsi %max3A_55, %min3A : i32
    %add3A_57 = arith.constant 0 : i32
    %add3A_58 = arith.addi %add3A_57, %min3A_56 : i32
    %slice3A_59 = vector.extract_strided_slice %get3A_52 {offsets = [1], sizes = [1], strides = [1]} : vector<16xi32> to vector<1xi32>
    %squeeze3A_60 = vector.extract %slice3A_59[0] : i32 from vector<1xi32>
    %sub3A_61 = arith.constant 8192 : i32
    %sub3A_62 = arith.subi %sub3A_61, %squeeze3A_60 : i32
    %max3A_63 = arith.constant 0 : i32
    %max3A_64 = arith.maxsi %sub3A_62, %max3A_63 : i32
    %min3A_65 = arith.constant 1 : i32
    %min3A_66 = arith.minsi %max3A_64, %min3A_65 : i32
    %add3A_67 = arith.addi %add3A_58, %min3A_66 : i32
    %slice3A_68 = vector.extract_strided_slice %get3A_52 {offsets = [2], sizes = [1], strides = [1]} : vector<16xi32> to vector<1xi32>
    %squeeze3A_69 = vector.extract %slice3A_68[0] : i32 from vector<1xi32>
    %sub3A_70 = arith.constant 8192 : i32
    %sub3A_71 = arith.subi %sub3A_70, %squeeze3A_69 : i32
    %max3A_72 = arith.constant 0 : i32
    %max3A_73 = arith.maxsi %sub3A_71, %max3A_72 : i32
    %min3A_74 = arith.constant 1 : i32
    %min3A_75 = arith.minsi %max3A_73, %min3A_74 : i32
    %add3A_76 = arith.addi %add3A_67, %min3A_75 : i32
    %slice3A_77 = vector.extract_strided_slice %get3A_52 {offsets = [3], sizes = [1], strides = [1]} : vector<16xi32> to vector<1xi32>
    %squeeze3A_78 = vector.extract %slice3A_77[0] : i32 from vector<1xi32>
    %sub3A_79 = arith.constant 8192 : i32
    %sub3A_80 = arith.subi %sub3A_79, %squeeze3A_78 : i32
    %max3A_81 = arith.constant 0 : i32
    %max3A_82 = arith.maxsi %sub3A_80, %max3A_81 : i32
    %min3A_83 = arith.constant 1 : i32
    %min3A_84 = arith.minsi %max3A_82, %min3A_83 : i32
    %add3A_85 = arith.addi %add3A_76, %min3A_84 : i32
    %slice3A_86 = vector.extract_strided_slice %get3A_52 {offsets = [4], sizes = [1], strides = [1]} : vector<16xi32> to vector<1xi32>
    %squeeze3A_87 = vector.extract %slice3A_86[0] : i32 from vector<1xi32>
    %sub3A_88 = arith.constant 8192 : i32
    %sub3A_89 = arith.subi %sub3A_88, %squeeze3A_87 : i32
    %max3A_90 = arith.constant 0 : i32
    %max3A_91 = arith.maxsi %sub3A_89, %max3A_90 : i32
    %min3A_92 = arith.constant 1 : i32
    %min3A_93 = arith.minsi %max3A_91, %min3A_92 : i32
    %add3A_94 = arith.addi %add3A_85, %min3A_93 : i32
    %slice3A_95 = vector.extract_strided_slice %get3A_52 {offsets = [5], sizes = [1], strides = [1]} : vector<16xi32> to vector<1xi32>
    %squeeze3A_96 = vector.extract %slice3A_95[0] : i32 from vector<1xi32>
    %sub3A_97 = arith.constant 8192 : i32
    %sub3A_98 = arith.subi %sub3A_97, %squeeze3A_96 : i32
    %max3A_99 = arith.constant 0 : i32
    %max3A_100 = arith.maxsi %sub3A_98, %max3A_99 : i32
    %min3A_101 = arith.constant 1 : i32
    %min3A_102 = arith.minsi %max3A_100, %min3A_101 : i32
    %add3A_103 = arith.addi %add3A_94, %min3A_102 : i32
    %slice3A_104 = vector.extract_strided_slice %get3A_52 {offsets = [6], sizes = [1], strides = [1]} : vector<16xi32> to vector<1xi32>
    %squeeze3A_105 = vector.extract %slice3A_104[0] : i32 from vector<1xi32>
    %sub3A_106 = arith.constant 8192 : i32
    %sub3A_107 = arith.subi %sub3A_106, %squeeze3A_105 : i32
    %max3A_108 = arith.constant 0 : i32
    %max3A_109 = arith.maxsi %sub3A_107, %max3A_108 : i32
    %min3A_110 = arith.constant 1 : i32
    %min3A_111 = arith.minsi %max3A_109, %min3A_110 : i32
    %add3A_112 = arith.addi %add3A_103, %min3A_111 : i32
    %slice3A_113 = vector.extract_strided_slice %get3A_52 {offsets = [7], sizes = [1], strides = [1]} : vector<16xi32> to vector<1xi32>
    %squeeze3A_114 = vector.extract %slice3A_113[0] : i32 from vector<1xi32>
    %sub3A_115 = arith.constant 8192 : i32
    %sub3A_116 = arith.subi %sub3A_115, %squeeze3A_114 : i32
    %max3A_117 = arith.constant 0 : i32
    %max3A_118 = arith.maxsi %sub3A_116, %max3A_117 : i32
    %min3A_119 = arith.constant 1 : i32
    %min3A_120 = arith.minsi %max3A_118, %min3A_119 : i32
    %add3A_121 = arith.addi %add3A_112, %min3A_120 : i32
    %slice3A_122 = vector.extract_strided_slice %get3A_52 {offsets = [8], sizes = [1], strides = [1]} : vector<16xi32> to vector<1xi32>
    %squeeze3A_123 = vector.extract %slice3A_122[0] : i32 from vector<1xi32>
    %sub3A_124 = arith.constant 8192 : i32
    %sub3A_125 = arith.subi %sub3A_124, %squeeze3A_123 : i32
    %max3A_126 = arith.constant 0 : i32
    %max3A_127 = arith.maxsi %sub3A_125, %max3A_126 : i32
    %min3A_128 = arith.constant 1 : i32
    %min3A_129 = arith.minsi %max3A_127, %min3A_128 : i32
    %add3A_130 = arith.addi %add3A_121, %min3A_129 : i32
    %slice3A_131 = vector.extract_strided_slice %get3A_52 {offsets = [9], sizes = [1], strides = [1]} : vector<16xi32> to vector<1xi32>
    %squeeze3A_132 = vector.extract %slice3A_131[0] : i32 from vector<1xi32>
    %sub3A_133 = arith.constant 8192 : i32
    %sub3A_134 = arith.subi %sub3A_133, %squeeze3A_132 : i32
    %max3A_135 = arith.constant 0 : i32
    %max3A_136 = arith.maxsi %sub3A_134, %max3A_135 : i32
    %min3A_137 = arith.constant 1 : i32
    %min3A_138 = arith.minsi %max3A_136, %min3A_137 : i32
    %add3A_139 = arith.addi %add3A_130, %min3A_138 : i32
    %slice3A_140 = vector.extract_strided_slice %get3A_52 {offsets = [10], sizes = [1], strides = [1]} : vector<16xi32> to vector<1xi32>
    %squeeze3A_141 = vector.extract %slice3A_140[0] : i32 from vector<1xi32>
    %sub3A_142 = arith.constant 8192 : i32
    %sub3A_143 = arith.subi %sub3A_142, %squeeze3A_141 : i32
    %max3A_144 = arith.constant 0 : i32
    %max3A_145 = arith.maxsi %sub3A_143, %max3A_144 : i32
    %min3A_146 = arith.constant 1 : i32
    %min3A_147 = arith.minsi %max3A_145, %min3A_146 : i32
    %add3A_148 = arith.addi %add3A_139, %min3A_147 : i32
    %slice3A_149 = vector.extract_strided_slice %get3A_52 {offsets = [11], sizes = [1], strides = [1]} : vector<16xi32> to vector<1xi32>
    %squeeze3A_150 = vector.extract %slice3A_149[0] : i32 from vector<1xi32>
    %sub3A_151 = arith.constant 8192 : i32
    %sub3A_152 = arith.subi %sub3A_151, %squeeze3A_150 : i32
    %max3A_153 = arith.constant 0 : i32
    %max3A_154 = arith.maxsi %sub3A_152, %max3A_153 : i32
    %min3A_155 = arith.constant 1 : i32
    %min3A_156 = arith.minsi %max3A_154, %min3A_155 : i32
    %add3A_157 = arith.addi %add3A_148, %min3A_156 : i32
    %slice3A_158 = vector.extract_strided_slice %get3A_52 {offsets = [12], sizes = [1], strides = [1]} : vector<16xi32> to vector<1xi32>
    %squeeze3A_159 = vector.extract %slice3A_158[0] : i32 from vector<1xi32>
    %sub3A_160 = arith.constant 8192 : i32
    %sub3A_161 = arith.subi %sub3A_160, %squeeze3A_159 : i32
    %max3A_162 = arith.constant 0 : i32
    %max3A_163 = arith.maxsi %sub3A_161, %max3A_162 : i32
    %min3A_164 = arith.constant 1 : i32
    %min3A_165 = arith.minsi %max3A_163, %min3A_164 : i32
    %add3A_166 = arith.addi %add3A_157, %min3A_165 : i32
    %slice3A_167 = vector.extract_strided_slice %get3A_52 {offsets = [13], sizes = [1], strides = [1]} : vector<16xi32> to vector<1xi32>
    %squeeze3A_168 = vector.extract %slice3A_167[0] : i32 from vector<1xi32>
    %sub3A_169 = arith.constant 8192 : i32
    %sub3A_170 = arith.subi %sub3A_169, %squeeze3A_168 : i32
    %max3A_171 = arith.constant 0 : i32
    %max3A_172 = arith.maxsi %sub3A_170, %max3A_171 : i32
    %min3A_173 = arith.constant 1 : i32
    %min3A_174 = arith.minsi %max3A_172, %min3A_173 : i32
    %add3A_175 = arith.addi %add3A_166, %min3A_174 : i32
    %slice3A_176 = vector.extract_strided_slice %get3A_52 {offsets = [14], sizes = [1], strides = [1]} : vector<16xi32> to vector<1xi32>
    %squeeze3A_177 = vector.extract %slice3A_176[0] : i32 from vector<1xi32>
    %sub3A_178 = arith.constant 8192 : i32
    %sub3A_179 = arith.subi %sub3A_178, %squeeze3A_177 : i32
    %max3A_180 = arith.constant 0 : i32
    %max3A_181 = arith.maxsi %sub3A_179, %max3A_180 : i32
    %min3A_182 = arith.constant 1 : i32
    %min3A_183 = arith.minsi %max3A_181, %min3A_182 : i32
    %add3A_184 = arith.addi %add3A_175, %min3A_183 : i32
    %slice3A_185 = vector.extract_strided_slice %get3A_52 {offsets = [15], sizes = [1], strides = [1]} : vector<16xi32> to vector<1xi32>
    %squeeze3A_186 = vector.extract %slice3A_185[0] : i32 from vector<1xi32>
    %sub3A_187 = arith.constant 8192 : i32
    %sub3A_188 = arith.subi %sub3A_187, %squeeze3A_186 : i32
    %max3A_189 = arith.constant 0 : i32
    %max3A_190 = arith.maxsi %sub3A_188, %max3A_189 : i32
    %min3A_191 = arith.constant 1 : i32
    %min3A_192 = arith.minsi %max3A_190, %min3A_191 : i32
    %add3A_193 = arith.addi %add3A_184, %min3A_192 : i32
    %lt3A = arith.constant 0 : i32
    %lt3A_194 = arith.cmpi slt, %scan3A_45#0, %lt3A : i32
    %mul3A_195 = arith.constant 16 : i32
    %mul3A_196 = arith.muli %scan3A_45#0, %mul3A_195 : i32
    %add3A_197 = arith.addi %mul3A_196, %add3A_193 : i32
    %jit3A = arith.constant 0 : i32
    %select_n3A = arith.select %lt3A_194, %jit3A, %add3A_197 : i32
    %eq3A = arith.constant 0 : i32
    %eq3A_198 = arith.cmpi eq, %arg0, %eq3A : i32
    %jit3A_199 = arith.constant 0 : i32
    %select_n3A_200 = arith.select %eq3A_198, %jit3A_199, %select_n3A : i32
    %eq3A_201 = arith.constant 0 : i32
    %eq3A_202 = arith.cmpi eq, %arg0, %eq3A_201 : i32
    %jit3A_203 = arith.constant 320000 : i32
    %select_n3A_204 = arith.select %eq3A_202, %select_n3A, %jit3A_203 : i32
    %sub3A_205 = arith.subi %select_n3A_204, %select_n3A_200 : i32
    %mul3A_206 = arith.muli %arg1, %sub3A_205 : i32
    %jit3A_207 = arith.constant 16 : i32
    %div3A = arith.divsi %mul3A_206, %jit3A_207 : i32
    %sign3A = arith.constant 0 : i32
    %sign3A_208 = arith.cmpi sgt, %mul3A_206, %sign3A : i32
    %sign3A_209 = arith.extui %sign3A_208 : i1 to i32
    %sign3A_210 = arith.constant 0 : i32
    %sign3A_211 = arith.cmpi slt, %mul3A_206, %sign3A_210 : i32
    %sign3A_212 = arith.extui %sign3A_211 : i1 to i32
    %sign3A_213 = arith.subi %sign3A_209, %sign3A_212 : i32
    %sign3A_214 = arith.constant 0 : i32
    %sign3A_215 = arith.cmpi sgt, %jit3A_207, %sign3A_214 : i32
    %sign3A_216 = arith.extui %sign3A_215 : i1 to i32
    %sign3A_217 = arith.constant 0 : i32
    %sign3A_218 = arith.cmpi slt, %jit3A_207, %sign3A_217 : i32
    %sign3A_219 = arith.extui %sign3A_218 : i1 to i32
    %sign3A_220 = arith.subi %sign3A_216, %sign3A_219 : i32
    %ne3A = arith.cmpi ne, %sign3A_213, %sign3A_220 : i32
    %rem3A = arith.remsi %mul3A_206, %jit3A_207 : i32
    %ne3A_221 = arith.constant 0 : i32
    %ne3A_222 = arith.cmpi ne, %rem3A, %ne3A_221 : i32
    %and3A = arith.andi %ne3A, %ne3A_222 : i1
    %sub3A_223 = arith.constant 1 : i32
    %sub3A_224 = arith.subi %div3A, %sub3A_223 : i32
    %select_n3A_225 = arith.select %and3A, %sub3A_224, %div3A : i32
    %add3A_226 = arith.addi %select_n3A_200, %select_n3A_225 : i32
    %add3A_227 = arith.constant 1 : i32
    %add3A_228 = arith.addi %arg1, %add3A_227 : i32
    %mul3A_229 = arith.muli %add3A_228, %sub3A_205 : i32
    %jit3A_230 = arith.constant 16 : i32
    %div3A_231 = arith.divsi %mul3A_229, %jit3A_230 : i32
    %sign3A_232 = arith.constant 0 : i32
    %sign3A_233 = arith.cmpi sgt, %mul3A_229, %sign3A_232 : i32
    %sign3A_234 = arith.extui %sign3A_233 : i1 to i32
    %sign3A_235 = arith.constant 0 : i32
    %sign3A_236 = arith.cmpi slt, %mul3A_229, %sign3A_235 : i32
    %sign3A_237 = arith.extui %sign3A_236 : i1 to i32
    %sign3A_238 = arith.subi %sign3A_234, %sign3A_237 : i32
    %sign3A_239 = arith.constant 0 : i32
    %sign3A_240 = arith.cmpi sgt, %jit3A_230, %sign3A_239 : i32
    %sign3A_241 = arith.extui %sign3A_240 : i1 to i32
    %sign3A_242 = arith.constant 0 : i32
    %sign3A_243 = arith.cmpi slt, %jit3A_230, %sign3A_242 : i32
    %sign3A_244 = arith.extui %sign3A_243 : i1 to i32
    %sign3A_245 = arith.subi %sign3A_241, %sign3A_244 : i32
    %ne3A_246 = arith.cmpi ne, %sign3A_238, %sign3A_245 : i32
    %rem3A_247 = arith.remsi %mul3A_229, %jit3A_230 : i32
    %ne3A_248 = arith.constant 0 : i32
    %ne3A_249 = arith.cmpi ne, %rem3A_247, %ne3A_248 : i32
    %and3A_250 = arith.andi %ne3A_246, %ne3A_249 : i1
    %sub3A_251 = arith.constant 1 : i32
    %sub3A_252 = arith.subi %div3A_231, %sub3A_251 : i32
    %select_n3A_253 = arith.select %and3A_250, %sub3A_252, %div3A_231 : i32
    %add3A_254 = arith.addi %select_n3A_200, %select_n3A_253 : i32
    %rem3A_255 = arith.constant 8 : i32
    %rem3A_256 = arith.remsi %add3A_226, %rem3A_255 : i32
    %sub3A_257 = arith.subi %add3A_226, %rem3A_256 : i32
    %sub3A_258 = arith.subi %add3A_254, %sub3A_257 : i32
    %add3A_259 = arith.constant 127 : i32
    %add3A_260 = arith.addi %sub3A_258, %add3A_259 : i32
    %jit3A_261 = arith.constant 128 : i32
    %div3A_262 = arith.divsi %add3A_260, %jit3A_261 : i32
    %sign3A_263 = arith.constant 0 : i32
    %sign3A_264 = arith.cmpi sgt, %add3A_260, %sign3A_263 : i32
    %sign3A_265 = arith.extui %sign3A_264 : i1 to i32
    %sign3A_266 = arith.constant 0 : i32
    %sign3A_267 = arith.cmpi slt, %add3A_260, %sign3A_266 : i32
    %sign3A_268 = arith.extui %sign3A_267 : i1 to i32
    %sign3A_269 = arith.subi %sign3A_265, %sign3A_268 : i32
    %sign3A_270 = arith.constant 0 : i32
    %sign3A_271 = arith.cmpi sgt, %jit3A_261, %sign3A_270 : i32
    %sign3A_272 = arith.extui %sign3A_271 : i1 to i32
    %sign3A_273 = arith.constant 0 : i32
    %sign3A_274 = arith.cmpi slt, %jit3A_261, %sign3A_273 : i32
    %sign3A_275 = arith.extui %sign3A_274 : i1 to i32
    %sign3A_276 = arith.subi %sign3A_272, %sign3A_275 : i32
    %ne3A_277 = arith.cmpi ne, %sign3A_269, %sign3A_276 : i32
    %rem3A_278 = arith.remsi %add3A_260, %jit3A_261 : i32
    %ne3A_279 = arith.constant 0 : i32
    %ne3A_280 = arith.cmpi ne, %rem3A_278, %ne3A_279 : i32
    %and3A_281 = arith.andi %ne3A_277, %ne3A_280 : i1
    %sub3A_282 = arith.constant 1 : i32
    %sub3A_283 = arith.subi %div3A_262, %sub3A_282 : i32
    %select_n3A_284 = arith.select %and3A_281, %sub3A_283, %div3A_262 : i32
    %mul3A_285 = arith.constant 8192 : i32
    %mul3A_286 = arith.muli %arg0, %mul3A_285 : i32
    %iota3A = tpu.iota {dimensions = array<i32: 0>} : vector<16xi32>
    %dma_wait3A = arith.constant 0 : i32
    %dma_wait3A_287 = tpu.memref_slice %arg5[%multiple_of3A, %dma_wait3A] : memref<8193x128xf32, #tpu.memory_space<vmem_shared>> -> memref<128x128xf32, #tpu.memory_space<vmem_shared>>
    %dma_wait3A_288 = arith.constant 0 : i32
    %dma_wait3A_289 = tpu.memref_slice %arg5[%multiple_of3A, %dma_wait3A_288] : memref<8193x128xf32, #tpu.memory_space<vmem_shared>> -> memref<128x128xf32, #tpu.memory_space<vmem_shared>>
    tpu.wait_dma2 semaphore(%arg19 : memref<!tpu.dma_semaphore, #tpu.memory_space<semaphore_mem>>) src(%arg6 : memref<128x128xf32, #tpu.memory_space<vmem>>) dst(%dma_wait3A_289 : memref<128x128xf32, #tpu.memory_space<vmem_shared>>)
    %dma_wait3A_290 = arith.constant 0 : i32
    %dma_wait3A_291 = tpu.memref_slice %arg5[%multiple_of3A_16, %dma_wait3A_290] : memref<8193x128xf32, #tpu.memory_space<vmem_shared>> -> memref<128x128xf32, #tpu.memory_space<vmem_shared>>
    %dma_wait3A_292 = arith.constant 0 : i32
    %dma_wait3A_293 = tpu.memref_slice %arg5[%multiple_of3A_16, %dma_wait3A_292] : memref<8193x128xf32, #tpu.memory_space<vmem_shared>> -> memref<128x128xf32, #tpu.memory_space<vmem_shared>>
    tpu.wait_dma2 semaphore(%arg19 : memref<!tpu.dma_semaphore, #tpu.memory_space<semaphore_mem>>) src(%arg6 : memref<128x128xf32, #tpu.memory_space<vmem>>) dst(%dma_wait3A_293 : memref<128x128xf32, #tpu.memory_space<vmem_shared>>)
    %dma_wait3A_294 = arith.constant 0 : i32
    %dma_wait3A_295 = tpu.memref_slice %arg5[%multiple_of3A_25, %dma_wait3A_294] : memref<8193x128xf32, #tpu.memory_space<vmem_shared>> -> memref<128x128xf32, #tpu.memory_space<vmem_shared>>
    %dma_wait3A_296 = arith.constant 0 : i32
    %dma_wait3A_297 = tpu.memref_slice %arg5[%multiple_of3A_25, %dma_wait3A_296] : memref<8193x128xf32, #tpu.memory_space<vmem_shared>> -> memref<128x128xf32, #tpu.memory_space<vmem_shared>>
    tpu.wait_dma2 semaphore(%arg19 : memref<!tpu.dma_semaphore, #tpu.memory_space<semaphore_mem>>) src(%arg6 : memref<128x128xf32, #tpu.memory_space<vmem>>) dst(%dma_wait3A_297 : memref<128x128xf32, #tpu.memory_space<vmem_shared>>)
    %dma_wait3A_298 = arith.constant 0 : i32
    %dma_wait3A_299 = tpu.memref_slice %arg5[%multiple_of3A_34, %dma_wait3A_298] : memref<8193x128xf32, #tpu.memory_space<vmem_shared>> -> memref<128x128xf32, #tpu.memory_space<vmem_shared>>
    %dma_wait3A_300 = arith.constant 0 : i32
    %dma_wait3A_301 = tpu.memref_slice %arg5[%multiple_of3A_34, %dma_wait3A_300] : memref<8193x128xf32, #tpu.memory_space<vmem_shared>> -> memref<128x128xf32, #tpu.memory_space<vmem_shared>>
    tpu.wait_dma2 semaphore(%arg19 : memref<!tpu.dma_semaphore, #tpu.memory_space<semaphore_mem>>) src(%arg6 : memref<128x128xf32, #tpu.memory_space<vmem>>) dst(%dma_wait3A_301 : memref<128x128xf32, #tpu.memory_space<vmem_shared>>)
    %lt3A_302 = arith.constant 0 : i32
    %lt3A_303 = arith.cmpi slt, %lt3A_302, %select_n3A_284 : i32
    %convert_element_type3A = arith.extui %lt3A_303 : i1 to i32
    %cond3A = arith.constant 0 : i32
    %cond3A_304 = arith.constant 0 : i32
    %cond3A_305 = arith.cmpi ne, %convert_element_type3A, %cond3A_304 : i32
    scf.if %cond3A_305 {
      %mul3A_370 = arith.constant 128 : i32
      %mul3A_371 = arith.muli %cond3A, %mul3A_370 : i32
      %add3A_372 = arith.addi %sub3A_257, %mul3A_371 : i32
      %min3A_373 = arith.constant 319872 : i32
      %min3A_374 = arith.minsi %add3A_372, %min3A_373 : i32
      %multiple_of3A_375 = tpu.assume_multiple %min3A_374, 8 : i32
      %dma_start3A_376 = arith.constant 0 : i32
      %dma_start3A_377 = tpu.memref_slice %arg2[%multiple_of3A_375, %dma_start3A_376] : memref<320000x128xf32, #tpu.memory_space<hbm>> -> memref<128x128xf32, #tpu.memory_space<hbm>>
      %dma_start3A_378 = arith.constant 0 : i32
      %dma_start3A_379 = tpu.memref_slice %arg2[%multiple_of3A_375, %dma_start3A_378] : memref<320000x128xf32, #tpu.memory_space<hbm>> -> memref<128x128xf32, #tpu.memory_space<hbm>>
      tpu.enqueue_dma source(%dma_start3A_379 : memref<128x128xf32, #tpu.memory_space<hbm>>) target(%arg6 : memref<128x128xf32, #tpu.memory_space<vmem>>) target_semaphore(%arg13 : memref<!tpu.dma_semaphore, #tpu.memory_space<semaphore_mem>>)
      %dma_start3A_380 = arith.constant 0 : i32
      %dma_start3A_381 = arith.constant 0 : i32
      %dma_start3A_382 = tpu.memref_slice %arg9[%dma_start3A_380, %dma_start3A_381] : memref<1x128xi32, #tpu.memory_space<vmem>> -> memref<1x128xi32, #tpu.memory_space<vmem>>
      %dma_start3A_383 = tpu.memref_squeeze %dma_start3A_382 : memref<1x128xi32, #tpu.memory_space<vmem>> -> memref<128xi32, #tpu.memory_space<vmem>>
      %dma_start3A_384 = tpu.memref_slice %arg3[%multiple_of3A_375] : memref<320000xi32, #tpu.memory_space<hbm>> -> memref<128xi32, #tpu.memory_space<hbm>>
      %dma_start3A_385 = arith.constant 0 : i32
      %dma_start3A_386 = tpu.memref_slice %arg9[%dma_start3A_380, %dma_start3A_385] : memref<1x128xi32, #tpu.memory_space<vmem>> -> memref<1x128xi32, #tpu.memory_space<vmem>>
      %dma_start3A_387 = tpu.memref_squeeze %dma_start3A_386 : memref<1x128xi32, #tpu.memory_space<vmem>> -> memref<128xi32, #tpu.memory_space<vmem>>
      %dma_start3A_388 = tpu.memref_slice %arg3[%multiple_of3A_375] : memref<320000xi32, #tpu.memory_space<hbm>> -> memref<128xi32, #tpu.memory_space<hbm>>
      tpu.enqueue_dma source(%dma_start3A_388 : memref<128xi32, #tpu.memory_space<hbm>>) target(%dma_start3A_387 : memref<128xi32, #tpu.memory_space<vmem>>) target_semaphore(%arg16 : memref<!tpu.dma_semaphore, #tpu.memory_space<semaphore_mem>>)
    } else {
    }
    %lt3A_306 = arith.constant 1 : i32
    %lt3A_307 = arith.cmpi slt, %lt3A_306, %select_n3A_284 : i32
    %convert_element_type3A_308 = arith.extui %lt3A_307 : i1 to i32
    %cond3A_309 = arith.constant 1 : i32
    %cond3A_310 = arith.constant 0 : i32
    %cond3A_311 = arith.cmpi ne, %convert_element_type3A_308, %cond3A_310 : i32
    scf.if %cond3A_311 {
      %mul3A_370 = arith.constant 128 : i32
      %mul3A_371 = arith.muli %cond3A_309, %mul3A_370 : i32
      %add3A_372 = arith.addi %sub3A_257, %mul3A_371 : i32
      %min3A_373 = arith.constant 319872 : i32
      %min3A_374 = arith.minsi %add3A_372, %min3A_373 : i32
      %multiple_of3A_375 = tpu.assume_multiple %min3A_374, 8 : i32
      %dma_start3A_376 = arith.constant 0 : i32
      %dma_start3A_377 = tpu.memref_slice %arg2[%multiple_of3A_375, %dma_start3A_376] : memref<320000x128xf32, #tpu.memory_space<hbm>> -> memref<128x128xf32, #tpu.memory_space<hbm>>
      %dma_start3A_378 = arith.constant 0 : i32
      %dma_start3A_379 = tpu.memref_slice %arg2[%multiple_of3A_375, %dma_start3A_378] : memref<320000x128xf32, #tpu.memory_space<hbm>> -> memref<128x128xf32, #tpu.memory_space<hbm>>
      tpu.enqueue_dma source(%dma_start3A_379 : memref<128x128xf32, #tpu.memory_space<hbm>>) target(%arg7 : memref<128x128xf32, #tpu.memory_space<vmem>>) target_semaphore(%arg14 : memref<!tpu.dma_semaphore, #tpu.memory_space<semaphore_mem>>)
      %dma_start3A_380 = arith.constant 0 : i32
      %dma_start3A_381 = arith.constant 0 : i32
      %dma_start3A_382 = tpu.memref_slice %arg10[%dma_start3A_380, %dma_start3A_381] : memref<1x128xi32, #tpu.memory_space<vmem>> -> memref<1x128xi32, #tpu.memory_space<vmem>>
      %dma_start3A_383 = tpu.memref_squeeze %dma_start3A_382 : memref<1x128xi32, #tpu.memory_space<vmem>> -> memref<128xi32, #tpu.memory_space<vmem>>
      %dma_start3A_384 = tpu.memref_slice %arg3[%multiple_of3A_375] : memref<320000xi32, #tpu.memory_space<hbm>> -> memref<128xi32, #tpu.memory_space<hbm>>
      %dma_start3A_385 = arith.constant 0 : i32
      %dma_start3A_386 = tpu.memref_slice %arg10[%dma_start3A_380, %dma_start3A_385] : memref<1x128xi32, #tpu.memory_space<vmem>> -> memref<1x128xi32, #tpu.memory_space<vmem>>
      %dma_start3A_387 = tpu.memref_squeeze %dma_start3A_386 : memref<1x128xi32, #tpu.memory_space<vmem>> -> memref<128xi32, #tpu.memory_space<vmem>>
      %dma_start3A_388 = tpu.memref_slice %arg3[%multiple_of3A_375] : memref<320000xi32, #tpu.memory_space<hbm>> -> memref<128xi32, #tpu.memory_space<hbm>>
      tpu.enqueue_dma source(%dma_start3A_388 : memref<128xi32, #tpu.memory_space<hbm>>) target(%dma_start3A_387 : memref<128xi32, #tpu.memory_space<vmem>>) target_semaphore(%arg17 : memref<!tpu.dma_semaphore, #tpu.memory_space<semaphore_mem>>)
    } else {
    }
    %barrier3A = arith.constant 0 : index
    tpu.barrier barrier_id(%barrier3A)
    %add3A_312 = arith.constant 3 : i32
    %add3A_313 = arith.addi %select_n3A_284, %add3A_312 : i32
    %sub3A_314 = arith.constant 1 : i32
    %sub3A_315 = arith.subi %add3A_313, %sub3A_314 : i32
    %jit3A_316 = arith.constant 3 : i32
    %div3A_317 = arith.divsi %sub3A_315, %jit3A_316 : i32
    %sign3A_318 = arith.constant 0 : i32
    %sign3A_319 = arith.cmpi sgt, %sub3A_315, %sign3A_318 : i32
    %sign3A_320 = arith.extui %sign3A_319 : i1 to i32
    %sign3A_321 = arith.constant 0 : i32
    %sign3A_322 = arith.cmpi slt, %sub3A_315, %sign3A_321 : i32
    %sign3A_323 = arith.extui %sign3A_322 : i1 to i32
    %sign3A_324 = arith.subi %sign3A_320, %sign3A_323 : i32
    %sign3A_325 = arith.constant 0 : i32
    %sign3A_326 = arith.cmpi sgt, %jit3A_316, %sign3A_325 : i32
    %sign3A_327 = arith.extui %sign3A_326 : i1 to i32
    %sign3A_328 = arith.constant 0 : i32
    %sign3A_329 = arith.cmpi slt, %jit3A_316, %sign3A_328 : i32
    %sign3A_330 = arith.extui %sign3A_329 : i1 to i32
    %sign3A_331 = arith.subi %sign3A_327, %sign3A_330 : i32
    %ne3A_332 = arith.cmpi ne, %sign3A_324, %sign3A_331 : i32
    %rem3A_333 = arith.remsi %sub3A_315, %jit3A_316 : i32
    %ne3A_334 = arith.constant 0 : i32
    %ne3A_335 = arith.cmpi ne, %rem3A_333, %ne3A_334 : i32
    %and3A_336 = arith.andi %ne3A_332, %ne3A_335 : i1
    %sub3A_337 = arith.constant 1 : i32
    %sub3A_338 = arith.subi %div3A_317, %sub3A_337 : i32
    %select_n3A_339 = arith.select %and3A_336, %sub3A_338, %div3A_317 : i32
    %while3A = arith.constant 0 : i32
    %while3A_340 = arith.constant 0 : i32
    %while3A_341 = arith.subi %select_n3A_339, %while3A : i32
    %while3A_342 = arith.addi %while3A, %while3A_341 : i32
    %while3A_343 = arith.constant 1 : i32
    %while3A_344 = arith.divsi %while3A_341, %while3A_343 : i32
    %while3A_345 = arith.muli %while3A_344, %while3A_343 : i32
    %while3A_346 = arith.addi %while3A, %while3A_345 : i32
    %while3A_347 = arith.constant 1 : i32
    %while3A_348 = scf.for %while3A_370 = %while3A to %while3A_346 step %while3A_347 iter_args(%while3A_371 = %while3A_340) -> (i32)  : i32 {
      %mul3A_372 = arith.constant 3 : i32
      %mul3A_373 = arith.muli %while3A_370, %mul3A_372 : i32
      %add3A_374 = arith.constant 0 : i32
      %add3A_375 = arith.addi %mul3A_373, %add3A_374 : i32
      %lt3A_376 = arith.cmpi slt, %add3A_375, %select_n3A_284 : i32
      %convert_element_type3A_377 = arith.extui %lt3A_376 : i1 to i32
      %cond3A_378 = arith.constant 0 : i32
      %cond3A_379 = arith.cmpi ne, %convert_element_type3A_377, %cond3A_378 : i32
      scf.if %cond3A_379 {
        %dma_wait3A_441 = arith.constant 0 : i32
        %dma_wait3A_442 = arith.constant 0 : i32
        %dma_wait3A_443 = tpu.memref_slice %arg2[%dma_wait3A_441, %dma_wait3A_442] : memref<320000x128xf32, #tpu.memory_space<hbm>> -> memref<128x128xf32, #tpu.memory_space<hbm>>
        %dma_wait3A_444 = arith.constant 0 : i32
        %dma_wait3A_445 = arith.constant 0 : i32
        %dma_wait3A_446 = tpu.memref_slice %arg2[%dma_wait3A_444, %dma_wait3A_445] : memref<320000x128xf32, #tpu.memory_space<hbm>> -> memref<128x128xf32, #tpu.memory_space<hbm>>
        tpu.wait_dma2 semaphore(%arg13 : memref<!tpu.dma_semaphore, #tpu.memory_space<semaphore_mem>>) src(%dma_wait3A_446 : memref<128x128xf32, #tpu.memory_space<hbm>>) dst(%arg6 : memref<128x128xf32, #tpu.memory_space<vmem>>)
        %dma_wait3A_447 = arith.constant 0 : i32
        %dma_wait3A_448 = arith.constant 0 : i32
        %dma_wait3A_449 = tpu.memref_slice %arg9[%dma_wait3A_447, %dma_wait3A_448] : memref<1x128xi32, #tpu.memory_space<vmem>> -> memref<1x128xi32, #tpu.memory_space<vmem>>
        %dma_wait3A_450 = tpu.memref_squeeze %dma_wait3A_449 : memref<1x128xi32, #tpu.memory_space<vmem>> -> memref<128xi32, #tpu.memory_space<vmem>>
        %dma_wait3A_451 = arith.constant 0 : i32
        %dma_wait3A_452 = tpu.memref_slice %arg3[%dma_wait3A_451] : memref<320000xi32, #tpu.memory_space<hbm>> -> memref<128xi32, #tpu.memory_space<hbm>>
        %dma_wait3A_453 = arith.constant 0 : i32
        %dma_wait3A_454 = tpu.memref_slice %arg9[%dma_wait3A_447, %dma_wait3A_453] : memref<1x128xi32, #tpu.memory_space<vmem>> -> memref<1x128xi32, #tpu.memory_space<vmem>>
        %dma_wait3A_455 = tpu.memref_squeeze %dma_wait3A_454 : memref<1x128xi32, #tpu.memory_space<vmem>> -> memref<128xi32, #tpu.memory_space<vmem>>
        %dma_wait3A_456 = arith.constant 0 : i32
        %dma_wait3A_457 = tpu.memref_slice %arg3[%dma_wait3A_456] : memref<320000xi32, #tpu.memory_space<hbm>> -> memref<128xi32, #tpu.memory_space<hbm>>
        tpu.wait_dma2 semaphore(%arg16 : memref<!tpu.dma_semaphore, #tpu.memory_space<semaphore_mem>>) src(%dma_wait3A_457 : memref<128xi32, #tpu.memory_space<hbm>>) dst(%dma_wait3A_455 : memref<128xi32, #tpu.memory_space<vmem>>)
        %mul3A_458 = arith.constant 128 : i32
        %mul3A_459 = arith.muli %add3A_375, %mul3A_458 : i32
        %add3A_460 = arith.addi %sub3A_257, %mul3A_459 : i32
        %min3A_461 = arith.constant 319872 : i32
        %min3A_462 = arith.minsi %add3A_460, %min3A_461 : i32
        %multiple_of3A_463 = tpu.assume_multiple %min3A_462, 8 : i32
        %mul3A_464 = arith.constant 128 : i32
        %mul3A_465 = arith.muli %add3A_375, %mul3A_464 : i32
        %add3A_466 = arith.addi %sub3A_257, %mul3A_465 : i32
        %max3A_467 = arith.maxsi %add3A_466, %add3A_226 : i32
        %mul3A_468 = arith.constant 128 : i32
        %mul3A_469 = arith.muli %add3A_375, %mul3A_468 : i32
        %add3A_470 = arith.addi %sub3A_257, %mul3A_469 : i32
        %add3A_471 = arith.constant 128 : i32
        %add3A_472 = arith.addi %add3A_470, %add3A_471 : i32
        %min3A_473 = arith.minsi %add3A_472, %add3A_254 : i32
        %get3A_474 = arith.constant 0 : i32
        %get3A_475 = arith.index_cast %get3A_474 : i32 to index
        %get3A_476 = arith.constant 0 : index
        %get3A_477 = tpu.vector_load %arg9[%get3A_475, %get3A_476] {strides = array<i32>} : memref<1x128xi32, #tpu.memory_space<vmem>>, vector<1x16xi32>,
        %get3A_478 = vector.shape_cast %get3A_477 : vector<1x16xi32> to vector<16xi32>
        %add3A_479 = arith.constant 0 : i32
        %add3A_480 = arith.addi %multiple_of3A_463, %add3A_479 : i32
        %add3A_481 = vector.broadcast %add3A_480 : i32 to vector<16xi32>
        %add3A_482 = arith.addi %add3A_481, %iota3A : vector<16xi32>
        %ge3A_483 = vector.broadcast %max3A_467 : i32 to vector<16xi32>
        %ge3A_484 = arith.cmpi sge, %add3A_482, %ge3A_483 : vector<16xi32>
        %lt3A_485 = vector.broadcast %min3A_473 : i32 to vector<16xi32>
        %lt3A_486 = arith.cmpi slt, %add3A_482, %lt3A_485 : vector<16xi32>
        %and3A_487 = arith.andi %ge3A_484, %lt3A_486 : vector<16xi1>
        %sub3A_488 = vector.broadcast %mul3A_286 : i32 to vector<16xi32>
        %sub3A_489 = arith.subi %get3A_478, %sub3A_488 : vector<16xi32>
        %jit3A_490 = arith.constant 8192 : i32
        %broadcast_in_dim3A_491 = vector.broadcast %jit3A_490 : i32 to vector<16xi32>
        %select_n3A_492 = arith.select %and3A_487, %sub3A_489, %broadcast_in_dim3A_491 : vector<16xi1>, vector<16xi32>
        %swap3A = arith.constant 0 : i32
        %swap3A_493 = arith.index_cast %swap3A : i32 to index
        %swap3A_494 = arith.constant 0 : index
        %swap3A_495 = tpu.vector_load %arg9[%swap3A_493, %swap3A_494] {strides = array<i32>} : memref<1x128xi32, #tpu.memory_space<vmem>>, vector<1x16xi32>,
        %swap3A_496 = vector.shape_cast %swap3A_495 : vector<1x16xi32> to vector<16xi32>
        %swap3A_497 = vector.shape_cast %select_n3A_492 : vector<16xi32> to vector<1x16xi32>
        tpu.vector_store %arg9[%swap3A_493, %swap3A_494], %swap3A_497 {strides = array<i32>} : memref<1x128xi32, #tpu.memory_space<vmem>>, vector<1x16xi32>,
        %get3A_498 = arith.constant 0 : i32
        %get3A_499 = arith.index_cast %get3A_498 : i32 to index
        %get3A_500 = arith.constant 16 : index
        %get3A_501 = tpu.vector_load %arg9[%get3A_499, %get3A_500] {strides = array<i32>} : memref<1x128xi32, #tpu.memory_space<vmem>>, vector<1x16xi32>,
        %get3A_502 = vector.shape_cast %get3A_501 : vector<1x16xi32> to vector<16xi32>
        %add3A_503 = arith.constant 16 : i32
        %add3A_504 = arith.addi %multiple_of3A_463, %add3A_503 : i32
        %add3A_505 = vector.broadcast %add3A_504 : i32 to vector<16xi32>
        %add3A_506 = arith.addi %add3A_505, %iota3A : vector<16xi32>
        %ge3A_507 = vector.broadcast %max3A_467 : i32 to vector<16xi32>
        %ge3A_508 = arith.cmpi sge, %add3A_506, %ge3A_507 : vector<16xi32>
        %lt3A_509 = vector.broadcast %min3A_473 : i32 to vector<16xi32>
        %lt3A_510 = arith.cmpi slt, %add3A_506, %lt3A_509 : vector<16xi32>
        %and3A_511 = arith.andi %ge3A_508, %lt3A_510 : vector<16xi1>
        %sub3A_512 = vector.broadcast %mul3A_286 : i32 to vector<16xi32>
        %sub3A_513 = arith.subi %get3A_502, %sub3A_512 : vector<16xi32>
        %jit3A_514 = arith.constant 8192 : i32
        %broadcast_in_dim3A_515 = vector.broadcast %jit3A_514 : i32 to vector<16xi32>
        %select_n3A_516 = arith.select %and3A_511, %sub3A_513, %broadcast_in_dim3A_515 : vector<16xi1>, vector<16xi32>
        %swap3A_517 = arith.constant 0 : i32
        %swap3A_518 = arith.index_cast %swap3A_517 : i32 to index
        %swap3A_519 = arith.constant 16 : index
        %swap3A_520 = tpu.vector_load %arg9[%swap3A_518, %swap3A_519] {strides = array<i32>} : memref<1x128xi32, #tpu.memory_space<vmem>>, vector<1x16xi32>,
        %swap3A_521 = vector.shape_cast %swap3A_520 : vector<1x16xi32> to vector<16xi32>
        %swap3A_522 = vector.shape_cast %select_n3A_516 : vector<16xi32> to vector<1x16xi32>
        tpu.vector_store %arg9[%swap3A_518, %swap3A_519], %swap3A_522 {strides = array<i32>} : memref<1x128xi32, #tpu.memory_space<vmem>>, vector<1x16xi32>,
        %get3A_523 = arith.constant 0 : i32
        %get3A_524 = arith.index_cast %get3A_523 : i32 to index
        %get3A_525 = arith.constant 32 : index
        %get3A_526 = tpu.vector_load %arg9[%get3A_524, %get3A_525] {strides = array<i32>} : memref<1x128xi32, #tpu.memory_space<vmem>>, vector<1x16xi32>,
        %get3A_527 = vector.shape_cast %get3A_526 : vector<1x16xi32> to vector<16xi32>
        %add3A_528 = arith.constant 32 : i32
        %add3A_529 = arith.addi %multiple_of3A_463, %add3A_528 : i32
        %add3A_530 = vector.broadcast %add3A_529 : i32 to vector<16xi32>
        %add3A_531 = arith.addi %add3A_530, %iota3A : vector<16xi32>
        %ge3A_532 = vector.broadcast %max3A_467 : i32 to vector<16xi32>
        %ge3A_533 = arith.cmpi sge, %add3A_531, %ge3A_532 : vector<16xi32>
        %lt3A_534 = vector.broadcast %min3A_473 : i32 to vector<16xi32>
        %lt3A_535 = arith.cmpi slt, %add3A_531, %lt3A_534 : vector<16xi32>
        %and3A_536 = arith.andi %ge3A_533, %lt3A_535 : vector<16xi1>
        %sub3A_537 = vector.broadcast %mul3A_286 : i32 to vector<16xi32>
        %sub3A_538 = arith.subi %get3A_527, %sub3A_537 : vector<16xi32>
        %jit3A_539 = arith.constant 8192 : i32
        %broadcast_in_dim3A_540 = vector.broadcast %jit3A_539 : i32 to vector<16xi32>
        %select_n3A_541 = arith.select %and3A_536, %sub3A_538, %broadcast_in_dim3A_540 : vector<16xi1>, vector<16xi32>
        %swap3A_542 = arith.constant 0 : i32
        %swap3A_543 = arith.index_cast %swap3A_542 : i32 to index
        %swap3A_544 = arith.constant 32 : index
        %swap3A_545 = tpu.vector_load %arg9[%swap3A_543, %swap3A_544] {strides = array<i32>} : memref<1x128xi32, #tpu.memory_space<vmem>>, vector<1x16xi32>,
        %swap3A_546 = vector.shape_cast %swap3A_545 : vector<1x16xi32> to vector<16xi32>
        %swap3A_547 = vector.shape_cast %select_n3A_541 : vector<16xi32> to vector<1x16xi32>
        tpu.vector_store %arg9[%swap3A_543, %swap3A_544], %swap3A_547 {strides = array<i32>} : memref<1x128xi32, #tpu.memory_space<vmem>>, vector<1x16xi32>,
        %get3A_548 = arith.constant 0 : i32
        %get3A_549 = arith.index_cast %get3A_548 : i32 to index
        %get3A_550 = arith.constant 48 : index
        %get3A_551 = tpu.vector_load %arg9[%get3A_549, %get3A_550] {strides = array<i32>} : memref<1x128xi32, #tpu.memory_space<vmem>>, vector<1x16xi32>,
        %get3A_552 = vector.shape_cast %get3A_551 : vector<1x16xi32> to vector<16xi32>
        %add3A_553 = arith.constant 48 : i32
        %add3A_554 = arith.addi %multiple_of3A_463, %add3A_553 : i32
        %add3A_555 = vector.broadcast %add3A_554 : i32 to vector<16xi32>
        %add3A_556 = arith.addi %add3A_555, %iota3A : vector<16xi32>
        %ge3A_557 = vector.broadcast %max3A_467 : i32 to vector<16xi32>
        %ge3A_558 = arith.cmpi sge, %add3A_556, %ge3A_557 : vector<16xi32>
        %lt3A_559 = vector.broadcast %min3A_473 : i32 to vector<16xi32>
        %lt3A_560 = arith.cmpi slt, %add3A_556, %lt3A_559 : vector<16xi32>
        %and3A_561 = arith.andi %ge3A_558, %lt3A_560 : vector<16xi1>
        %sub3A_562 = vector.broadcast %mul3A_286 : i32 to vector<16xi32>
        %sub3A_563 = arith.subi %get3A_552, %sub3A_562 : vector<16xi32>
        %jit3A_564 = arith.constant 8192 : i32
        %broadcast_in_dim3A_565 = vector.broadcast %jit3A_564 : i32 to vector<16xi32>
        %select_n3A_566 = arith.select %and3A_561, %sub3A_563, %broadcast_in_dim3A_565 : vector<16xi1>, vector<16xi32>
        %swap3A_567 = arith.constant 0 : i32
        %swap3A_568 = arith.index_cast %swap3A_567 : i32 to index
        %swap3A_569 = arith.constant 48 : index
        %swap3A_570 = tpu.vector_load %arg9[%swap3A_568, %swap3A_569] {strides = array<i32>} : memref<1x128xi32, #tpu.memory_space<vmem>>, vector<1x16xi32>,
        %swap3A_571 = vector.shape_cast %swap3A_570 : vector<1x16xi32> to vector<16xi32>
        %swap3A_572 = vector.shape_cast %select_n3A_566 : vector<16xi32> to vector<1x16xi32>
        tpu.vector_store %arg9[%swap3A_568, %swap3A_569], %swap3A_572 {strides = array<i32>} : memref<1x128xi32, #tpu.memory_space<vmem>>, vector<1x16xi32>,
        %get3A_573 = arith.constant 0 : i32
        %get3A_574 = arith.index_cast %get3A_573 : i32 to index
        %get3A_575 = arith.constant 64 : index
        %get3A_576 = tpu.vector_load %arg9[%get3A_574, %get3A_575] {strides = array<i32>} : memref<1x128xi32, #tpu.memory_space<vmem>>, vector<1x16xi32>,
        %get3A_577 = vector.shape_cast %get3A_576 : vector<1x16xi32> to vector<16xi32>
        %add3A_578 = arith.constant 64 : i32
        %add3A_579 = arith.addi %multiple_of3A_463, %add3A_578 : i32
        %add3A_580 = vector.broadcast %add3A_579 : i32 to vector<16xi32>
        %add3A_581 = arith.addi %add3A_580, %iota3A : vector<16xi32>
        %ge3A_582 = vector.broadcast %max3A_467 : i32 to vector<16xi32>
        %ge3A_583 = arith.cmpi sge, %add3A_581, %ge3A_582 : vector<16xi32>
        %lt3A_584 = vector.broadcast %min3A_473 : i32 to vector<16xi32>
        %lt3A_585 = arith.cmpi slt, %add3A_581, %lt3A_584 : vector<16xi32>
        %and3A_586 = arith.andi %ge3A_583, %lt3A_585 : vector<16xi1>
        %sub3A_587 = vector.broadcast %mul3A_286 : i32 to vector<16xi32>
        %sub3A_588 = arith.subi %get3A_577, %sub3A_587 : vector<16xi32>
        %jit3A_589 = arith.constant 8192 : i32
        %broadcast_in_dim3A_590 = vector.broadcast %jit3A_589 : i32 to vector<16xi32>
        %select_n3A_591 = arith.select %and3A_586, %sub3A_588, %broadcast_in_dim3A_590 : vector<16xi1>, vector<16xi32>
        %swap3A_592 = arith.constant 0 : i32
        %swap3A_593 = arith.index_cast %swap3A_592 : i32 to index
        %swap3A_594 = arith.constant 64 : index
        %swap3A_595 = tpu.vector_load %arg9[%swap3A_593, %swap3A_594] {strides = array<i32>} : memref<1x128xi32, #tpu.memory_space<vmem>>, vector<1x16xi32>,
        %swap3A_596 = vector.shape_cast %swap3A_595 : vector<1x16xi32> to vector<16xi32>
        %swap3A_597 = vector.shape_cast %select_n3A_591 : vector<16xi32> to vector<1x16xi32>
        tpu.vector_store %arg9[%swap3A_593, %swap3A_594], %swap3A_597 {strides = array<i32>} : memref<1x128xi32, #tpu.memory_space<vmem>>, vector<1x16xi32>,
        %get3A_598 = arith.constant 0 : i32
        %get3A_599 = arith.index_cast %get3A_598 : i32 to index
        %get3A_600 = arith.constant 80 : index
        %get3A_601 = tpu.vector_load %arg9[%get3A_599, %get3A_600] {strides = array<i32>} : memref<1x128xi32, #tpu.memory_space<vmem>>, vector<1x16xi32>,
        %get3A_602 = vector.shape_cast %get3A_601 : vector<1x16xi32> to vector<16xi32>
        %add3A_603 = arith.constant 80 : i32
        %add3A_604 = arith.addi %multiple_of3A_463, %add3A_603 : i32
        %add3A_605 = vector.broadcast %add3A_604 : i32 to vector<16xi32>
        %add3A_606 = arith.addi %add3A_605, %iota3A : vector<16xi32>
        %ge3A_607 = vector.broadcast %max3A_467 : i32 to vector<16xi32>
        %ge3A_608 = arith.cmpi sge, %add3A_606, %ge3A_607 : vector<16xi32>
        %lt3A_609 = vector.broadcast %min3A_473 : i32 to vector<16xi32>
        %lt3A_610 = arith.cmpi slt, %add3A_606, %lt3A_609 : vector<16xi32>
        %and3A_611 = arith.andi %ge3A_608, %lt3A_610 : vector<16xi1>
        %sub3A_612 = vector.broadcast %mul3A_286 : i32 to vector<16xi32>
        %sub3A_613 = arith.subi %get3A_602, %sub3A_612 : vector<16xi32>
        %jit3A_614 = arith.constant 8192 : i32
        %broadcast_in_dim3A_615 = vector.broadcast %jit3A_614 : i32 to vector<16xi32>
        %select_n3A_616 = arith.select %and3A_611, %sub3A_613, %broadcast_in_dim3A_615 : vector<16xi1>, vector<16xi32>
        %swap3A_617 = arith.constant 0 : i32
        %swap3A_618 = arith.index_cast %swap3A_617 : i32 to index
        %swap3A_619 = arith.constant 80 : index
        %swap3A_620 = tpu.vector_load %arg9[%swap3A_618, %swap3A_619] {strides = array<i32>} : memref<1x128xi32, #tpu.memory_space<vmem>>, vector<1x16xi32>,
        %swap3A_621 = vector.shape_cast %swap3A_620 : vector<1x16xi32> to vector<16xi32>
        %swap3A_622 = vector.shape_cast %select_n3A_616 : vector<16xi32> to vector<1x16xi32>
        tpu.vector_store %arg9[%swap3A_618, %swap3A_619], %swap3A_622 {strides = array<i32>} : memref<1x128xi32, #tpu.memory_space<vmem>>, vector<1x16xi32>,
        %get3A_623 = arith.constant 0 : i32
        %get3A_624 = arith.index_cast %get3A_623 : i32 to index
        %get3A_625 = arith.constant 96 : index
        %get3A_626 = tpu.vector_load %arg9[%get3A_624, %get3A_625] {strides = array<i32>} : memref<1x128xi32, #tpu.memory_space<vmem>>, vector<1x16xi32>,
        %get3A_627 = vector.shape_cast %get3A_626 : vector<1x16xi32> to vector<16xi32>
        %add3A_628 = arith.constant 96 : i32
        %add3A_629 = arith.addi %multiple_of3A_463, %add3A_628 : i32
        %add3A_630 = vector.broadcast %add3A_629 : i32 to vector<16xi32>
        %add3A_631 = arith.addi %add3A_630, %iota3A : vector<16xi32>
        %ge3A_632 = vector.broadcast %max3A_467 : i32 to vector<16xi32>
        %ge3A_633 = arith.cmpi sge, %add3A_631, %ge3A_632 : vector<16xi32>
        %lt3A_634 = vector.broadcast %min3A_473 : i32 to vector<16xi32>
        %lt3A_635 = arith.cmpi slt, %add3A_631, %lt3A_634 : vector<16xi32>
        %and3A_636 = arith.andi %ge3A_633, %lt3A_635 : vector<16xi1>
        %sub3A_637 = vector.broadcast %mul3A_286 : i32 to vector<16xi32>
        %sub3A_638 = arith.subi %get3A_627, %sub3A_637 : vector<16xi32>
        %jit3A_639 = arith.constant 8192 : i32
        %broadcast_in_dim3A_640 = vector.broadcast %jit3A_639 : i32 to vector<16xi32>
        %select_n3A_641 = arith.select %and3A_636, %sub3A_638, %broadcast_in_dim3A_640 : vector<16xi1>, vector<16xi32>
        %swap3A_642 = arith.constant 0 : i32
        %swap3A_643 = arith.index_cast %swap3A_642 : i32 to index
        %swap3A_644 = arith.constant 96 : index
        %swap3A_645 = tpu.vector_load %arg9[%swap3A_643, %swap3A_644] {strides = array<i32>} : memref<1x128xi32, #tpu.memory_space<vmem>>, vector<1x16xi32>,
        %swap3A_646 = vector.shape_cast %swap3A_645 : vector<1x16xi32> to vector<16xi32>
        %swap3A_647 = vector.shape_cast %select_n3A_641 : vector<16xi32> to vector<1x16xi32>
        tpu.vector_store %arg9[%swap3A_643, %swap3A_644], %swap3A_647 {strides = array<i32>} : memref<1x128xi32, #tpu.memory_space<vmem>>, vector<1x16xi32>,
        %get3A_648 = arith.constant 0 : i32
        %get3A_649 = arith.index_cast %get3A_648 : i32 to index
        %get3A_650 = arith.constant 112 : index
        %get3A_651 = tpu.vector_load %arg9[%get3A_649, %get3A_650] {strides = array<i32>} : memref<1x128xi32, #tpu.memory_space<vmem>>, vector<1x16xi32>,
        %get3A_652 = vector.shape_cast %get3A_651 : vector<1x16xi32> to vector<16xi32>
        %add3A_653 = arith.constant 112 : i32
        %add3A_654 = arith.addi %multiple_of3A_463, %add3A_653 : i32
        %add3A_655 = vector.broadcast %add3A_654 : i32 to vector<16xi32>
        %add3A_656 = arith.addi %add3A_655, %iota3A : vector<16xi32>
        %ge3A_657 = vector.broadcast %max3A_467 : i32 to vector<16xi32>
        %ge3A_658 = arith.cmpi sge, %add3A_656, %ge3A_657 : vector<16xi32>
        %lt3A_659 = vector.broadcast %min3A_473 : i32 to vector<16xi32>
        %lt3A_660 = arith.cmpi slt, %add3A_656, %lt3A_659 : vector<16xi32>
        %and3A_661 = arith.andi %ge3A_658, %lt3A_660 : vector<16xi1>
        %sub3A_662 = vector.broadcast %mul3A_286 : i32 to vector<16xi32>
        %sub3A_663 = arith.subi %get3A_652, %sub3A_662 : vector<16xi32>
        %jit3A_664 = arith.constant 8192 : i32
        %broadcast_in_dim3A_665 = vector.broadcast %jit3A_664 : i32 to vector<16xi32>
        %select_n3A_666 = arith.select %and3A_661, %sub3A_663, %broadcast_in_dim3A_665 : vector<16xi1>, vector<16xi32>
        %swap3A_667 = arith.constant 0 : i32
        %swap3A_668 = arith.index_cast %swap3A_667 : i32 to index
        %swap3A_669 = arith.constant 112 : index
        %swap3A_670 = tpu.vector_load %arg9[%swap3A_668, %swap3A_669] {strides = array<i32>} : memref<1x128xi32, #tpu.memory_space<vmem>>, vector<1x16xi32>,
        %swap3A_671 = vector.shape_cast %swap3A_670 : vector<1x16xi32> to vector<16xi32>
        %swap3A_672 = vector.shape_cast %select_n3A_666 : vector<16xi32> to vector<1x16xi32>
        tpu.vector_store %arg9[%swap3A_668, %swap3A_669], %swap3A_672 {strides = array<i32>} : memref<1x128xi32, #tpu.memory_space<vmem>>, vector<1x16xi32>,
        %dma_start3A_673 = arith.constant 0 : i32
        %dma_start3A_674 = arith.constant 0 : i32
        %dma_start3A_675 = tpu.memref_slice %arg9[%dma_start3A_673, %dma_start3A_674] : memref<1x128xi32, #tpu.memory_space<vmem>> -> memref<1x128xi32, #tpu.memory_space<vmem>>
        %dma_start3A_676 = tpu.memref_squeeze %dma_start3A_675 : memref<1x128xi32, #tpu.memory_space<vmem>> -> memref<128xi32, #tpu.memory_space<vmem>>
        %dma_start3A_677 = arith.constant 0 : i32
        %dma_start3A_678 = arith.constant 0 : i32
        %dma_start3A_679 = tpu.memref_slice %arg5[%dma_start3A_677, %dma_start3A_678] : memref<8193x128xf32, #tpu.memory_space<vmem_shared>> -> memref<8193x128xf32, #tpu.memory_space<vmem_shared>>
        tpu.enqueue_indirect_dma source(%arg6 : memref<128x128xf32, #tpu.memory_space<vmem>>) target(%dma_start3A_679 : memref<8193x128xf32, #tpu.memory_space<vmem_shared>>) offsets(%dma_start3A_676 : memref<128xi32, #tpu.memory_space<vmem>>) semaphore(%arg19 : memref<!tpu.dma_semaphore, #tpu.memory_space<semaphore_mem>>) {add = true}
      } else {
      }
      %sub3A_380 = arith.constant 1 : i32
      %sub3A_381 = arith.subi %add3A_375, %sub3A_380 : i32
      %ge3A = arith.constant 0 : i32
      %ge3A_382 = arith.cmpi sge, %sub3A_381, %ge3A : i32
      %lt3A_383 = arith.cmpi slt, %sub3A_381, %select_n3A_284 : i32
      %and3A_384 = arith.andi %ge3A_382, %lt3A_383 : i1
      %convert_element_type3A_385 = arith.extui %and3A_384 : i1 to i32
      %cond3A_386 = arith.constant 0 : i32
      %cond3A_387 = arith.cmpi ne, %convert_element_type3A_385, %cond3A_386 : i32
      scf.if %cond3A_387 {
        %dma_wait3A_441 = arith.constant 0 : i32
        %dma_wait3A_442 = arith.constant 0 : i32
        %dma_wait3A_443 = tpu.memref_slice %arg11[%dma_wait3A_441, %dma_wait3A_442] : memref<1x128xi32, #tpu.memory_space<vmem>> -> memref<1x128xi32, #tpu.memory_space<vmem>>
        %dma_wait3A_444 = tpu.memref_squeeze %dma_wait3A_443 : memref<1x128xi32, #tpu.memory_space<vmem>> -> memref<128xi32, #tpu.memory_space<vmem>>
        %dma_wait3A_445 = arith.constant 0 : i32
        %dma_wait3A_446 = arith.constant 0 : i32
        %dma_wait3A_447 = tpu.memref_slice %arg5[%dma_wait3A_445, %dma_wait3A_446] : memref<8193x128xf32, #tpu.memory_space<vmem_shared>> -> memref<8193x128xf32, #tpu.memory_space<vmem_shared>>
        tpu.wait_indirect_dma semaphore(%arg21 : memref<!tpu.dma_semaphore, #tpu.memory_space<semaphore_mem>>) src(%arg8 : memref<128x128xf32, #tpu.memory_space<vmem>>) dst(%dma_wait3A_447 : memref<8193x128xf32, #tpu.memory_space<vmem_shared>>)
      } else {
      }
      %add3A_388 = arith.constant 2 : i32
      %add3A_389 = arith.addi %add3A_375, %add3A_388 : i32
      %lt3A_390 = arith.cmpi slt, %add3A_389, %select_n3A_284 : i32
      %convert_element_type3A_391 = arith.extui %lt3A_390 : i1 to i32
      %cond3A_392 = arith.constant 0 : i32
      %cond3A_393 = arith.cmpi ne, %convert_element_type3A_391, %cond3A_392 : i32
      scf.if %cond3A_393 {
        %mul3A_441 = arith.constant 128 : i32
        %mul3A_442 = arith.muli %add3A_389, %mul3A_441 : i32
        %add3A_443 = arith.addi %sub3A_257, %mul3A_442 : i32
        %min3A_444 = arith.constant 319872 : i32
        %min3A_445 = arith.minsi %add3A_443, %min3A_444 : i32
        %multiple_of3A_446 = tpu.assume_multiple %min3A_445, 8 : i32
        %dma_start3A_447 = arith.constant 0 : i32
        %dma_start3A_448 = tpu.memref_slice %arg2[%multiple_of3A_446, %dma_start3A_447] : memref<320000x128xf32, #tpu.memory_space<hbm>> -> memref<128x128xf32, #tpu.memory_space<hbm>>
        %dma_start3A_449 = arith.constant 0 : i32
        %dma_start3A_450 = tpu.memref_slice %arg2[%multiple_of3A_446, %dma_start3A_449] : memref<320000x128xf32, #tpu.memory_space<hbm>> -> memref<128x128xf32, #tpu.memory_space<hbm>>
        tpu.enqueue_dma source(%dma_start3A_450 : memref<128x128xf32, #tpu.memory_space<hbm>>) target(%arg8 : memref<128x128xf32, #tpu.memory_space<vmem>>) target_semaphore(%arg15 : memref<!tpu.dma_semaphore, #tpu.memory_space<semaphore_mem>>)
        %dma_start3A_451 = arith.constant 0 : i32
        %dma_start3A_452 = arith.constant 0 : i32
        %dma_start3A_453 = tpu.memref_slice %arg11[%dma_start3A_451, %dma_start3A_452] : memref<1x128xi32, #tpu.memory_space<vmem>> -> memref<1x128xi32, #tpu.memory_space<vmem>>
        %dma_start3A_454 = tpu.memref_squeeze %dma_start3A_453 : memref<1x128xi32, #tpu.memory_space<vmem>> -> memref<128xi32, #tpu.memory_space<vmem>>
        %dma_start3A_455 = tpu.memref_slice %arg3[%multiple_of3A_446] : memref<320000xi32, #tpu.memory_space<hbm>> -> memref<128xi32, #tpu.memory_space<hbm>>
        %dma_start3A_456 = arith.constant 0 : i32
        %dma_start3A_457 = tpu.memref_slice %arg11[%dma_start3A_451, %dma_start3A_456] : memref<1x128xi32, #tpu.memory_space<vmem>> -> memref<1x128xi32, #tpu.memory_space<vmem>>
        %dma_start3A_458 = tpu.memref_squeeze %dma_start3A_457 : memref<1x128xi32, #tpu.memory_space<vmem>> -> memref<128xi32, #tpu.memory_space<vmem>>
        %dma_start3A_459 = tpu.memref_slice %arg3[%multiple_of3A_446] : memref<320000xi32, #tpu.memory_space<hbm>> -> memref<128xi32, #tpu.memory_space<hbm>>
        tpu.enqueue_dma source(%dma_start3A_459 : memref<128xi32, #tpu.memory_space<hbm>>) target(%dma_start3A_458 : memref<128xi32, #tpu.memory_space<vmem>>) target_semaphore(%arg18 : memref<!tpu.dma_semaphore, #tpu.memory_space<semaphore_mem>>)
      } else {
      }
      %mul3A_394 = arith.constant 3 : i32
      %mul3A_395 = arith.muli %while3A_370, %mul3A_394 : i32
      %add3A_396 = arith.constant 1 : i32
      %add3A_397 = arith.addi %mul3A_395, %add3A_396 : i32
      %lt3A_398 = arith.cmpi slt, %add3A_397, %select_n3A_284 : i32
      %convert_element_type3A_399 = arith.extui %lt3A_398 : i1 to i32
      %cond3A_400 = arith.constant 0 : i32
      %cond3A_401 = arith.cmpi ne, %convert_element_type3A_399, %cond3A_400 : i32
      scf.if %cond3A_401 {
        %dma_wait3A_441 = arith.constant 0 : i32
        %dma_wait3A_442 = arith.constant 0 : i32
        %dma_wait3A_443 = tpu.memref_slice %arg2[%dma_wait3A_441, %dma_wait3A_442] : memref<320000x128xf32, #tpu.memory_space<hbm>> -> memref<128x128xf32, #tpu.memory_space<hbm>>
        %dma_wait3A_444 = arith.constant 0 : i32
        %dma_wait3A_445 = arith.constant 0 : i32
        %dma_wait3A_446 = tpu.memref_slice %arg2[%dma_wait3A_444, %dma_wait3A_445] : memref<320000x128xf32, #tpu.memory_space<hbm>> -> memref<128x128xf32, #tpu.memory_space<hbm>>
        tpu.wait_dma2 semaphore(%arg14 : memref<!tpu.dma_semaphore, #tpu.memory_space<semaphore_mem>>) src(%dma_wait3A_446 : memref<128x128xf32, #tpu.memory_space<hbm>>) dst(%arg7 : memref<128x128xf32, #tpu.memory_space<vmem>>)
        %dma_wait3A_447 = arith.constant 0 : i32
        %dma_wait3A_448 = arith.constant 0 : i32
        %dma_wait3A_449 = tpu.memref_slice %arg10[%dma_wait3A_447, %dma_wait3A_448] : memref<1x128xi32, #tpu.memory_space<vmem>> -> memref<1x128xi32, #tpu.memory_space<vmem>>
        %dma_wait3A_450 = tpu.memref_squeeze %dma_wait3A_449 : memref<1x128xi32, #tpu.memory_space<vmem>> -> memref<128xi32, #tpu.memory_space<vmem>>
        %dma_wait3A_451 = arith.constant 0 : i32
        %dma_wait3A_452 = tpu.memref_slice %arg3[%dma_wait3A_451] : memref<320000xi32, #tpu.memory_space<hbm>> -> memref<128xi32, #tpu.memory_space<hbm>>
        %dma_wait3A_453 = arith.constant 0 : i32
        %dma_wait3A_454 = tpu.memref_slice %arg10[%dma_wait3A_447, %dma_wait3A_453] : memref<1x128xi32, #tpu.memory_space<vmem>> -> memref<1x128xi32, #tpu.memory_space<vmem>>
        %dma_wait3A_455 = tpu.memref_squeeze %dma_wait3A_454 : memref<1x128xi32, #tpu.memory_space<vmem>> -> memref<128xi32, #tpu.memory_space<vmem>>
        %dma_wait3A_456 = arith.constant 0 : i32
        %dma_wait3A_457 = tpu.memref_slice %arg3[%dma_wait3A_456] : memref<320000xi32, #tpu.memory_space<hbm>> -> memref<128xi32, #tpu.memory_space<hbm>>
        tpu.wait_dma2 semaphore(%arg17 : memref<!tpu.dma_semaphore, #tpu.memory_space<semaphore_mem>>) src(%dma_wait3A_457 : memref<128xi32, #tpu.memory_space<hbm>>) dst(%dma_wait3A_455 : memref<128xi32, #tpu.memory_space<vmem>>)
        %mul3A_458 = arith.constant 128 : i32
        %mul3A_459 = arith.muli %add3A_397, %mul3A_458 : i32
        %add3A_460 = arith.addi %sub3A_257, %mul3A_459 : i32
        %min3A_461 = arith.constant 319872 : i32
        %min3A_462 = arith.minsi %add3A_460, %min3A_461 : i32
        %multiple_of3A_463 = tpu.assume_multiple %min3A_462, 8 : i32
        %mul3A_464 = arith.constant 128 : i32
        %mul3A_465 = arith.muli %add3A_397, %mul3A_464 : i32
        %add3A_466 = arith.addi %sub3A_257, %mul3A_465 : i32
        %max3A_467 = arith.maxsi %add3A_466, %add3A_226 : i32
        %mul3A_468 = arith.constant 128 : i32
        %mul3A_469 = arith.muli %add3A_397, %mul3A_468 : i32
        %add3A_470 = arith.addi %sub3A_257, %mul3A_469 : i32
        %add3A_471 = arith.constant 128 : i32
        %add3A_472 = arith.addi %add3A_470, %add3A_471 : i32
        %min3A_473 = arith.minsi %add3A_472, %add3A_254 : i32
        %get3A_474 = arith.constant 0 : i32
        %get3A_475 = arith.index_cast %get3A_474 : i32 to index
        %get3A_476 = arith.constant 0 : index
        %get3A_477 = tpu.vector_load %arg10[%get3A_475, %get3A_476] {strides = array<i32>} : memref<1x128xi32, #tpu.memory_space<vmem>>, vector<1x16xi32>,
        %get3A_478 = vector.shape_cast %get3A_477 : vector<1x16xi32> to vector<16xi32>
        %add3A_479 = arith.constant 0 : i32
        %add3A_480 = arith.addi %multiple_of3A_463, %add3A_479 : i32
        %add3A_481 = vector.broadcast %add3A_480 : i32 to vector<16xi32>
        %add3A_482 = arith.addi %add3A_481, %iota3A : vector<16xi32>
        %ge3A_483 = vector.broadcast %max3A_467 : i32 to vector<16xi32>
        %ge3A_484 = arith.cmpi sge, %add3A_482, %ge3A_483 : vector<16xi32>
        %lt3A_485 = vector.broadcast %min3A_473 : i32 to vector<16xi32>
        %lt3A_486 = arith.cmpi slt, %add3A_482, %lt3A_485 : vector<16xi32>
        %and3A_487 = arith.andi %ge3A_484, %lt3A_486 : vector<16xi1>
        %sub3A_488 = vector.broadcast %mul3A_286 : i32 to vector<16xi32>
        %sub3A_489 = arith.subi %get3A_478, %sub3A_488 : vector<16xi32>
        %jit3A_490 = arith.constant 8192 : i32
        %broadcast_in_dim3A_491 = vector.broadcast %jit3A_490 : i32 to vector<16xi32>
        %select_n3A_492 = arith.select %and3A_487, %sub3A_489, %broadcast_in_dim3A_491 : vector<16xi1>, vector<16xi32>
        %swap3A = arith.constant 0 : i32
        %swap3A_493 = arith.index_cast %swap3A : i32 to index
        %swap3A_494 = arith.constant 0 : index
        %swap3A_495 = tpu.vector_load %arg10[%swap3A_493, %swap3A_494] {strides = array<i32>} : memref<1x128xi32, #tpu.memory_space<vmem>>, vector<1x16xi32>,
        %swap3A_496 = vector.shape_cast %swap3A_495 : vector<1x16xi32> to vector<16xi32>
        %swap3A_497 = vector.shape_cast %select_n3A_492 : vector<16xi32> to vector<1x16xi32>
        tpu.vector_store %arg10[%swap3A_493, %swap3A_494], %swap3A_497 {strides = array<i32>} : memref<1x128xi32, #tpu.memory_space<vmem>>, vector<1x16xi32>,
        %get3A_498 = arith.constant 0 : i32
        %get3A_499 = arith.index_cast %get3A_498 : i32 to index
        %get3A_500 = arith.constant 16 : index
        %get3A_501 = tpu.vector_load %arg10[%get3A_499, %get3A_500] {strides = array<i32>} : memref<1x128xi32, #tpu.memory_space<vmem>>, vector<1x16xi32>,
        %get3A_502 = vector.shape_cast %get3A_501 : vector<1x16xi32> to vector<16xi32>
        %add3A_503 = arith.constant 16 : i32
        %add3A_504 = arith.addi %multiple_of3A_463, %add3A_503 : i32
        %add3A_505 = vector.broadcast %add3A_504 : i32 to vector<16xi32>
        %add3A_506 = arith.addi %add3A_505, %iota3A : vector<16xi32>
        %ge3A_507 = vector.broadcast %max3A_467 : i32 to vector<16xi32>
        %ge3A_508 = arith.cmpi sge, %add3A_506, %ge3A_507 : vector<16xi32>
        %lt3A_509 = vector.broadcast %min3A_473 : i32 to vector<16xi32>
        %lt3A_510 = arith.cmpi slt, %add3A_506, %lt3A_509 : vector<16xi32>
        %and3A_511 = arith.andi %ge3A_508, %lt3A_510 : vector<16xi1>
        %sub3A_512 = vector.broadcast %mul3A_286 : i32 to vector<16xi32>
        %sub3A_513 = arith.subi %get3A_502, %sub3A_512 : vector<16xi32>
        %jit3A_514 = arith.constant 8192 : i32
        %broadcast_in_dim3A_515 = vector.broadcast %jit3A_514 : i32 to vector<16xi32>
        %select_n3A_516 = arith.select %and3A_511, %sub3A_513, %broadcast_in_dim3A_515 : vector<16xi1>, vector<16xi32>
        %swap3A_517 = arith.constant 0 : i32
        %swap3A_518 = arith.index_cast %swap3A_517 : i32 to index
        %swap3A_519 = arith.constant 16 : index
        %swap3A_520 = tpu.vector_load %arg10[%swap3A_518, %swap3A_519] {strides = array<i32>} : memref<1x128xi32, #tpu.memory_space<vmem>>, vector<1x16xi32>,
        %swap3A_521 = vector.shape_cast %swap3A_520 : vector<1x16xi32> to vector<16xi32>
        %swap3A_522 = vector.shape_cast %select_n3A_516 : vector<16xi32> to vector<1x16xi32>
        tpu.vector_store %arg10[%swap3A_518, %swap3A_519], %swap3A_522 {strides = array<i32>} : memref<1x128xi32, #tpu.memory_space<vmem>>, vector<1x16xi32>,
        %get3A_523 = arith.constant 0 : i32
        %get3A_524 = arith.index_cast %get3A_523 : i32 to index
        %get3A_525 = arith.constant 32 : index
        %get3A_526 = tpu.vector_load %arg10[%get3A_524, %get3A_525] {strides = array<i32>} : memref<1x128xi32, #tpu.memory_space<vmem>>, vector<1x16xi32>,
        %get3A_527 = vector.shape_cast %get3A_526 : vector<1x16xi32> to vector<16xi32>
        %add3A_528 = arith.constant 32 : i32
        %add3A_529 = arith.addi %multiple_of3A_463, %add3A_528 : i32
        %add3A_530 = vector.broadcast %add3A_529 : i32 to vector<16xi32>
        %add3A_531 = arith.addi %add3A_530, %iota3A : vector<16xi32>
        %ge3A_532 = vector.broadcast %max3A_467 : i32 to vector<16xi32>
        %ge3A_533 = arith.cmpi sge, %add3A_531, %ge3A_532 : vector<16xi32>
        %lt3A_534 = vector.broadcast %min3A_473 : i32 to vector<16xi32>
        %lt3A_535 = arith.cmpi slt, %add3A_531, %lt3A_534 : vector<16xi32>
        %and3A_536 = arith.andi %ge3A_533, %lt3A_535 : vector<16xi1>
        %sub3A_537 = vector.broadcast %mul3A_286 : i32 to vector<16xi32>
        %sub3A_538 = arith.subi %get3A_527, %sub3A_537 : vector<16xi32>
        %jit3A_539 = arith.constant 8192 : i32
        %broadcast_in_dim3A_540 = vector.broadcast %jit3A_539 : i32 to vector<16xi32>
        %select_n3A_541 = arith.select %and3A_536, %sub3A_538, %broadcast_in_dim3A_540 : vector<16xi1>, vector<16xi32>
        %swap3A_542 = arith.constant 0 : i32
        %swap3A_543 = arith.index_cast %swap3A_542 : i32 to index
        %swap3A_544 = arith.constant 32 : index
        %swap3A_545 = tpu.vector_load %arg10[%swap3A_543, %swap3A_544] {strides = array<i32>} : memref<1x128xi32, #tpu.memory_space<vmem>>, vector<1x16xi32>,
        %swap3A_546 = vector.shape_cast %swap3A_545 : vector<1x16xi32> to vector<16xi32>
        %swap3A_547 = vector.shape_cast %select_n3A_541 : vector<16xi32> to vector<1x16xi32>
        tpu.vector_store %arg10[%swap3A_543, %swap3A_544], %swap3A_547 {strides = array<i32>} : memref<1x128xi32, #tpu.memory_space<vmem>>, vector<1x16xi32>,
        %get3A_548 = arith.constant 0 : i32
        %get3A_549 = arith.index_cast %get3A_548 : i32 to index
        %get3A_550 = arith.constant 48 : index
        %get3A_551 = tpu.vector_load %arg10[%get3A_549, %get3A_550] {strides = array<i32>} : memref<1x128xi32, #tpu.memory_space<vmem>>, vector<1x16xi32>,
        %get3A_552 = vector.shape_cast %get3A_551 : vector<1x16xi32> to vector<16xi32>
        %add3A_553 = arith.constant 48 : i32
        %add3A_554 = arith.addi %multiple_of3A_463, %add3A_553 : i32
        %add3A_555 = vector.broadcast %add3A_554 : i32 to vector<16xi32>
        %add3A_556 = arith.addi %add3A_555, %iota3A : vector<16xi32>
        %ge3A_557 = vector.broadcast %max3A_467 : i32 to vector<16xi32>
        %ge3A_558 = arith.cmpi sge, %add3A_556, %ge3A_557 : vector<16xi32>
        %lt3A_559 = vector.broadcast %min3A_473 : i32 to vector<16xi32>
        %lt3A_560 = arith.cmpi slt, %add3A_556, %lt3A_559 : vector<16xi32>
        %and3A_561 = arith.andi %ge3A_558, %lt3A_560 : vector<16xi1>
        %sub3A_562 = vector.broadcast %mul3A_286 : i32 to vector<16xi32>
        %sub3A_563 = arith.subi %get3A_552, %sub3A_562 : vector<16xi32>
        %jit3A_564 = arith.constant 8192 : i32
        %broadcast_in_dim3A_565 = vector.broadcast %jit3A_564 : i32 to vector<16xi32>
        %select_n3A_566 = arith.select %and3A_561, %sub3A_563, %broadcast_in_dim3A_565 : vector<16xi1>, vector<16xi32>
        %swap3A_567 = arith.constant 0 : i32
        %swap3A_568 = arith.index_cast %swap3A_567 : i32 to index
        %swap3A_569 = arith.constant 48 : index
        %swap3A_570 = tpu.vector_load %arg10[%swap3A_568, %swap3A_569] {strides = array<i32>} : memref<1x128xi32, #tpu.memory_space<vmem>>, vector<1x16xi32>,
        %swap3A_571 = vector.shape_cast %swap3A_570 : vector<1x16xi32> to vector<16xi32>
        %swap3A_572 = vector.shape_cast %select_n3A_566 : vector<16xi32> to vector<1x16xi32>
        tpu.vector_store %arg10[%swap3A_568, %swap3A_569], %swap3A_572 {strides = array<i32>} : memref<1x128xi32, #tpu.memory_space<vmem>>, vector<1x16xi32>,
        %get3A_573 = arith.constant 0 : i32
        %get3A_574 = arith.index_cast %get3A_573 : i32 to index
        %get3A_575 = arith.constant 64 : index
        %get3A_576 = tpu.vector_load %arg10[%get3A_574, %get3A_575] {strides = array<i32>} : memref<1x128xi32, #tpu.memory_space<vmem>>, vector<1x16xi32>,
        %get3A_577 = vector.shape_cast %get3A_576 : vector<1x16xi32> to vector<16xi32>
        %add3A_578 = arith.constant 64 : i32
        %add3A_579 = arith.addi %multiple_of3A_463, %add3A_578 : i32
        %add3A_580 = vector.broadcast %add3A_579 : i32 to vector<16xi32>
        %add3A_581 = arith.addi %add3A_580, %iota3A : vector<16xi32>
        %ge3A_582 = vector.broadcast %max3A_467 : i32 to vector<16xi32>
        %ge3A_583 = arith.cmpi sge, %add3A_581, %ge3A_582 : vector<16xi32>
        %lt3A_584 = vector.broadcast %min3A_473 : i32 to vector<16xi32>
        %lt3A_585 = arith.cmpi slt, %add3A_581, %lt3A_584 : vector<16xi32>
        %and3A_586 = arith.andi %ge3A_583, %lt3A_585 : vector<16xi1>
        %sub3A_587 = vector.broadcast %mul3A_286 : i32 to vector<16xi32>
        %sub3A_588 = arith.subi %get3A_577, %sub3A_587 : vector<16xi32>
        %jit3A_589 = arith.constant 8192 : i32
        %broadcast_in_dim3A_590 = vector.broadcast %jit3A_589 : i32 to vector<16xi32>
        %select_n3A_591 = arith.select %and3A_586, %sub3A_588, %broadcast_in_dim3A_590 : vector<16xi1>, vector<16xi32>
        %swap3A_592 = arith.constant 0 : i32
        %swap3A_593 = arith.index_cast %swap3A_592 : i32 to index
        %swap3A_594 = arith.constant 64 : index
        %swap3A_595 = tpu.vector_load %arg10[%swap3A_593, %swap3A_594] {strides = array<i32>} : memref<1x128xi32, #tpu.memory_space<vmem>>, vector<1x16xi32>,
        %swap3A_596 = vector.shape_cast %swap3A_595 : vector<1x16xi32> to vector<16xi32>
        %swap3A_597 = vector.shape_cast %select_n3A_591 : vector<16xi32> to vector<1x16xi32>
        tpu.vector_store %arg10[%swap3A_593, %swap3A_594], %swap3A_597 {strides = array<i32>} : memref<1x128xi32, #tpu.memory_space<vmem>>, vector<1x16xi32>,
        %get3A_598 = arith.constant 0 : i32
        %get3A_599 = arith.index_cast %get3A_598 : i32 to index
        %get3A_600 = arith.constant 80 : index
        %get3A_601 = tpu.vector_load %arg10[%get3A_599, %get3A_600] {strides = array<i32>} : memref<1x128xi32, #tpu.memory_space<vmem>>, vector<1x16xi32>,
        %get3A_602 = vector.shape_cast %get3A_601 : vector<1x16xi32> to vector<16xi32>
        %add3A_603 = arith.constant 80 : i32
        %add3A_604 = arith.addi %multiple_of3A_463, %add3A_603 : i32
        %add3A_605 = vector.broadcast %add3A_604 : i32 to vector<16xi32>
        %add3A_606 = arith.addi %add3A_605, %iota3A : vector<16xi32>
        %ge3A_607 = vector.broadcast %max3A_467 : i32 to vector<16xi32>
        %ge3A_608 = arith.cmpi sge, %add3A_606, %ge3A_607 : vector<16xi32>
        %lt3A_609 = vector.broadcast %min3A_473 : i32 to vector<16xi32>
        %lt3A_610 = arith.cmpi slt, %add3A_606, %lt3A_609 : vector<16xi32>
        %and3A_611 = arith.andi %ge3A_608, %lt3A_610 : vector<16xi1>
        %sub3A_612 = vector.broadcast %mul3A_286 : i32 to vector<16xi32>
        %sub3A_613 = arith.subi %get3A_602, %sub3A_612 : vector<16xi32>
        %jit3A_614 = arith.constant 8192 : i32
        %broadcast_in_dim3A_615 = vector.broadcast %jit3A_614 : i32 to vector<16xi32>
        %select_n3A_616 = arith.select %and3A_611, %sub3A_613, %broadcast_in_dim3A_615 : vector<16xi1>, vector<16xi32>
        %swap3A_617 = arith.constant 0 : i32
        %swap3A_618 = arith.index_cast %swap3A_617 : i32 to index
        %swap3A_619 = arith.constant 80 : index
        %swap3A_620 = tpu.vector_load %arg10[%swap3A_618, %swap3A_619] {strides = array<i32>} : memref<1x128xi32, #tpu.memory_space<vmem>>, vector<1x16xi32>,
        %swap3A_621 = vector.shape_cast %swap3A_620 : vector<1x16xi32> to vector<16xi32>
        %swap3A_622 = vector.shape_cast %select_n3A_616 : vector<16xi32> to vector<1x16xi32>
        tpu.vector_store %arg10[%swap3A_618, %swap3A_619], %swap3A_622 {strides = array<i32>} : memref<1x128xi32, #tpu.memory_space<vmem>>, vector<1x16xi32>,
        %get3A_623 = arith.constant 0 : i32
        %get3A_624 = arith.index_cast %get3A_623 : i32 to index
        %get3A_625 = arith.constant 96 : index
        %get3A_626 = tpu.vector_load %arg10[%get3A_624, %get3A_625] {strides = array<i32>} : memref<1x128xi32, #tpu.memory_space<vmem>>, vector<1x16xi32>,
        %get3A_627 = vector.shape_cast %get3A_626 : vector<1x16xi32> to vector<16xi32>
        %add3A_628 = arith.constant 96 : i32
        %add3A_629 = arith.addi %multiple_of3A_463, %add3A_628 : i32
        %add3A_630 = vector.broadcast %add3A_629 : i32 to vector<16xi32>
        %add3A_631 = arith.addi %add3A_630, %iota3A : vector<16xi32>
        %ge3A_632 = vector.broadcast %max3A_467 : i32 to vector<16xi32>
        %ge3A_633 = arith.cmpi sge, %add3A_631, %ge3A_632 : vector<16xi32>
        %lt3A_634 = vector.broadcast %min3A_473 : i32 to vector<16xi32>
        %lt3A_635 = arith.cmpi slt, %add3A_631, %lt3A_634 : vector<16xi32>
        %and3A_636 = arith.andi %ge3A_633, %lt3A_635 : vector<16xi1>
        %sub3A_637 = vector.broadcast %mul3A_286 : i32 to vector<16xi32>
        %sub3A_638 = arith.subi %get3A_627, %sub3A_637 : vector<16xi32>
        %jit3A_639 = arith.constant 8192 : i32
        %broadcast_in_dim3A_640 = vector.broadcast %jit3A_639 : i32 to vector<16xi32>
        %select_n3A_641 = arith.select %and3A_636, %sub3A_638, %broadcast_in_dim3A_640 : vector<16xi1>, vector<16xi32>
        %swap3A_642 = arith.constant 0 : i32
        %swap3A_643 = arith.index_cast %swap3A_642 : i32 to index
        %swap3A_644 = arith.constant 96 : index
        %swap3A_645 = tpu.vector_load %arg10[%swap3A_643, %swap3A_644] {strides = array<i32>} : memref<1x128xi32, #tpu.memory_space<vmem>>, vector<1x16xi32>,
        %swap3A_646 = vector.shape_cast %swap3A_645 : vector<1x16xi32> to vector<16xi32>
        %swap3A_647 = vector.shape_cast %select_n3A_641 : vector<16xi32> to vector<1x16xi32>
        tpu.vector_store %arg10[%swap3A_643, %swap3A_644], %swap3A_647 {strides = array<i32>} : memref<1x128xi32, #tpu.memory_space<vmem>>, vector<1x16xi32>,
        %get3A_648 = arith.constant 0 : i32
        %get3A_649 = arith.index_cast %get3A_648 : i32 to index
        %get3A_650 = arith.constant 112 : index
        %get3A_651 = tpu.vector_load %arg10[%get3A_649, %get3A_650] {strides = array<i32>} : memref<1x128xi32, #tpu.memory_space<vmem>>, vector<1x16xi32>,
        %get3A_652 = vector.shape_cast %get3A_651 : vector<1x16xi32> to vector<16xi32>
        %add3A_653 = arith.constant 112 : i32
        %add3A_654 = arith.addi %multiple_of3A_463, %add3A_653 : i32
        %add3A_655 = vector.broadcast %add3A_654 : i32 to vector<16xi32>
        %add3A_656 = arith.addi %add3A_655, %iota3A : vector<16xi32>
        %ge3A_657 = vector.broadcast %max3A_467 : i32 to vector<16xi32>
        %ge3A_658 = arith.cmpi sge, %add3A_656, %ge3A_657 : vector<16xi32>
        %lt3A_659 = vector.broadcast %min3A_473 : i32 to vector<16xi32>
        %lt3A_660 = arith.cmpi slt, %add3A_656, %lt3A_659 : vector<16xi32>
        %and3A_661 = arith.andi %ge3A_658, %lt3A_660 : vector<16xi1>
        %sub3A_662 = vector.broadcast %mul3A_286 : i32 to vector<16xi32>
        %sub3A_663 = arith.subi %get3A_652, %sub3A_662 : vector<16xi32>
        %jit3A_664 = arith.constant 8192 : i32
        %broadcast_in_dim3A_665 = vector.broadcast %jit3A_664 : i32 to vector<16xi32>
        %select_n3A_666 = arith.select %and3A_661, %sub3A_663, %broadcast_in_dim3A_665 : vector<16xi1>, vector<16xi32>
        %swap3A_667 = arith.constant 0 : i32
        %swap3A_668 = arith.index_cast %swap3A_667 : i32 to index
        %swap3A_669 = arith.constant 112 : index
        %swap3A_670 = tpu.vector_load %arg10[%swap3A_668, %swap3A_669] {strides = array<i32>} : memref<1x128xi32, #tpu.memory_space<vmem>>, vector<1x16xi32>,
        %swap3A_671 = vector.shape_cast %swap3A_670 : vector<1x16xi32> to vector<16xi32>
        %swap3A_672 = vector.shape_cast %select_n3A_666 : vector<16xi32> to vector<1x16xi32>
        tpu.vector_store %arg10[%swap3A_668, %swap3A_669], %swap3A_672 {strides = array<i32>} : memref<1x128xi32, #tpu.memory_space<vmem>>, vector<1x16xi32>,
        %dma_start3A_673 = arith.constant 0 : i32
        %dma_start3A_674 = arith.constant 0 : i32
        %dma_start3A_675 = tpu.memref_slice %arg10[%dma_start3A_673, %dma_start3A_674] : memref<1x128xi32, #tpu.memory_space<vmem>> -> memref<1x128xi32, #tpu.memory_space<vmem>>
        %dma_start3A_676 = tpu.memref_squeeze %dma_start3A_675 : memref<1x128xi32, #tpu.memory_space<vmem>> -> memref<128xi32, #tpu.memory_space<vmem>>
        %dma_start3A_677 = arith.constant 0 : i32
        %dma_start3A_678 = arith.constant 0 : i32
        %dma_start3A_679 = tpu.memref_slice %arg5[%dma_start3A_677, %dma_start3A_678] : memref<8193x128xf32, #tpu.memory_space<vmem_shared>> -> memref<8193x128xf32, #tpu.memory_space<vmem_shared>>
        tpu.enqueue_indirect_dma source(%arg7 : memref<128x128xf32, #tpu.memory_space<vmem>>) target(%dma_start3A_679 : memref<8193x128xf32, #tpu.memory_space<vmem_shared>>) offsets(%dma_start3A_676 : memref<128xi32, #tpu.memory_space<vmem>>) semaphore(%arg20 : memref<!tpu.dma_semaphore, #tpu.memory_space<semaphore_mem>>) {add = true}
      } else {
      }
      %sub3A_402 = arith.constant 1 : i32
      %sub3A_403 = arith.subi %add3A_397, %sub3A_402 : i32
      %ge3A_404 = arith.constant 0 : i32
      %ge3A_405 = arith.cmpi sge, %sub3A_403, %ge3A_404 : i32
      %lt3A_406 = arith.cmpi slt, %sub3A_403, %select_n3A_284 : i32
      %and3A_407 = arith.andi %ge3A_405, %lt3A_406 : i1
      %convert_element_type3A_408 = arith.extui %and3A_407 : i1 to i32
      %cond3A_409 = arith.constant 0 : i32
      %cond3A_410 = arith.cmpi ne, %convert_element_type3A_408, %cond3A_409 : i32
      scf.if %cond3A_410 {
        %dma_wait3A_441 = arith.constant 0 : i32
        %dma_wait3A_442 = arith.constant 0 : i32
        %dma_wait3A_443 = tpu.memref_slice %arg9[%dma_wait3A_441, %dma_wait3A_442] : memref<1x128xi32, #tpu.memory_space<vmem>> -> memref<1x128xi32, #tpu.memory_space<vmem>>
        %dma_wait3A_444 = tpu.memref_squeeze %dma_wait3A_443 : memref<1x128xi32, #tpu.memory_space<vmem>> -> memref<128xi32, #tpu.memory_space<vmem>>
        %dma_wait3A_445 = arith.constant 0 : i32
        %dma_wait3A_446 = arith.constant 0 : i32
        %dma_wait3A_447 = tpu.memref_slice %arg5[%dma_wait3A_445, %dma_wait3A_446] : memref<8193x128xf32, #tpu.memory_space<vmem_shared>> -> memref<8193x128xf32, #tpu.memory_space<vmem_shared>>
        tpu.wait_indirect_dma semaphore(%arg19 : memref<!tpu.dma_semaphore, #tpu.memory_space<semaphore_mem>>) src(%arg6 : memref<128x128xf32, #tpu.memory_space<vmem>>) dst(%dma_wait3A_447 : memref<8193x128xf32, #tpu.memory_space<vmem_shared>>)
      } else {
      }
      %add3A_411 = arith.constant 2 : i32
      %add3A_412 = arith.addi %add3A_397, %add3A_411 : i32
      %lt3A_413 = arith.cmpi slt, %add3A_412, %select_n3A_284 : i32
      %convert_element_type3A_414 = arith.extui %lt3A_413 : i1 to i32
      %cond3A_415 = arith.constant 0 : i32
      %cond3A_416 = arith.cmpi ne, %convert_element_type3A_414, %cond3A_415 : i32
      scf.if %cond3A_416 {
        %mul3A_441 = arith.constant 128 : i32
        %mul3A_442 = arith.muli %add3A_412, %mul3A_441 : i32
        %add3A_443 = arith.addi %sub3A_257, %mul3A_442 : i32
        %min3A_444 = arith.constant 319872 : i32
        %min3A_445 = arith.minsi %add3A_443, %min3A_444 : i32
        %multiple_of3A_446 = tpu.assume_multiple %min3A_445, 8 : i32
        %dma_start3A_447 = arith.constant 0 : i32
        %dma_start3A_448 = tpu.memref_slice %arg2[%multiple_of3A_446, %dma_start3A_447] : memref<320000x128xf32, #tpu.memory_space<hbm>> -> memref<128x128xf32, #tpu.memory_space<hbm>>
        %dma_start3A_449 = arith.constant 0 : i32
        %dma_start3A_450 = tpu.memref_slice %arg2[%multiple_of3A_446, %dma_start3A_449] : memref<320000x128xf32, #tpu.memory_space<hbm>> -> memref<128x128xf32, #tpu.memory_space<hbm>>
        tpu.enqueue_dma source(%dma_start3A_450 : memref<128x128xf32, #tpu.memory_space<hbm>>) target(%arg6 : memref<128x128xf32, #tpu.memory_space<vmem>>) target_semaphore(%arg13 : memref<!tpu.dma_semaphore, #tpu.memory_space<semaphore_mem>>)
        %dma_start3A_451 = arith.constant 0 : i32
        %dma_start3A_452 = arith.constant 0 : i32
        %dma_start3A_453 = tpu.memref_slice %arg9[%dma_start3A_451, %dma_start3A_452] : memref<1x128xi32, #tpu.memory_space<vmem>> -> memref<1x128xi32, #tpu.memory_space<vmem>>
        %dma_start3A_454 = tpu.memref_squeeze %dma_start3A_453 : memref<1x128xi32, #tpu.memory_space<vmem>> -> memref<128xi32, #tpu.memory_space<vmem>>
        %dma_start3A_455 = tpu.memref_slice %arg3[%multiple_of3A_446] : memref<320000xi32, #tpu.memory_space<hbm>> -> memref<128xi32, #tpu.memory_space<hbm>>
        %dma_start3A_456 = arith.constant 0 : i32
        %dma_start3A_457 = tpu.memref_slice %arg9[%dma_start3A_451, %dma_start3A_456] : memref<1x128xi32, #tpu.memory_space<vmem>> -> memref<1x128xi32, #tpu.memory_space<vmem>>
        %dma_start3A_458 = tpu.memref_squeeze %dma_start3A_457 : memref<1x128xi32, #tpu.memory_space<vmem>> -> memref<128xi32, #tpu.memory_space<vmem>>
        %dma_start3A_459 = tpu.memref_slice %arg3[%multiple_of3A_446] : memref<320000xi32, #tpu.memory_space<hbm>> -> memref<128xi32, #tpu.memory_space<hbm>>
        tpu.enqueue_dma source(%dma_start3A_459 : memref<128xi32, #tpu.memory_space<hbm>>) target(%dma_start3A_458 : memref<128xi32, #tpu.memory_space<vmem>>) target_semaphore(%arg16 : memref<!tpu.dma_semaphore, #tpu.memory_space<semaphore_mem>>)
      } else {
      }
      %mul3A_417 = arith.constant 3 : i32
      %mul3A_418 = arith.muli %while3A_370, %mul3A_417 : i32
      %add3A_419 = arith.constant 2 : i32
      %add3A_420 = arith.addi %mul3A_418, %add3A_419 : i32
      %lt3A_421 = arith.cmpi slt, %add3A_420, %select_n3A_284 : i32
      %convert_element_type3A_422 = arith.extui %lt3A_421 : i1 to i32
      %cond3A_423 = arith.constant 0 : i32
      %cond3A_424 = arith.cmpi ne, %convert_element_type3A_422, %cond3A_423 : i32
      scf.if %cond3A_424 {
        %dma_wait3A_441 = arith.constant 0 : i32
        %dma_wait3A_442 = arith.constant 0 : i32
        %dma_wait3A_443 = tpu.memref_slice %arg2[%dma_wait3A_441, %dma_wait3A_442] : memref<320000x128xf32, #tpu.memory_space<hbm>> -> memref<128x128xf32, #tpu.memory_space<hbm>>
        %dma_wait3A_444 = arith.constant 0 : i32
        %dma_wait3A_445 = arith.constant 0 : i32
        %dma_wait3A_446 = tpu.memref_slice %arg2[%dma_wait3A_444, %dma_wait3A_445] : memref<320000x128xf32, #tpu.memory_space<hbm>> -> memref<128x128xf32, #tpu.memory_space<hbm>>
        tpu.wait_dma2 semaphore(%arg15 : memref<!tpu.dma_semaphore, #tpu.memory_space<semaphore_mem>>) src(%dma_wait3A_446 : memref<128x128xf32, #tpu.memory_space<hbm>>) dst(%arg8 : memref<128x128xf32, #tpu.memory_space<vmem>>)
        %dma_wait3A_447 = arith.constant 0 : i32
        %dma_wait3A_448 = arith.constant 0 : i32
        %dma_wait3A_449 = tpu.memref_slice %arg11[%dma_wait3A_447, %dma_wait3A_448] : memref<1x128xi32, #tpu.memory_space<vmem>> -> memref<1x128xi32, #tpu.memory_space<vmem>>
        %dma_wait3A_450 = tpu.memref_squeeze %dma_wait3A_449 : memref<1x128xi32, #tpu.memory_space<vmem>> -> memref<128xi32, #tpu.memory_space<vmem>>
        %dma_wait3A_451 = arith.constant 0 : i32
        %dma_wait3A_452 = tpu.memref_slice %arg3[%dma_wait3A_451] : memref<320000xi32, #tpu.memory_space<hbm>> -> memref<128xi32, #tpu.memory_space<hbm>>
        %dma_wait3A_453 = arith.constant 0 : i32
        %dma_wait3A_454 = tpu.memref_slice %arg11[%dma_wait3A_447, %dma_wait3A_453] : memref<1x128xi32, #tpu.memory_space<vmem>> -> memref<1x128xi32, #tpu.memory_space<vmem>>
        %dma_wait3A_455 = tpu.memref_squeeze %dma_wait3A_454 : memref<1x128xi32, #tpu.memory_space<vmem>> -> memref<128xi32, #tpu.memory_space<vmem>>
        %dma_wait3A_456 = arith.constant 0 : i32
        %dma_wait3A_457 = tpu.memref_slice %arg3[%dma_wait3A_456] : memref<320000xi32, #tpu.memory_space<hbm>> -> memref<128xi32, #tpu.memory_space<hbm>>
        tpu.wait_dma2 semaphore(%arg18 : memref<!tpu.dma_semaphore, #tpu.memory_space<semaphore_mem>>) src(%dma_wait3A_457 : memref<128xi32, #tpu.memory_space<hbm>>) dst(%dma_wait3A_455 : memref<128xi32, #tpu.memory_space<vmem>>)
        %mul3A_458 = arith.constant 128 : i32
        %mul3A_459 = arith.muli %add3A_420, %mul3A_458 : i32
        %add3A_460 = arith.addi %sub3A_257, %mul3A_459 : i32
        %min3A_461 = arith.constant 319872 : i32
        %min3A_462 = arith.minsi %add3A_460, %min3A_461 : i32
        %multiple_of3A_463 = tpu.assume_multiple %min3A_462, 8 : i32
        %mul3A_464 = arith.constant 128 : i32
        %mul3A_465 = arith.muli %add3A_420, %mul3A_464 : i32
        %add3A_466 = arith.addi %sub3A_257, %mul3A_465 : i32
        %max3A_467 = arith.maxsi %add3A_466, %add3A_226 : i32
        %mul3A_468 = arith.constant 128 : i32
        %mul3A_469 = arith.muli %add3A_420, %mul3A_468 : i32
        %add3A_470 = arith.addi %sub3A_257, %mul3A_469 : i32
        %add3A_471 = arith.constant 128 : i32
        %add3A_472 = arith.addi %add3A_470, %add3A_471 : i32
        %min3A_473 = arith.minsi %add3A_472, %add3A_254 : i32
        %get3A_474 = arith.constant 0 : i32
        %get3A_475 = arith.index_cast %get3A_474 : i32 to index
        %get3A_476 = arith.constant 0 : index
        %get3A_477 = tpu.vector_load %arg11[%get3A_475, %get3A_476] {strides = array<i32>} : memref<1x128xi32, #tpu.memory_space<vmem>>, vector<1x16xi32>,
        %get3A_478 = vector.shape_cast %get3A_477 : vector<1x16xi32> to vector<16xi32>
        %add3A_479 = arith.constant 0 : i32
        %add3A_480 = arith.addi %multiple_of3A_463, %add3A_479 : i32
        %add3A_481 = vector.broadcast %add3A_480 : i32 to vector<16xi32>
        %add3A_482 = arith.addi %add3A_481, %iota3A : vector<16xi32>
        %ge3A_483 = vector.broadcast %max3A_467 : i32 to vector<16xi32>
        %ge3A_484 = arith.cmpi sge, %add3A_482, %ge3A_483 : vector<16xi32>
        %lt3A_485 = vector.broadcast %min3A_473 : i32 to vector<16xi32>
        %lt3A_486 = arith.cmpi slt, %add3A_482, %lt3A_485 : vector<16xi32>
        %and3A_487 = arith.andi %ge3A_484, %lt3A_486 : vector<16xi1>
        %sub3A_488 = vector.broadcast %mul3A_286 : i32 to vector<16xi32>
        %sub3A_489 = arith.subi %get3A_478, %sub3A_488 : vector<16xi32>
        %jit3A_490 = arith.constant 8192 : i32
        %broadcast_in_dim3A_491 = vector.broadcast %jit3A_490 : i32 to vector<16xi32>
        %select_n3A_492 = arith.select %and3A_487, %sub3A_489, %broadcast_in_dim3A_491 : vector<16xi1>, vector<16xi32>
        %swap3A = arith.constant 0 : i32
        %swap3A_493 = arith.index_cast %swap3A : i32 to index
        %swap3A_494 = arith.constant 0 : index
        %swap3A_495 = tpu.vector_load %arg11[%swap3A_493, %swap3A_494] {strides = array<i32>} : memref<1x128xi32, #tpu.memory_space<vmem>>, vector<1x16xi32>,
        %swap3A_496 = vector.shape_cast %swap3A_495 : vector<1x16xi32> to vector<16xi32>
        %swap3A_497 = vector.shape_cast %select_n3A_492 : vector<16xi32> to vector<1x16xi32>
        tpu.vector_store %arg11[%swap3A_493, %swap3A_494], %swap3A_497 {strides = array<i32>} : memref<1x128xi32, #tpu.memory_space<vmem>>, vector<1x16xi32>,
        %get3A_498 = arith.constant 0 : i32
        %get3A_499 = arith.index_cast %get3A_498 : i32 to index
        %get3A_500 = arith.constant 16 : index
        %get3A_501 = tpu.vector_load %arg11[%get3A_499, %get3A_500] {strides = array<i32>} : memref<1x128xi32, #tpu.memory_space<vmem>>, vector<1x16xi32>,
        %get3A_502 = vector.shape_cast %get3A_501 : vector<1x16xi32> to vector<16xi32>
        %add3A_503 = arith.constant 16 : i32
        %add3A_504 = arith.addi %multiple_of3A_463, %add3A_503 : i32
        %add3A_505 = vector.broadcast %add3A_504 : i32 to vector<16xi32>
        %add3A_506 = arith.addi %add3A_505, %iota3A : vector<16xi32>
        %ge3A_507 = vector.broadcast %max3A_467 : i32 to vector<16xi32>
        %ge3A_508 = arith.cmpi sge, %add3A_506, %ge3A_507 : vector<16xi32>
        %lt3A_509 = vector.broadcast %min3A_473 : i32 to vector<16xi32>
        %lt3A_510 = arith.cmpi slt, %add3A_506, %lt3A_509 : vector<16xi32>
        %and3A_511 = arith.andi %ge3A_508, %lt3A_510 : vector<16xi1>
        %sub3A_512 = vector.broadcast %mul3A_286 : i32 to vector<16xi32>
        %sub3A_513 = arith.subi %get3A_502, %sub3A_512 : vector<16xi32>
        %jit3A_514 = arith.constant 8192 : i32
        %broadcast_in_dim3A_515 = vector.broadcast %jit3A_514 : i32 to vector<16xi32>
        %select_n3A_516 = arith.select %and3A_511, %sub3A_513, %broadcast_in_dim3A_515 : vector<16xi1>, vector<16xi32>
        %swap3A_517 = arith.constant 0 : i32
        %swap3A_518 = arith.index_cast %swap3A_517 : i32 to index
        %swap3A_519 = arith.constant 16 : index
        %swap3A_520 = tpu.vector_load %arg11[%swap3A_518, %swap3A_519] {strides = array<i32>} : memref<1x128xi32, #tpu.memory_space<vmem>>, vector<1x16xi32>,
        %swap3A_521 = vector.shape_cast %swap3A_520 : vector<1x16xi32> to vector<16xi32>
        %swap3A_522 = vector.shape_cast %select_n3A_516 : vector<16xi32> to vector<1x16xi32>
        tpu.vector_store %arg11[%swap3A_518, %swap3A_519], %swap3A_522 {strides = array<i32>} : memref<1x128xi32, #tpu.memory_space<vmem>>, vector<1x16xi32>,
        %get3A_523 = arith.constant 0 : i32
        %get3A_524 = arith.index_cast %get3A_523 : i32 to index
        %get3A_525 = arith.constant 32 : index
        %get3A_526 = tpu.vector_load %arg11[%get3A_524, %get3A_525] {strides = array<i32>} : memref<1x128xi32, #tpu.memory_space<vmem>>, vector<1x16xi32>,
        %get3A_527 = vector.shape_cast %get3A_526 : vector<1x16xi32> to vector<16xi32>
        %add3A_528 = arith.constant 32 : i32
        %add3A_529 = arith.addi %multiple_of3A_463, %add3A_528 : i32
        %add3A_530 = vector.broadcast %add3A_529 : i32 to vector<16xi32>
        %add3A_531 = arith.addi %add3A_530, %iota3A : vector<16xi32>
        %ge3A_532 = vector.broadcast %max3A_467 : i32 to vector<16xi32>
        %ge3A_533 = arith.cmpi sge, %add3A_531, %ge3A_532 : vector<16xi32>
        %lt3A_534 = vector.broadcast %min3A_473 : i32 to vector<16xi32>
        %lt3A_535 = arith.cmpi slt, %add3A_531, %lt3A_534 : vector<16xi32>
        %and3A_536 = arith.andi %ge3A_533, %lt3A_535 : vector<16xi1>
        %sub3A_537 = vector.broadcast %mul3A_286 : i32 to vector<16xi32>
        %sub3A_538 = arith.subi %get3A_527, %sub3A_537 : vector<16xi32>
        %jit3A_539 = arith.constant 8192 : i32
        %broadcast_in_dim3A_540 = vector.broadcast %jit3A_539 : i32 to vector<16xi32>
        %select_n3A_541 = arith.select %and3A_536, %sub3A_538, %broadcast_in_dim3A_540 : vector<16xi1>, vector<16xi32>
        %swap3A_542 = arith.constant 0 : i32
        %swap3A_543 = arith.index_cast %swap3A_542 : i32 to index
        %swap3A_544 = arith.constant 32 : index
        %swap3A_545 = tpu.vector_load %arg11[%swap3A_543, %swap3A_544] {strides = array<i32>} : memref<1x128xi32, #tpu.memory_space<vmem>>, vector<1x16xi32>,
        %swap3A_546 = vector.shape_cast %swap3A_545 : vector<1x16xi32> to vector<16xi32>
        %swap3A_547 = vector.shape_cast %select_n3A_541 : vector<16xi32> to vector<1x16xi32>
        tpu.vector_store %arg11[%swap3A_543, %swap3A_544], %swap3A_547 {strides = array<i32>} : memref<1x128xi32, #tpu.memory_space<vmem>>, vector<1x16xi32>,
        %get3A_548 = arith.constant 0 : i32
        %get3A_549 = arith.index_cast %get3A_548 : i32 to index
        %get3A_550 = arith.constant 48 : index
        %get3A_551 = tpu.vector_load %arg11[%get3A_549, %get3A_550] {strides = array<i32>} : memref<1x128xi32, #tpu.memory_space<vmem>>, vector<1x16xi32>,
        %get3A_552 = vector.shape_cast %get3A_551 : vector<1x16xi32> to vector<16xi32>
        %add3A_553 = arith.constant 48 : i32
        %add3A_554 = arith.addi %multiple_of3A_463, %add3A_553 : i32
        %add3A_555 = vector.broadcast %add3A_554 : i32 to vector<16xi32>
        %add3A_556 = arith.addi %add3A_555, %iota3A : vector<16xi32>
        %ge3A_557 = vector.broadcast %max3A_467 : i32 to vector<16xi32>
        %ge3A_558 = arith.cmpi sge, %add3A_556, %ge3A_557 : vector<16xi32>
        %lt3A_559 = vector.broadcast %min3A_473 : i32 to vector<16xi32>
        %lt3A_560 = arith.cmpi slt, %add3A_556, %lt3A_559 : vector<16xi32>
        %and3A_561 = arith.andi %ge3A_558, %lt3A_560 : vector<16xi1>
        %sub3A_562 = vector.broadcast %mul3A_286 : i32 to vector<16xi32>
        %sub3A_563 = arith.subi %get3A_552, %sub3A_562 : vector<16xi32>
        %jit3A_564 = arith.constant 8192 : i32
        %broadcast_in_dim3A_565 = vector.broadcast %jit3A_564 : i32 to vector<16xi32>
        %select_n3A_566 = arith.select %and3A_561, %sub3A_563, %broadcast_in_dim3A_565 : vector<16xi1>, vector<16xi32>
        %swap3A_567 = arith.constant 0 : i32
        %swap3A_568 = arith.index_cast %swap3A_567 : i32 to index
        %swap3A_569 = arith.constant 48 : index
        %swap3A_570 = tpu.vector_load %arg11[%swap3A_568, %swap3A_569] {strides = array<i32>} : memref<1x128xi32, #tpu.memory_space<vmem>>, vector<1x16xi32>,
        %swap3A_571 = vector.shape_cast %swap3A_570 : vector<1x16xi32> to vector<16xi32>
        %swap3A_572 = vector.shape_cast %select_n3A_566 : vector<16xi32> to vector<1x16xi32>
        tpu.vector_store %arg11[%swap3A_568, %swap3A_569], %swap3A_572 {strides = array<i32>} : memref<1x128xi32, #tpu.memory_space<vmem>>, vector<1x16xi32>,
        %get3A_573 = arith.constant 0 : i32
        %get3A_574 = arith.index_cast %get3A_573 : i32 to index
        %get3A_575 = arith.constant 64 : index
        %get3A_576 = tpu.vector_load %arg11[%get3A_574, %get3A_575] {strides = array<i32>} : memref<1x128xi32, #tpu.memory_space<vmem>>, vector<1x16xi32>,
        %get3A_577 = vector.shape_cast %get3A_576 : vector<1x16xi32> to vector<16xi32>
        %add3A_578 = arith.constant 64 : i32
        %add3A_579 = arith.addi %multiple_of3A_463, %add3A_578 : i32
        %add3A_580 = vector.broadcast %add3A_579 : i32 to vector<16xi32>
        %add3A_581 = arith.addi %add3A_580, %iota3A : vector<16xi32>
        %ge3A_582 = vector.broadcast %max3A_467 : i32 to vector<16xi32>
        %ge3A_583 = arith.cmpi sge, %add3A_581, %ge3A_582 : vector<16xi32>
        %lt3A_584 = vector.broadcast %min3A_473 : i32 to vector<16xi32>
        %lt3A_585 = arith.cmpi slt, %add3A_581, %lt3A_584 : vector<16xi32>
        %and3A_586 = arith.andi %ge3A_583, %lt3A_585 : vector<16xi1>
        %sub3A_587 = vector.broadcast %mul3A_286 : i32 to vector<16xi32>
        %sub3A_588 = arith.subi %get3A_577, %sub3A_587 : vector<16xi32>
        %jit3A_589 = arith.constant 8192 : i32
        %broadcast_in_dim3A_590 = vector.broadcast %jit3A_589 : i32 to vector<16xi32>
        %select_n3A_591 = arith.select %and3A_586, %sub3A_588, %broadcast_in_dim3A_590 : vector<16xi1>, vector<16xi32>
        %swap3A_592 = arith.constant 0 : i32
        %swap3A_593 = arith.index_cast %swap3A_592 : i32 to index
        %swap3A_594 = arith.constant 64 : index
        %swap3A_595 = tpu.vector_load %arg11[%swap3A_593, %swap3A_594] {strides = array<i32>} : memref<1x128xi32, #tpu.memory_space<vmem>>, vector<1x16xi32>,
        %swap3A_596 = vector.shape_cast %swap3A_595 : vector<1x16xi32> to vector<16xi32>
        %swap3A_597 = vector.shape_cast %select_n3A_591 : vector<16xi32> to vector<1x16xi32>
        tpu.vector_store %arg11[%swap3A_593, %swap3A_594], %swap3A_597 {strides = array<i32>} : memref<1x128xi32, #tpu.memory_space<vmem>>, vector<1x16xi32>,
        %get3A_598 = arith.constant 0 : i32
        %get3A_599 = arith.index_cast %get3A_598 : i32 to index
        %get3A_600 = arith.constant 80 : index
        %get3A_601 = tpu.vector_load %arg11[%get3A_599, %get3A_600] {strides = array<i32>} : memref<1x128xi32, #tpu.memory_space<vmem>>, vector<1x16xi32>,
        %get3A_602 = vector.shape_cast %get3A_601 : vector<1x16xi32> to vector<16xi32>
        %add3A_603 = arith.constant 80 : i32
        %add3A_604 = arith.addi %multiple_of3A_463, %add3A_603 : i32
        %add3A_605 = vector.broadcast %add3A_604 : i32 to vector<16xi32>
        %add3A_606 = arith.addi %add3A_605, %iota3A : vector<16xi32>
        %ge3A_607 = vector.broadcast %max3A_467 : i32 to vector<16xi32>
        %ge3A_608 = arith.cmpi sge, %add3A_606, %ge3A_607 : vector<16xi32>
        %lt3A_609 = vector.broadcast %min3A_473 : i32 to vector<16xi32>
        %lt3A_610 = arith.cmpi slt, %add3A_606, %lt3A_609 : vector<16xi32>
        %and3A_611 = arith.andi %ge3A_608, %lt3A_610 : vector<16xi1>
        %sub3A_612 = vector.broadcast %mul3A_286 : i32 to vector<16xi32>
        %sub3A_613 = arith.subi %get3A_602, %sub3A_612 : vector<16xi32>
        %jit3A_614 = arith.constant 8192 : i32
        %broadcast_in_dim3A_615 = vector.broadcast %jit3A_614 : i32 to vector<16xi32>
        %select_n3A_616 = arith.select %and3A_611, %sub3A_613, %broadcast_in_dim3A_615 : vector<16xi1>, vector<16xi32>
        %swap3A_617 = arith.constant 0 : i32
        %swap3A_618 = arith.index_cast %swap3A_617 : i32 to index
        %swap3A_619 = arith.constant 80 : index
        %swap3A_620 = tpu.vector_load %arg11[%swap3A_618, %swap3A_619] {strides = array<i32>} : memref<1x128xi32, #tpu.memory_space<vmem>>, vector<1x16xi32>,
        %swap3A_621 = vector.shape_cast %swap3A_620 : vector<1x16xi32> to vector<16xi32>
        %swap3A_622 = vector.shape_cast %select_n3A_616 : vector<16xi32> to vector<1x16xi32>
        tpu.vector_store %arg11[%swap3A_618, %swap3A_619], %swap3A_622 {strides = array<i32>} : memref<1x128xi32, #tpu.memory_space<vmem>>, vector<1x16xi32>,
        %get3A_623 = arith.constant 0 : i32
        %get3A_624 = arith.index_cast %get3A_623 : i32 to index
        %get3A_625 = arith.constant 96 : index
        %get3A_626 = tpu.vector_load %arg11[%get3A_624, %get3A_625] {strides = array<i32>} : memref<1x128xi32, #tpu.memory_space<vmem>>, vector<1x16xi32>,
        %get3A_627 = vector.shape_cast %get3A_626 : vector<1x16xi32> to vector<16xi32>
        %add3A_628 = arith.constant 96 : i32
        %add3A_629 = arith.addi %multiple_of3A_463, %add3A_628 : i32
        %add3A_630 = vector.broadcast %add3A_629 : i32 to vector<16xi32>
        %add3A_631 = arith.addi %add3A_630, %iota3A : vector<16xi32>
        %ge3A_632 = vector.broadcast %max3A_467 : i32 to vector<16xi32>
        %ge3A_633 = arith.cmpi sge, %add3A_631, %ge3A_632 : vector<16xi32>
        %lt3A_634 = vector.broadcast %min3A_473 : i32 to vector<16xi32>
        %lt3A_635 = arith.cmpi slt, %add3A_631, %lt3A_634 : vector<16xi32>
        %and3A_636 = arith.andi %ge3A_633, %lt3A_635 : vector<16xi1>
        %sub3A_637 = vector.broadcast %mul3A_286 : i32 to vector<16xi32>
        %sub3A_638 = arith.subi %get3A_627, %sub3A_637 : vector<16xi32>
        %jit3A_639 = arith.constant 8192 : i32
        %broadcast_in_dim3A_640 = vector.broadcast %jit3A_639 : i32 to vector<16xi32>
        %select_n3A_641 = arith.select %and3A_636, %sub3A_638, %broadcast_in_dim3A_640 : vector<16xi1>, vector<16xi32>
        %swap3A_642 = arith.constant 0 : i32
        %swap3A_643 = arith.index_cast %swap3A_642 : i32 to index
        %swap3A_644 = arith.constant 96 : index
        %swap3A_645 = tpu.vector_load %arg11[%swap3A_643, %swap3A_644] {strides = array<i32>} : memref<1x128xi32, #tpu.memory_space<vmem>>, vector<1x16xi32>,
        %swap3A_646 = vector.shape_cast %swap3A_645 : vector<1x16xi32> to vector<16xi32>
        %swap3A_647 = vector.shape_cast %select_n3A_641 : vector<16xi32> to vector<1x16xi32>
        tpu.vector_store %arg11[%swap3A_643, %swap3A_644], %swap3A_647 {strides = array<i32>} : memref<1x128xi32, #tpu.memory_space<vmem>>, vector<1x16xi32>,
        %get3A_648 = arith.constant 0 : i32
        %get3A_649 = arith.index_cast %get3A_648 : i32 to index
        %get3A_650 = arith.constant 112 : index
        %get3A_651 = tpu.vector_load %arg11[%get3A_649, %get3A_650] {strides = array<i32>} : memref<1x128xi32, #tpu.memory_space<vmem>>, vector<1x16xi32>,
        %get3A_652 = vector.shape_cast %get3A_651 : vector<1x16xi32> to vector<16xi32>
        %add3A_653 = arith.constant 112 : i32
        %add3A_654 = arith.addi %multiple_of3A_463, %add3A_653 : i32
        %add3A_655 = vector.broadcast %add3A_654 : i32 to vector<16xi32>
        %add3A_656 = arith.addi %add3A_655, %iota3A : vector<16xi32>
        %ge3A_657 = vector.broadcast %max3A_467 : i32 to vector<16xi32>
        %ge3A_658 = arith.cmpi sge, %add3A_656, %ge3A_657 : vector<16xi32>
        %lt3A_659 = vector.broadcast %min3A_473 : i32 to vector<16xi32>
        %lt3A_660 = arith.cmpi slt, %add3A_656, %lt3A_659 : vector<16xi32>
        %and3A_661 = arith.andi %ge3A_658, %lt3A_660 : vector<16xi1>
        %sub3A_662 = vector.broadcast %mul3A_286 : i32 to vector<16xi32>
        %sub3A_663 = arith.subi %get3A_652, %sub3A_662 : vector<16xi32>
        %jit3A_664 = arith.constant 8192 : i32
        %broadcast_in_dim3A_665 = vector.broadcast %jit3A_664 : i32 to vector<16xi32>
        %select_n3A_666 = arith.select %and3A_661, %sub3A_663, %broadcast_in_dim3A_665 : vector<16xi1>, vector<16xi32>
        %swap3A_667 = arith.constant 0 : i32
        %swap3A_668 = arith.index_cast %swap3A_667 : i32 to index
        %swap3A_669 = arith.constant 112 : index
        %swap3A_670 = tpu.vector_load %arg11[%swap3A_668, %swap3A_669] {strides = array<i32>} : memref<1x128xi32, #tpu.memory_space<vmem>>, vector<1x16xi32>,
        %swap3A_671 = vector.shape_cast %swap3A_670 : vector<1x16xi32> to vector<16xi32>
        %swap3A_672 = vector.shape_cast %select_n3A_666 : vector<16xi32> to vector<1x16xi32>
        tpu.vector_store %arg11[%swap3A_668, %swap3A_669], %swap3A_672 {strides = array<i32>} : memref<1x128xi32, #tpu.memory_space<vmem>>, vector<1x16xi32>,
        %dma_start3A_673 = arith.constant 0 : i32
        %dma_start3A_674 = arith.constant 0 : i32
        %dma_start3A_675 = tpu.memref_slice %arg11[%dma_start3A_673, %dma_start3A_674] : memref<1x128xi32, #tpu.memory_space<vmem>> -> memref<1x128xi32, #tpu.memory_space<vmem>>
        %dma_start3A_676 = tpu.memref_squeeze %dma_start3A_675 : memref<1x128xi32, #tpu.memory_space<vmem>> -> memref<128xi32, #tpu.memory_space<vmem>>
        %dma_start3A_677 = arith.constant 0 : i32
        %dma_start3A_678 = arith.constant 0 : i32
        %dma_start3A_679 = tpu.memref_slice %arg5[%dma_start3A_677, %dma_start3A_678] : memref<8193x128xf32, #tpu.memory_space<vmem_shared>> -> memref<8193x128xf32, #tpu.memory_space<vmem_shared>>
        tpu.enqueue_indirect_dma source(%arg8 : memref<128x128xf32, #tpu.memory_space<vmem>>) target(%dma_start3A_679 : memref<8193x128xf32, #tpu.memory_space<vmem_shared>>) offsets(%dma_start3A_676 : memref<128xi32, #tpu.memory_space<vmem>>) semaphore(%arg21 : memref<!tpu.dma_semaphore, #tpu.memory_space<semaphore_mem>>) {add = true}
      } else {
      }
      %sub3A_425 = arith.constant 1 : i32
      %sub3A_426 = arith.subi %add3A_420, %sub3A_425 : i32
      %ge3A_427 = arith.constant 0 : i32
      %ge3A_428 = arith.cmpi sge, %sub3A_426, %ge3A_427 : i32
      %lt3A_429 = arith.cmpi slt, %sub3A_426, %select_n3A_284 : i32
      %and3A_430 = arith.andi %ge3A_428, %lt3A_429 : i1
      %convert_element_type3A_431 = arith.extui %and3A_430 : i1 to i32
      %cond3A_432 = arith.constant 0 : i32
      %cond3A_433 = arith.cmpi ne, %convert_element_type3A_431, %cond3A_432 : i32
      scf.if %cond3A_433 {
        %dma_wait3A_441 = arith.constant 0 : i32
        %dma_wait3A_442 = arith.constant 0 : i32
        %dma_wait3A_443 = tpu.memref_slice %arg10[%dma_wait3A_441, %dma_wait3A_442] : memref<1x128xi32, #tpu.memory_space<vmem>> -> memref<1x128xi32, #tpu.memory_space<vmem>>
        %dma_wait3A_444 = tpu.memref_squeeze %dma_wait3A_443 : memref<1x128xi32, #tpu.memory_space<vmem>> -> memref<128xi32, #tpu.memory_space<vmem>>
        %dma_wait3A_445 = arith.constant 0 : i32
        %dma_wait3A_446 = arith.constant 0 : i32
        %dma_wait3A_447 = tpu.memref_slice %arg5[%dma_wait3A_445, %dma_wait3A_446] : memref<8193x128xf32, #tpu.memory_space<vmem_shared>> -> memref<8193x128xf32, #tpu.memory_space<vmem_shared>>
        tpu.wait_indirect_dma semaphore(%arg20 : memref<!tpu.dma_semaphore, #tpu.memory_space<semaphore_mem>>) src(%arg7 : memref<128x128xf32, #tpu.memory_space<vmem>>) dst(%dma_wait3A_447 : memref<8193x128xf32, #tpu.memory_space<vmem_shared>>)
      } else {
      }
      %add3A_434 = arith.constant 2 : i32
      %add3A_435 = arith.addi %add3A_420, %add3A_434 : i32
      %lt3A_436 = arith.cmpi slt, %add3A_435, %select_n3A_284 : i32
      %convert_element_type3A_437 = arith.extui %lt3A_436 : i1 to i32
      %cond3A_438 = arith.constant 0 : i32
      %cond3A_439 = arith.cmpi ne, %convert_element_type3A_437, %cond3A_438 : i32
      scf.if %cond3A_439 {
        %mul3A_441 = arith.constant 128 : i32
        %mul3A_442 = arith.muli %add3A_435, %mul3A_441 : i32
        %add3A_443 = arith.addi %sub3A_257, %mul3A_442 : i32
        %min3A_444 = arith.constant 319872 : i32
        %min3A_445 = arith.minsi %add3A_443, %min3A_444 : i32
        %multiple_of3A_446 = tpu.assume_multiple %min3A_445, 8 : i32
        %dma_start3A_447 = arith.constant 0 : i32
        %dma_start3A_448 = tpu.memref_slice %arg2[%multiple_of3A_446, %dma_start3A_447] : memref<320000x128xf32, #tpu.memory_space<hbm>> -> memref<128x128xf32, #tpu.memory_space<hbm>>
        %dma_start3A_449 = arith.constant 0 : i32
        %dma_start3A_450 = tpu.memref_slice %arg2[%multiple_of3A_446, %dma_start3A_449] : memref<320000x128xf32, #tpu.memory_space<hbm>> -> memref<128x128xf32, #tpu.memory_space<hbm>>
        tpu.enqueue_dma source(%dma_start3A_450 : memref<128x128xf32, #tpu.memory_space<hbm>>) target(%arg7 : memref<128x128xf32, #tpu.memory_space<vmem>>) target_semaphore(%arg14 : memref<!tpu.dma_semaphore, #tpu.memory_space<semaphore_mem>>)
        %dma_start3A_451 = arith.constant 0 : i32
        %dma_start3A_452 = arith.constant 0 : i32
        %dma_start3A_453 = tpu.memref_slice %arg10[%dma_start3A_451, %dma_start3A_452] : memref<1x128xi32, #tpu.memory_space<vmem>> -> memref<1x128xi32, #tpu.memory_space<vmem>>
        %dma_start3A_454 = tpu.memref_squeeze %dma_start3A_453 : memref<1x128xi32, #tpu.memory_space<vmem>> -> memref<128xi32, #tpu.memory_space<vmem>>
        %dma_start3A_455 = tpu.memref_slice %arg3[%multiple_of3A_446] : memref<320000xi32, #tpu.memory_space<hbm>> -> memref<128xi32, #tpu.memory_space<hbm>>
        %dma_start3A_456 = arith.constant 0 : i32
        %dma_start3A_457 = tpu.memref_slice %arg10[%dma_start3A_451, %dma_start3A_456] : memref<1x128xi32, #tpu.memory_space<vmem>> -> memref<1x128xi32, #tpu.memory_space<vmem>>
        %dma_start3A_458 = tpu.memref_squeeze %dma_start3A_457 : memref<1x128xi32, #tpu.memory_space<vmem>> -> memref<128xi32, #tpu.memory_space<vmem>>
        %dma_start3A_459 = tpu.memref_slice %arg3[%multiple_of3A_446] : memref<320000xi32, #tpu.memory_space<hbm>> -> memref<128xi32, #tpu.memory_space<hbm>>
        tpu.enqueue_dma source(%dma_start3A_459 : memref<128xi32, #tpu.memory_space<hbm>>) target(%dma_start3A_458 : memref<128xi32, #tpu.memory_space<vmem>>) target_semaphore(%arg17 : memref<!tpu.dma_semaphore, #tpu.memory_space<semaphore_mem>>)
      } else {
      }
      %while3A_440 = arith.constant 0 : i32
      scf.yield %while3A_440 : i32
    }
    %while3A_349 = arith.constant 1 : i32
    %while3A_350 = scf.for %while3A_370 = %while3A_346 to %while3A_342 step %while3A_349 iter_args(%while3A_371 = %while3A_348) -> (i32)  : i32 {
      %mul3A_372 = arith.constant 3 : i32
      %mul3A_373 = arith.muli %while3A_370, %mul3A_372 : i32
      %add3A_374 = arith.constant 0 : i32
      %add3A_375 = arith.addi %mul3A_373, %add3A_374 : i32
      %lt3A_376 = arith.cmpi slt, %add3A_375, %select_n3A_284 : i32
      %convert_element_type3A_377 = arith.extui %lt3A_376 : i1 to i32
      %cond3A_378 = arith.constant 0 : i32
      %cond3A_379 = arith.cmpi ne, %convert_element_type3A_377, %cond3A_378 : i32
      scf.if %cond3A_379 {
        %dma_wait3A_441 = arith.constant 0 : i32
        %dma_wait3A_442 = arith.constant 0 : i32
        %dma_wait3A_443 = tpu.memref_slice %arg2[%dma_wait3A_441, %dma_wait3A_442] : memref<320000x128xf32, #tpu.memory_space<hbm>> -> memref<128x128xf32, #tpu.memory_space<hbm>>
        %dma_wait3A_444 = arith.constant 0 : i32
        %dma_wait3A_445 = arith.constant 0 : i32
        %dma_wait3A_446 = tpu.memref_slice %arg2[%dma_wait3A_444, %dma_wait3A_445] : memref<320000x128xf32, #tpu.memory_space<hbm>> -> memref<128x128xf32, #tpu.memory_space<hbm>>
        tpu.wait_dma2 semaphore(%arg13 : memref<!tpu.dma_semaphore, #tpu.memory_space<semaphore_mem>>) src(%dma_wait3A_446 : memref<128x128xf32, #tpu.memory_space<hbm>>) dst(%arg6 : memref<128x128xf32, #tpu.memory_space<vmem>>)
        %dma_wait3A_447 = arith.constant 0 : i32
        %dma_wait3A_448 = arith.constant 0 : i32
        %dma_wait3A_449 = tpu.memref_slice %arg9[%dma_wait3A_447, %dma_wait3A_448] : memref<1x128xi32, #tpu.memory_space<vmem>> -> memref<1x128xi32, #tpu.memory_space<vmem>>
        %dma_wait3A_450 = tpu.memref_squeeze %dma_wait3A_449 : memref<1x128xi32, #tpu.memory_space<vmem>> -> memref<128xi32, #tpu.memory_space<vmem>>
        %dma_wait3A_451 = arith.constant 0 : i32
        %dma_wait3A_452 = tpu.memref_slice %arg3[%dma_wait3A_451] : memref<320000xi32, #tpu.memory_space<hbm>> -> memref<128xi32, #tpu.memory_space<hbm>>
        %dma_wait3A_453 = arith.constant 0 : i32
        %dma_wait3A_454 = tpu.memref_slice %arg9[%dma_wait3A_447, %dma_wait3A_453] : memref<1x128xi32, #tpu.memory_space<vmem>> -> memref<1x128xi32, #tpu.memory_space<vmem>>
        %dma_wait3A_455 = tpu.memref_squeeze %dma_wait3A_454 : memref<1x128xi32, #tpu.memory_space<vmem>> -> memref<128xi32, #tpu.memory_space<vmem>>
        %dma_wait3A_456 = arith.constant 0 : i32
        %dma_wait3A_457 = tpu.memref_slice %arg3[%dma_wait3A_456] : memref<320000xi32, #tpu.memory_space<hbm>> -> memref<128xi32, #tpu.memory_space<hbm>>
        tpu.wait_dma2 semaphore(%arg16 : memref<!tpu.dma_semaphore, #tpu.memory_space<semaphore_mem>>) src(%dma_wait3A_457 : memref<128xi32, #tpu.memory_space<hbm>>) dst(%dma_wait3A_455 : memref<128xi32, #tpu.memory_space<vmem>>)
        %mul3A_458 = arith.constant 128 : i32
        %mul3A_459 = arith.muli %add3A_375, %mul3A_458 : i32
        %add3A_460 = arith.addi %sub3A_257, %mul3A_459 : i32
        %min3A_461 = arith.constant 319872 : i32
        %min3A_462 = arith.minsi %add3A_460, %min3A_461 : i32
        %multiple_of3A_463 = tpu.assume_multiple %min3A_462, 8 : i32
        %mul3A_464 = arith.constant 128 : i32
        %mul3A_465 = arith.muli %add3A_375, %mul3A_464 : i32
        %add3A_466 = arith.addi %sub3A_257, %mul3A_465 : i32
        %max3A_467 = arith.maxsi %add3A_466, %add3A_226 : i32
        %mul3A_468 = arith.constant 128 : i32
        %mul3A_469 = arith.muli %add3A_375, %mul3A_468 : i32
        %add3A_470 = arith.addi %sub3A_257, %mul3A_469 : i32
        %add3A_471 = arith.constant 128 : i32
        %add3A_472 = arith.addi %add3A_470, %add3A_471 : i32
        %min3A_473 = arith.minsi %add3A_472, %add3A_254 : i32
        %get3A_474 = arith.constant 0 : i32
        %get3A_475 = arith.index_cast %get3A_474 : i32 to index
        %get3A_476 = arith.constant 0 : index
        %get3A_477 = tpu.vector_load %arg9[%get3A_475, %get3A_476] {strides = array<i32>} : memref<1x128xi32, #tpu.memory_space<vmem>>, vector<1x16xi32>,
        %get3A_478 = vector.shape_cast %get3A_477 : vector<1x16xi32> to vector<16xi32>
        %add3A_479 = arith.constant 0 : i32
        %add3A_480 = arith.addi %multiple_of3A_463, %add3A_479 : i32
        %add3A_481 = vector.broadcast %add3A_480 : i32 to vector<16xi32>
        %add3A_482 = arith.addi %add3A_481, %iota3A : vector<16xi32>
        %ge3A_483 = vector.broadcast %max3A_467 : i32 to vector<16xi32>
        %ge3A_484 = arith.cmpi sge, %add3A_482, %ge3A_483 : vector<16xi32>
        %lt3A_485 = vector.broadcast %min3A_473 : i32 to vector<16xi32>
        %lt3A_486 = arith.cmpi slt, %add3A_482, %lt3A_485 : vector<16xi32>
        %and3A_487 = arith.andi %ge3A_484, %lt3A_486 : vector<16xi1>
        %sub3A_488 = vector.broadcast %mul3A_286 : i32 to vector<16xi32>
        %sub3A_489 = arith.subi %get3A_478, %sub3A_488 : vector<16xi32>
        %jit3A_490 = arith.constant 8192 : i32
        %broadcast_in_dim3A_491 = vector.broadcast %jit3A_490 : i32 to vector<16xi32>
        %select_n3A_492 = arith.select %and3A_487, %sub3A_489, %broadcast_in_dim3A_491 : vector<16xi1>, vector<16xi32>
        %swap3A = arith.constant 0 : i32
        %swap3A_493 = arith.index_cast %swap3A : i32 to index
        %swap3A_494 = arith.constant 0 : index
        %swap3A_495 = tpu.vector_load %arg9[%swap3A_493, %swap3A_494] {strides = array<i32>} : memref<1x128xi32, #tpu.memory_space<vmem>>, vector<1x16xi32>,
        %swap3A_496 = vector.shape_cast %swap3A_495 : vector<1x16xi32> to vector<16xi32>
        %swap3A_497 = vector.shape_cast %select_n3A_492 : vector<16xi32> to vector<1x16xi32>
        tpu.vector_store %arg9[%swap3A_493, %swap3A_494], %swap3A_497 {strides = array<i32>} : memref<1x128xi32, #tpu.memory_space<vmem>>, vector<1x16xi32>,
        %get3A_498 = arith.constant 0 : i32
        %get3A_499 = arith.index_cast %get3A_498 : i32 to index
        %get3A_500 = arith.constant 16 : index
        %get3A_501 = tpu.vector_load %arg9[%get3A_499, %get3A_500] {strides = array<i32>} : memref<1x128xi32, #tpu.memory_space<vmem>>, vector<1x16xi32>,
        %get3A_502 = vector.shape_cast %get3A_501 : vector<1x16xi32> to vector<16xi32>
        %add3A_503 = arith.constant 16 : i32
        %add3A_504 = arith.addi %multiple_of3A_463, %add3A_503 : i32
        %add3A_505 = vector.broadcast %add3A_504 : i32 to vector<16xi32>
        %add3A_506 = arith.addi %add3A_505, %iota3A : vector<16xi32>
        %ge3A_507 = vector.broadcast %max3A_467 : i32 to vector<16xi32>
        %ge3A_508 = arith.cmpi sge, %add3A_506, %ge3A_507 : vector<16xi32>
        %lt3A_509 = vector.broadcast %min3A_473 : i32 to vector<16xi32>
        %lt3A_510 = arith.cmpi slt, %add3A_506, %lt3A_509 : vector<16xi32>
        %and3A_511 = arith.andi %ge3A_508, %lt3A_510 : vector<16xi1>
        %sub3A_512 = vector.broadcast %mul3A_286 : i32 to vector<16xi32>
        %sub3A_513 = arith.subi %get3A_502, %sub3A_512 : vector<16xi32>
        %jit3A_514 = arith.constant 8192 : i32
        %broadcast_in_dim3A_515 = vector.broadcast %jit3A_514 : i32 to vector<16xi32>
        %select_n3A_516 = arith.select %and3A_511, %sub3A_513, %broadcast_in_dim3A_515 : vector<16xi1>, vector<16xi32>
        %swap3A_517 = arith.constant 0 : i32
        %swap3A_518 = arith.index_cast %swap3A_517 : i32 to index
        %swap3A_519 = arith.constant 16 : index
        %swap3A_520 = tpu.vector_load %arg9[%swap3A_518, %swap3A_519] {strides = array<i32>} : memref<1x128xi32, #tpu.memory_space<vmem>>, vector<1x16xi32>,
        %swap3A_521 = vector.shape_cast %swap3A_520 : vector<1x16xi32> to vector<16xi32>
        %swap3A_522 = vector.shape_cast %select_n3A_516 : vector<16xi32> to vector<1x16xi32>
        tpu.vector_store %arg9[%swap3A_518, %swap3A_519], %swap3A_522 {strides = array<i32>} : memref<1x128xi32, #tpu.memory_space<vmem>>, vector<1x16xi32>,
        %get3A_523 = arith.constant 0 : i32
        %get3A_524 = arith.index_cast %get3A_523 : i32 to index
        %get3A_525 = arith.constant 32 : index
        %get3A_526 = tpu.vector_load %arg9[%get3A_524, %get3A_525] {strides = array<i32>} : memref<1x128xi32, #tpu.memory_space<vmem>>, vector<1x16xi32>,
        %get3A_527 = vector.shape_cast %get3A_526 : vector<1x16xi32> to vector<16xi32>
        %add3A_528 = arith.constant 32 : i32
        %add3A_529 = arith.addi %multiple_of3A_463, %add3A_528 : i32
        %add3A_530 = vector.broadcast %add3A_529 : i32 to vector<16xi32>
        %add3A_531 = arith.addi %add3A_530, %iota3A : vector<16xi32>
        %ge3A_532 = vector.broadcast %max3A_467 : i32 to vector<16xi32>
        %ge3A_533 = arith.cmpi sge, %add3A_531, %ge3A_532 : vector<16xi32>
        %lt3A_534 = vector.broadcast %min3A_473 : i32 to vector<16xi32>
        %lt3A_535 = arith.cmpi slt, %add3A_531, %lt3A_534 : vector<16xi32>
        %and3A_536 = arith.andi %ge3A_533, %lt3A_535 : vector<16xi1>
        %sub3A_537 = vector.broadcast %mul3A_286 : i32 to vector<16xi32>
        %sub3A_538 = arith.subi %get3A_527, %sub3A_537 : vector<16xi32>
        %jit3A_539 = arith.constant 8192 : i32
        %broadcast_in_dim3A_540 = vector.broadcast %jit3A_539 : i32 to vector<16xi32>
        %select_n3A_541 = arith.select %and3A_536, %sub3A_538, %broadcast_in_dim3A_540 : vector<16xi1>, vector<16xi32>
        %swap3A_542 = arith.constant 0 : i32
        %swap3A_543 = arith.index_cast %swap3A_542 : i32 to index
        %swap3A_544 = arith.constant 32 : index
        %swap3A_545 = tpu.vector_load %arg9[%swap3A_543, %swap3A_544] {strides = array<i32>} : memref<1x128xi32, #tpu.memory_space<vmem>>, vector<1x16xi32>,
        %swap3A_546 = vector.shape_cast %swap3A_545 : vector<1x16xi32> to vector<16xi32>
        %swap3A_547 = vector.shape_cast %select_n3A_541 : vector<16xi32> to vector<1x16xi32>
        tpu.vector_store %arg9[%swap3A_543, %swap3A_544], %swap3A_547 {strides = array<i32>} : memref<1x128xi32, #tpu.memory_space<vmem>>, vector<1x16xi32>,
        %get3A_548 = arith.constant 0 : i32
        %get3A_549 = arith.index_cast %get3A_548 : i32 to index
        %get3A_550 = arith.constant 48 : index
        %get3A_551 = tpu.vector_load %arg9[%get3A_549, %get3A_550] {strides = array<i32>} : memref<1x128xi32, #tpu.memory_space<vmem>>, vector<1x16xi32>,
        %get3A_552 = vector.shape_cast %get3A_551 : vector<1x16xi32> to vector<16xi32>
        %add3A_553 = arith.constant 48 : i32
        %add3A_554 = arith.addi %multiple_of3A_463, %add3A_553 : i32
        %add3A_555 = vector.broadcast %add3A_554 : i32 to vector<16xi32>
        %add3A_556 = arith.addi %add3A_555, %iota3A : vector<16xi32>
        %ge3A_557 = vector.broadcast %max3A_467 : i32 to vector<16xi32>
        %ge3A_558 = arith.cmpi sge, %add3A_556, %ge3A_557 : vector<16xi32>
        %lt3A_559 = vector.broadcast %min3A_473 : i32 to vector<16xi32>
        %lt3A_560 = arith.cmpi slt, %add3A_556, %lt3A_559 : vector<16xi32>
        %and3A_561 = arith.andi %ge3A_558, %lt3A_560 : vector<16xi1>
        %sub3A_562 = vector.broadcast %mul3A_286 : i32 to vector<16xi32>
        %sub3A_563 = arith.subi %get3A_552, %sub3A_562 : vector<16xi32>
        %jit3A_564 = arith.constant 8192 : i32
        %broadcast_in_dim3A_565 = vector.broadcast %jit3A_564 : i32 to vector<16xi32>
        %select_n3A_566 = arith.select %and3A_561, %sub3A_563, %broadcast_in_dim3A_565 : vector<16xi1>, vector<16xi32>
        %swap3A_567 = arith.constant 0 : i32
        %swap3A_568 = arith.index_cast %swap3A_567 : i32 to index
        %swap3A_569 = arith.constant 48 : index
        %swap3A_570 = tpu.vector_load %arg9[%swap3A_568, %swap3A_569] {strides = array<i32>} : memref<1x128xi32, #tpu.memory_space<vmem>>, vector<1x16xi32>,
        %swap3A_571 = vector.shape_cast %swap3A_570 : vector<1x16xi32> to vector<16xi32>
        %swap3A_572 = vector.shape_cast %select_n3A_566 : vector<16xi32> to vector<1x16xi32>
        tpu.vector_store %arg9[%swap3A_568, %swap3A_569], %swap3A_572 {strides = array<i32>} : memref<1x128xi32, #tpu.memory_space<vmem>>, vector<1x16xi32>,
        %get3A_573 = arith.constant 0 : i32
        %get3A_574 = arith.index_cast %get3A_573 : i32 to index
        %get3A_575 = arith.constant 64 : index
        %get3A_576 = tpu.vector_load %arg9[%get3A_574, %get3A_575] {strides = array<i32>} : memref<1x128xi32, #tpu.memory_space<vmem>>, vector<1x16xi32>,
        %get3A_577 = vector.shape_cast %get3A_576 : vector<1x16xi32> to vector<16xi32>
        %add3A_578 = arith.constant 64 : i32
        %add3A_579 = arith.addi %multiple_of3A_463, %add3A_578 : i32
        %add3A_580 = vector.broadcast %add3A_579 : i32 to vector<16xi32>
        %add3A_581 = arith.addi %add3A_580, %iota3A : vector<16xi32>
        %ge3A_582 = vector.broadcast %max3A_467 : i32 to vector<16xi32>
        %ge3A_583 = arith.cmpi sge, %add3A_581, %ge3A_582 : vector<16xi32>
        %lt3A_584 = vector.broadcast %min3A_473 : i32 to vector<16xi32>
        %lt3A_585 = arith.cmpi slt, %add3A_581, %lt3A_584 : vector<16xi32>
        %and3A_586 = arith.andi %ge3A_583, %lt3A_585 : vector<16xi1>
        %sub3A_587 = vector.broadcast %mul3A_286 : i32 to vector<16xi32>
        %sub3A_588 = arith.subi %get3A_577, %sub3A_587 : vector<16xi32>
        %jit3A_589 = arith.constant 8192 : i32
        %broadcast_in_dim3A_590 = vector.broadcast %jit3A_589 : i32 to vector<16xi32>
        %select_n3A_591 = arith.select %and3A_586, %sub3A_588, %broadcast_in_dim3A_590 : vector<16xi1>, vector<16xi32>
        %swap3A_592 = arith.constant 0 : i32
        %swap3A_593 = arith.index_cast %swap3A_592 : i32 to index
        %swap3A_594 = arith.constant 64 : index
        %swap3A_595 = tpu.vector_load %arg9[%swap3A_593, %swap3A_594] {strides = array<i32>} : memref<1x128xi32, #tpu.memory_space<vmem>>, vector<1x16xi32>,
        %swap3A_596 = vector.shape_cast %swap3A_595 : vector<1x16xi32> to vector<16xi32>
        %swap3A_597 = vector.shape_cast %select_n3A_591 : vector<16xi32> to vector<1x16xi32>
        tpu.vector_store %arg9[%swap3A_593, %swap3A_594], %swap3A_597 {strides = array<i32>} : memref<1x128xi32, #tpu.memory_space<vmem>>, vector<1x16xi32>,
        %get3A_598 = arith.constant 0 : i32
        %get3A_599 = arith.index_cast %get3A_598 : i32 to index
        %get3A_600 = arith.constant 80 : index
        %get3A_601 = tpu.vector_load %arg9[%get3A_599, %get3A_600] {strides = array<i32>} : memref<1x128xi32, #tpu.memory_space<vmem>>, vector<1x16xi32>,
        %get3A_602 = vector.shape_cast %get3A_601 : vector<1x16xi32> to vector<16xi32>
        %add3A_603 = arith.constant 80 : i32
        %add3A_604 = arith.addi %multiple_of3A_463, %add3A_603 : i32
        %add3A_605 = vector.broadcast %add3A_604 : i32 to vector<16xi32>
        %add3A_606 = arith.addi %add3A_605, %iota3A : vector<16xi32>
        %ge3A_607 = vector.broadcast %max3A_467 : i32 to vector<16xi32>
        %ge3A_608 = arith.cmpi sge, %add3A_606, %ge3A_607 : vector<16xi32>
        %lt3A_609 = vector.broadcast %min3A_473 : i32 to vector<16xi32>
        %lt3A_610 = arith.cmpi slt, %add3A_606, %lt3A_609 : vector<16xi32>
        %and3A_611 = arith.andi %ge3A_608, %lt3A_610 : vector<16xi1>
        %sub3A_612 = vector.broadcast %mul3A_286 : i32 to vector<16xi32>
        %sub3A_613 = arith.subi %get3A_602, %sub3A_612 : vector<16xi32>
        %jit3A_614 = arith.constant 8192 : i32
        %broadcast_in_dim3A_615 = vector.broadcast %jit3A_614 : i32 to vector<16xi32>
        %select_n3A_616 = arith.select %and3A_611, %sub3A_613, %broadcast_in_dim3A_615 : vector<16xi1>, vector<16xi32>
        %swap3A_617 = arith.constant 0 : i32
        %swap3A_618 = arith.index_cast %swap3A_617 : i32 to index
        %swap3A_619 = arith.constant 80 : index
        %swap3A_620 = tpu.vector_load %arg9[%swap3A_618, %swap3A_619] {strides = array<i32>} : memref<1x128xi32, #tpu.memory_space<vmem>>, vector<1x16xi32>,
        %swap3A_621 = vector.shape_cast %swap3A_620 : vector<1x16xi32> to vector<16xi32>
        %swap3A_622 = vector.shape_cast %select_n3A_616 : vector<16xi32> to vector<1x16xi32>
        tpu.vector_store %arg9[%swap3A_618, %swap3A_619], %swap3A_622 {strides = array<i32>} : memref<1x128xi32, #tpu.memory_space<vmem>>, vector<1x16xi32>,
        %get3A_623 = arith.constant 0 : i32
        %get3A_624 = arith.index_cast %get3A_623 : i32 to index
        %get3A_625 = arith.constant 96 : index
        %get3A_626 = tpu.vector_load %arg9[%get3A_624, %get3A_625] {strides = array<i32>} : memref<1x128xi32, #tpu.memory_space<vmem>>, vector<1x16xi32>,
        %get3A_627 = vector.shape_cast %get3A_626 : vector<1x16xi32> to vector<16xi32>
        %add3A_628 = arith.constant 96 : i32
        %add3A_629 = arith.addi %multiple_of3A_463, %add3A_628 : i32
        %add3A_630 = vector.broadcast %add3A_629 : i32 to vector<16xi32>
        %add3A_631 = arith.addi %add3A_630, %iota3A : vector<16xi32>
        %ge3A_632 = vector.broadcast %max3A_467 : i32 to vector<16xi32>
        %ge3A_633 = arith.cmpi sge, %add3A_631, %ge3A_632 : vector<16xi32>
        %lt3A_634 = vector.broadcast %min3A_473 : i32 to vector<16xi32>
        %lt3A_635 = arith.cmpi slt, %add3A_631, %lt3A_634 : vector<16xi32>
        %and3A_636 = arith.andi %ge3A_633, %lt3A_635 : vector<16xi1>
        %sub3A_637 = vector.broadcast %mul3A_286 : i32 to vector<16xi32>
        %sub3A_638 = arith.subi %get3A_627, %sub3A_637 : vector<16xi32>
        %jit3A_639 = arith.constant 8192 : i32
        %broadcast_in_dim3A_640 = vector.broadcast %jit3A_639 : i32 to vector<16xi32>
        %select_n3A_641 = arith.select %and3A_636, %sub3A_638, %broadcast_in_dim3A_640 : vector<16xi1>, vector<16xi32>
        %swap3A_642 = arith.constant 0 : i32
        %swap3A_643 = arith.index_cast %swap3A_642 : i32 to index
        %swap3A_644 = arith.constant 96 : index
        %swap3A_645 = tpu.vector_load %arg9[%swap3A_643, %swap3A_644] {strides = array<i32>} : memref<1x128xi32, #tpu.memory_space<vmem>>, vector<1x16xi32>,
        %swap3A_646 = vector.shape_cast %swap3A_645 : vector<1x16xi32> to vector<16xi32>
        %swap3A_647 = vector.shape_cast %select_n3A_641 : vector<16xi32> to vector<1x16xi32>
        tpu.vector_store %arg9[%swap3A_643, %swap3A_644], %swap3A_647 {strides = array<i32>} : memref<1x128xi32, #tpu.memory_space<vmem>>, vector<1x16xi32>,
        %get3A_648 = arith.constant 0 : i32
        %get3A_649 = arith.index_cast %get3A_648 : i32 to index
        %get3A_650 = arith.constant 112 : index
        %get3A_651 = tpu.vector_load %arg9[%get3A_649, %get3A_650] {strides = array<i32>} : memref<1x128xi32, #tpu.memory_space<vmem>>, vector<1x16xi32>,
        %get3A_652 = vector.shape_cast %get3A_651 : vector<1x16xi32> to vector<16xi32>
        %add3A_653 = arith.constant 112 : i32
        %add3A_654 = arith.addi %multiple_of3A_463, %add3A_653 : i32
        %add3A_655 = vector.broadcast %add3A_654 : i32 to vector<16xi32>
        %add3A_656 = arith.addi %add3A_655, %iota3A : vector<16xi32>
        %ge3A_657 = vector.broadcast %max3A_467 : i32 to vector<16xi32>
        %ge3A_658 = arith.cmpi sge, %add3A_656, %ge3A_657 : vector<16xi32>
        %lt3A_659 = vector.broadcast %min3A_473 : i32 to vector<16xi32>
        %lt3A_660 = arith.cmpi slt, %add3A_656, %lt3A_659 : vector<16xi32>
        %and3A_661 = arith.andi %ge3A_658, %lt3A_660 : vector<16xi1>
        %sub3A_662 = vector.broadcast %mul3A_286 : i32 to vector<16xi32>
        %sub3A_663 = arith.subi %get3A_652, %sub3A_662 : vector<16xi32>
        %jit3A_664 = arith.constant 8192 : i32
        %broadcast_in_dim3A_665 = vector.broadcast %jit3A_664 : i32 to vector<16xi32>
        %select_n3A_666 = arith.select %and3A_661, %sub3A_663, %broadcast_in_dim3A_665 : vector<16xi1>, vector<16xi32>
        %swap3A_667 = arith.constant 0 : i32
        %swap3A_668 = arith.index_cast %swap3A_667 : i32 to index
        %swap3A_669 = arith.constant 112 : index
        %swap3A_670 = tpu.vector_load %arg9[%swap3A_668, %swap3A_669] {strides = array<i32>} : memref<1x128xi32, #tpu.memory_space<vmem>>, vector<1x16xi32>,
        %swap3A_671 = vector.shape_cast %swap3A_670 : vector<1x16xi32> to vector<16xi32>
        %swap3A_672 = vector.shape_cast %select_n3A_666 : vector<16xi32> to vector<1x16xi32>
        tpu.vector_store %arg9[%swap3A_668, %swap3A_669], %swap3A_672 {strides = array<i32>} : memref<1x128xi32, #tpu.memory_space<vmem>>, vector<1x16xi32>,
        %dma_start3A_673 = arith.constant 0 : i32
        %dma_start3A_674 = arith.constant 0 : i32
        %dma_start3A_675 = tpu.memref_slice %arg9[%dma_start3A_673, %dma_start3A_674] : memref<1x128xi32, #tpu.memory_space<vmem>> -> memref<1x128xi32, #tpu.memory_space<vmem>>
        %dma_start3A_676 = tpu.memref_squeeze %dma_start3A_675 : memref<1x128xi32, #tpu.memory_space<vmem>> -> memref<128xi32, #tpu.memory_space<vmem>>
        %dma_start3A_677 = arith.constant 0 : i32
        %dma_start3A_678 = arith.constant 0 : i32
        %dma_start3A_679 = tpu.memref_slice %arg5[%dma_start3A_677, %dma_start3A_678] : memref<8193x128xf32, #tpu.memory_space<vmem_shared>> -> memref<8193x128xf32, #tpu.memory_space<vmem_shared>>
        tpu.enqueue_indirect_dma source(%arg6 : memref<128x128xf32, #tpu.memory_space<vmem>>) target(%dma_start3A_679 : memref<8193x128xf32, #tpu.memory_space<vmem_shared>>) offsets(%dma_start3A_676 : memref<128xi32, #tpu.memory_space<vmem>>) semaphore(%arg19 : memref<!tpu.dma_semaphore, #tpu.memory_space<semaphore_mem>>) {add = true}
      } else {
      }
      %sub3A_380 = arith.constant 1 : i32
      %sub3A_381 = arith.subi %add3A_375, %sub3A_380 : i32
      %ge3A = arith.constant 0 : i32
      %ge3A_382 = arith.cmpi sge, %sub3A_381, %ge3A : i32
      %lt3A_383 = arith.cmpi slt, %sub3A_381, %select_n3A_284 : i32
      %and3A_384 = arith.andi %ge3A_382, %lt3A_383 : i1
      %convert_element_type3A_385 = arith.extui %and3A_384 : i1 to i32
      %cond3A_386 = arith.constant 0 : i32
      %cond3A_387 = arith.cmpi ne, %convert_element_type3A_385, %cond3A_386 : i32
      scf.if %cond3A_387 {
        %dma_wait3A_441 = arith.constant 0 : i32
        %dma_wait3A_442 = arith.constant 0 : i32
        %dma_wait3A_443 = tpu.memref_slice %arg11[%dma_wait3A_441, %dma_wait3A_442] : memref<1x128xi32, #tpu.memory_space<vmem>> -> memref<1x128xi32, #tpu.memory_space<vmem>>
        %dma_wait3A_444 = tpu.memref_squeeze %dma_wait3A_443 : memref<1x128xi32, #tpu.memory_space<vmem>> -> memref<128xi32, #tpu.memory_space<vmem>>
        %dma_wait3A_445 = arith.constant 0 : i32
        %dma_wait3A_446 = arith.constant 0 : i32
        %dma_wait3A_447 = tpu.memref_slice %arg5[%dma_wait3A_445, %dma_wait3A_446] : memref<8193x128xf32, #tpu.memory_space<vmem_shared>> -> memref<8193x128xf32, #tpu.memory_space<vmem_shared>>
        tpu.wait_indirect_dma semaphore(%arg21 : memref<!tpu.dma_semaphore, #tpu.memory_space<semaphore_mem>>) src(%arg8 : memref<128x128xf32, #tpu.memory_space<vmem>>) dst(%dma_wait3A_447 : memref<8193x128xf32, #tpu.memory_space<vmem_shared>>)
      } else {
      }
      %add3A_388 = arith.constant 2 : i32
      %add3A_389 = arith.addi %add3A_375, %add3A_388 : i32
      %lt3A_390 = arith.cmpi slt, %add3A_389, %select_n3A_284 : i32
      %convert_element_type3A_391 = arith.extui %lt3A_390 : i1 to i32
      %cond3A_392 = arith.constant 0 : i32
      %cond3A_393 = arith.cmpi ne, %convert_element_type3A_391, %cond3A_392 : i32
      scf.if %cond3A_393 {
        %mul3A_441 = arith.constant 128 : i32
        %mul3A_442 = arith.muli %add3A_389, %mul3A_441 : i32
        %add3A_443 = arith.addi %sub3A_257, %mul3A_442 : i32
        %min3A_444 = arith.constant 319872 : i32
        %min3A_445 = arith.minsi %add3A_443, %min3A_444 : i32
        %multiple_of3A_446 = tpu.assume_multiple %min3A_445, 8 : i32
        %dma_start3A_447 = arith.constant 0 : i32
        %dma_start3A_448 = tpu.memref_slice %arg2[%multiple_of3A_446, %dma_start3A_447] : memref<320000x128xf32, #tpu.memory_space<hbm>> -> memref<128x128xf32, #tpu.memory_space<hbm>>
        %dma_start3A_449 = arith.constant 0 : i32
        %dma_start3A_450 = tpu.memref_slice %arg2[%multiple_of3A_446, %dma_start3A_449] : memref<320000x128xf32, #tpu.memory_space<hbm>> -> memref<128x128xf32, #tpu.memory_space<hbm>>
        tpu.enqueue_dma source(%dma_start3A_450 : memref<128x128xf32, #tpu.memory_space<hbm>>) target(%arg8 : memref<128x128xf32, #tpu.memory_space<vmem>>) target_semaphore(%arg15 : memref<!tpu.dma_semaphore, #tpu.memory_space<semaphore_mem>>)
        %dma_start3A_451 = arith.constant 0 : i32
        %dma_start3A_452 = arith.constant 0 : i32
        %dma_start3A_453 = tpu.memref_slice %arg11[%dma_start3A_451, %dma_start3A_452] : memref<1x128xi32, #tpu.memory_space<vmem>> -> memref<1x128xi32, #tpu.memory_space<vmem>>
        %dma_start3A_454 = tpu.memref_squeeze %dma_start3A_453 : memref<1x128xi32, #tpu.memory_space<vmem>> -> memref<128xi32, #tpu.memory_space<vmem>>
        %dma_start3A_455 = tpu.memref_slice %arg3[%multiple_of3A_446] : memref<320000xi32, #tpu.memory_space<hbm>> -> memref<128xi32, #tpu.memory_space<hbm>>
        %dma_start3A_456 = arith.constant 0 : i32
        %dma_start3A_457 = tpu.memref_slice %arg11[%dma_start3A_451, %dma_start3A_456] : memref<1x128xi32, #tpu.memory_space<vmem>> -> memref<1x128xi32, #tpu.memory_space<vmem>>
        %dma_start3A_458 = tpu.memref_squeeze %dma_start3A_457 : memref<1x128xi32, #tpu.memory_space<vmem>> -> memref<128xi32, #tpu.memory_space<vmem>>
        %dma_start3A_459 = tpu.memref_slice %arg3[%multiple_of3A_446] : memref<320000xi32, #tpu.memory_space<hbm>> -> memref<128xi32, #tpu.memory_space<hbm>>
        tpu.enqueue_dma source(%dma_start3A_459 : memref<128xi32, #tpu.memory_space<hbm>>) target(%dma_start3A_458 : memref<128xi32, #tpu.memory_space<vmem>>) target_semaphore(%arg18 : memref<!tpu.dma_semaphore, #tpu.memory_space<semaphore_mem>>)
      } else {
      }
      %mul3A_394 = arith.constant 3 : i32
      %mul3A_395 = arith.muli %while3A_370, %mul3A_394 : i32
      %add3A_396 = arith.constant 1 : i32
      %add3A_397 = arith.addi %mul3A_395, %add3A_396 : i32
      %lt3A_398 = arith.cmpi slt, %add3A_397, %select_n3A_284 : i32
      %convert_element_type3A_399 = arith.extui %lt3A_398 : i1 to i32
      %cond3A_400 = arith.constant 0 : i32
      %cond3A_401 = arith.cmpi ne, %convert_element_type3A_399, %cond3A_400 : i32
      scf.if %cond3A_401 {
        %dma_wait3A_441 = arith.constant 0 : i32
        %dma_wait3A_442 = arith.constant 0 : i32
        %dma_wait3A_443 = tpu.memref_slice %arg2[%dma_wait3A_441, %dma_wait3A_442] : memref<320000x128xf32, #tpu.memory_space<hbm>> -> memref<128x128xf32, #tpu.memory_space<hbm>>
        %dma_wait3A_444 = arith.constant 0 : i32
        %dma_wait3A_445 = arith.constant 0 : i32
        %dma_wait3A_446 = tpu.memref_slice %arg2[%dma_wait3A_444, %dma_wait3A_445] : memref<320000x128xf32, #tpu.memory_space<hbm>> -> memref<128x128xf32, #tpu.memory_space<hbm>>
        tpu.wait_dma2 semaphore(%arg14 : memref<!tpu.dma_semaphore, #tpu.memory_space<semaphore_mem>>) src(%dma_wait3A_446 : memref<128x128xf32, #tpu.memory_space<hbm>>) dst(%arg7 : memref<128x128xf32, #tpu.memory_space<vmem>>)
        %dma_wait3A_447 = arith.constant 0 : i32
        %dma_wait3A_448 = arith.constant 0 : i32
        %dma_wait3A_449 = tpu.memref_slice %arg10[%dma_wait3A_447, %dma_wait3A_448] : memref<1x128xi32, #tpu.memory_space<vmem>> -> memref<1x128xi32, #tpu.memory_space<vmem>>
        %dma_wait3A_450 = tpu.memref_squeeze %dma_wait3A_449 : memref<1x128xi32, #tpu.memory_space<vmem>> -> memref<128xi32, #tpu.memory_space<vmem>>
        %dma_wait3A_451 = arith.constant 0 : i32
        %dma_wait3A_452 = tpu.memref_slice %arg3[%dma_wait3A_451] : memref<320000xi32, #tpu.memory_space<hbm>> -> memref<128xi32, #tpu.memory_space<hbm>>
        %dma_wait3A_453 = arith.constant 0 : i32
        %dma_wait3A_454 = tpu.memref_slice %arg10[%dma_wait3A_447, %dma_wait3A_453] : memref<1x128xi32, #tpu.memory_space<vmem>> -> memref<1x128xi32, #tpu.memory_space<vmem>>
        %dma_wait3A_455 = tpu.memref_squeeze %dma_wait3A_454 : memref<1x128xi32, #tpu.memory_space<vmem>> -> memref<128xi32, #tpu.memory_space<vmem>>
        %dma_wait3A_456 = arith.constant 0 : i32
        %dma_wait3A_457 = tpu.memref_slice %arg3[%dma_wait3A_456] : memref<320000xi32, #tpu.memory_space<hbm>> -> memref<128xi32, #tpu.memory_space<hbm>>
        tpu.wait_dma2 semaphore(%arg17 : memref<!tpu.dma_semaphore, #tpu.memory_space<semaphore_mem>>) src(%dma_wait3A_457 : memref<128xi32, #tpu.memory_space<hbm>>) dst(%dma_wait3A_455 : memref<128xi32, #tpu.memory_space<vmem>>)
        %mul3A_458 = arith.constant 128 : i32
        %mul3A_459 = arith.muli %add3A_397, %mul3A_458 : i32
        %add3A_460 = arith.addi %sub3A_257, %mul3A_459 : i32
        %min3A_461 = arith.constant 319872 : i32
        %min3A_462 = arith.minsi %add3A_460, %min3A_461 : i32
        %multiple_of3A_463 = tpu.assume_multiple %min3A_462, 8 : i32
        %mul3A_464 = arith.constant 128 : i32
        %mul3A_465 = arith.muli %add3A_397, %mul3A_464 : i32
        %add3A_466 = arith.addi %sub3A_257, %mul3A_465 : i32
        %max3A_467 = arith.maxsi %add3A_466, %add3A_226 : i32
        %mul3A_468 = arith.constant 128 : i32
        %mul3A_469 = arith.muli %add3A_397, %mul3A_468 : i32
        %add3A_470 = arith.addi %sub3A_257, %mul3A_469 : i32
        %add3A_471 = arith.constant 128 : i32
        %add3A_472 = arith.addi %add3A_470, %add3A_471 : i32
        %min3A_473 = arith.minsi %add3A_472, %add3A_254 : i32
        %get3A_474 = arith.constant 0 : i32
        %get3A_475 = arith.index_cast %get3A_474 : i32 to index
        %get3A_476 = arith.constant 0 : index
        %get3A_477 = tpu.vector_load %arg10[%get3A_475, %get3A_476] {strides = array<i32>} : memref<1x128xi32, #tpu.memory_space<vmem>>, vector<1x16xi32>,
        %get3A_478 = vector.shape_cast %get3A_477 : vector<1x16xi32> to vector<16xi32>
        %add3A_479 = arith.constant 0 : i32
        %add3A_480 = arith.addi %multiple_of3A_463, %add3A_479 : i32
        %add3A_481 = vector.broadcast %add3A_480 : i32 to vector<16xi32>
        %add3A_482 = arith.addi %add3A_481, %iota3A : vector<16xi32>
        %ge3A_483 = vector.broadcast %max3A_467 : i32 to vector<16xi32>
        %ge3A_484 = arith.cmpi sge, %add3A_482, %ge3A_483 : vector<16xi32>
        %lt3A_485 = vector.broadcast %min3A_473 : i32 to vector<16xi32>
        %lt3A_486 = arith.cmpi slt, %add3A_482, %lt3A_485 : vector<16xi32>
        %and3A_487 = arith.andi %ge3A_484, %lt3A_486 : vector<16xi1>
        %sub3A_488 = vector.broadcast %mul3A_286 : i32 to vector<16xi32>
        %sub3A_489 = arith.subi %get3A_478, %sub3A_488 : vector<16xi32>
        %jit3A_490 = arith.constant 8192 : i32
        %broadcast_in_dim3A_491 = vector.broadcast %jit3A_490 : i32 to vector<16xi32>
        %select_n3A_492 = arith.select %and3A_487, %sub3A_489, %broadcast_in_dim3A_491 : vector<16xi1>, vector<16xi32>
        %swap3A = arith.constant 0 : i32
        %swap3A_493 = arith.index_cast %swap3A : i32 to index
        %swap3A_494 = arith.constant 0 : index
        %swap3A_495 = tpu.vector_load %arg10[%swap3A_493, %swap3A_494] {strides = array<i32>} : memref<1x128xi32, #tpu.memory_space<vmem>>, vector<1x16xi32>,
        %swap3A_496 = vector.shape_cast %swap3A_495 : vector<1x16xi32> to vector<16xi32>
        %swap3A_497 = vector.shape_cast %select_n3A_492 : vector<16xi32> to vector<1x16xi32>
        tpu.vector_store %arg10[%swap3A_493, %swap3A_494], %swap3A_497 {strides = array<i32>} : memref<1x128xi32, #tpu.memory_space<vmem>>, vector<1x16xi32>,
        %get3A_498 = arith.constant 0 : i32
        %get3A_499 = arith.index_cast %get3A_498 : i32 to index
        %get3A_500 = arith.constant 16 : index
        %get3A_501 = tpu.vector_load %arg10[%get3A_499, %get3A_500] {strides = array<i32>} : memref<1x128xi32, #tpu.memory_space<vmem>>, vector<1x16xi32>,
        %get3A_502 = vector.shape_cast %get3A_501 : vector<1x16xi32> to vector<16xi32>
        %add3A_503 = arith.constant 16 : i32
        %add3A_504 = arith.addi %multiple_of3A_463, %add3A_503 : i32
        %add3A_505 = vector.broadcast %add3A_504 : i32 to vector<16xi32>
        %add3A_506 = arith.addi %add3A_505, %iota3A : vector<16xi32>
        %ge3A_507 = vector.broadcast %max3A_467 : i32 to vector<16xi32>
        %ge3A_508 = arith.cmpi sge, %add3A_506, %ge3A_507 : vector<16xi32>
        %lt3A_509 = vector.broadcast %min3A_473 : i32 to vector<16xi32>
        %lt3A_510 = arith.cmpi slt, %add3A_506, %lt3A_509 : vector<16xi32>
        %and3A_511 = arith.andi %ge3A_508, %lt3A_510 : vector<16xi1>
        %sub3A_512 = vector.broadcast %mul3A_286 : i32 to vector<16xi32>
        %sub3A_513 = arith.subi %get3A_502, %sub3A_512 : vector<16xi32>
        %jit3A_514 = arith.constant 8192 : i32
        %broadcast_in_dim3A_515 = vector.broadcast %jit3A_514 : i32 to vector<16xi32>
        %select_n3A_516 = arith.select %and3A_511, %sub3A_513, %broadcast_in_dim3A_515 : vector<16xi1>, vector<16xi32>
        %swap3A_517 = arith.constant 0 : i32
        %swap3A_518 = arith.index_cast %swap3A_517 : i32 to index
        %swap3A_519 = arith.constant 16 : index
        %swap3A_520 = tpu.vector_load %arg10[%swap3A_518, %swap3A_519] {strides = array<i32>} : memref<1x128xi32, #tpu.memory_space<vmem>>, vector<1x16xi32>,
        %swap3A_521 = vector.shape_cast %swap3A_520 : vector<1x16xi32> to vector<16xi32>
        %swap3A_522 = vector.shape_cast %select_n3A_516 : vector<16xi32> to vector<1x16xi32>
        tpu.vector_store %arg10[%swap3A_518, %swap3A_519], %swap3A_522 {strides = array<i32>} : memref<1x128xi32, #tpu.memory_space<vmem>>, vector<1x16xi32>,
        %get3A_523 = arith.constant 0 : i32
        %get3A_524 = arith.index_cast %get3A_523 : i32 to index
        %get3A_525 = arith.constant 32 : index
        %get3A_526 = tpu.vector_load %arg10[%get3A_524, %get3A_525] {strides = array<i32>} : memref<1x128xi32, #tpu.memory_space<vmem>>, vector<1x16xi32>,
        %get3A_527 = vector.shape_cast %get3A_526 : vector<1x16xi32> to vector<16xi32>
        %add3A_528 = arith.constant 32 : i32
        %add3A_529 = arith.addi %multiple_of3A_463, %add3A_528 : i32
        %add3A_530 = vector.broadcast %add3A_529 : i32 to vector<16xi32>
        %add3A_531 = arith.addi %add3A_530, %iota3A : vector<16xi32>
        %ge3A_532 = vector.broadcast %max3A_467 : i32 to vector<16xi32>
        %ge3A_533 = arith.cmpi sge, %add3A_531, %ge3A_532 : vector<16xi32>
        %lt3A_534 = vector.broadcast %min3A_473 : i32 to vector<16xi32>
        %lt3A_535 = arith.cmpi slt, %add3A_531, %lt3A_534 : vector<16xi32>
        %and3A_536 = arith.andi %ge3A_533, %lt3A_535 : vector<16xi1>
        %sub3A_537 = vector.broadcast %mul3A_286 : i32 to vector<16xi32>
        %sub3A_538 = arith.subi %get3A_527, %sub3A_537 : vector<16xi32>
        %jit3A_539 = arith.constant 8192 : i32
        %broadcast_in_dim3A_540 = vector.broadcast %jit3A_539 : i32 to vector<16xi32>
        %select_n3A_541 = arith.select %and3A_536, %sub3A_538, %broadcast_in_dim3A_540 : vector<16xi1>, vector<16xi32>
        %swap3A_542 = arith.constant 0 : i32
        %swap3A_543 = arith.index_cast %swap3A_542 : i32 to index
        %swap3A_544 = arith.constant 32 : index
        %swap3A_545 = tpu.vector_load %arg10[%swap3A_543, %swap3A_544] {strides = array<i32>} : memref<1x128xi32, #tpu.memory_space<vmem>>, vector<1x16xi32>,
        %swap3A_546 = vector.shape_cast %swap3A_545 : vector<1x16xi32> to vector<16xi32>
        %swap3A_547 = vector.shape_cast %select_n3A_541 : vector<16xi32> to vector<1x16xi32>
        tpu.vector_store %arg10[%swap3A_543, %swap3A_544], %swap3A_547 {strides = array<i32>} : memref<1x128xi32, #tpu.memory_space<vmem>>, vector<1x16xi32>,
        %get3A_548 = arith.constant 0 : i32
        %get3A_549 = arith.index_cast %get3A_548 : i32 to index
        %get3A_550 = arith.constant 48 : index
        %get3A_551 = tpu.vector_load %arg10[%get3A_549, %get3A_550] {strides = array<i32>} : memref<1x128xi32, #tpu.memory_space<vmem>>, vector<1x16xi32>,
        %get3A_552 = vector.shape_cast %get3A_551 : vector<1x16xi32> to vector<16xi32>
        %add3A_553 = arith.constant 48 : i32
        %add3A_554 = arith.addi %multiple_of3A_463, %add3A_553 : i32
        %add3A_555 = vector.broadcast %add3A_554 : i32 to vector<16xi32>
        %add3A_556 = arith.addi %add3A_555, %iota3A : vector<16xi32>
        %ge3A_557 = vector.broadcast %max3A_467 : i32 to vector<16xi32>
        %ge3A_558 = arith.cmpi sge, %add3A_556, %ge3A_557 : vector<16xi32>
        %lt3A_559 = vector.broadcast %min3A_473 : i32 to vector<16xi32>
        %lt3A_560 = arith.cmpi slt, %add3A_556, %lt3A_559 : vector<16xi32>
        %and3A_561 = arith.andi %ge3A_558, %lt3A_560 : vector<16xi1>
        %sub3A_562 = vector.broadcast %mul3A_286 : i32 to vector<16xi32>
        %sub3A_563 = arith.subi %get3A_552, %sub3A_562 : vector<16xi32>
        %jit3A_564 = arith.constant 8192 : i32
        %broadcast_in_dim3A_565 = vector.broadcast %jit3A_564 : i32 to vector<16xi32>
        %select_n3A_566 = arith.select %and3A_561, %sub3A_563, %broadcast_in_dim3A_565 : vector<16xi1>, vector<16xi32>
        %swap3A_567 = arith.constant 0 : i32
        %swap3A_568 = arith.index_cast %swap3A_567 : i32 to index
        %swap3A_569 = arith.constant 48 : index
        %swap3A_570 = tpu.vector_load %arg10[%swap3A_568, %swap3A_569] {strides = array<i32>} : memref<1x128xi32, #tpu.memory_space<vmem>>, vector<1x16xi32>,
        %swap3A_571 = vector.shape_cast %swap3A_570 : vector<1x16xi32> to vector<16xi32>
        %swap3A_572 = vector.shape_cast %select_n3A_566 : vector<16xi32> to vector<1x16xi32>
        tpu.vector_store %arg10[%swap3A_568, %swap3A_569], %swap3A_572 {strides = array<i32>} : memref<1x128xi32, #tpu.memory_space<vmem>>, vector<1x16xi32>,
        %get3A_573 = arith.constant 0 : i32
        %get3A_574 = arith.index_cast %get3A_573 : i32 to index
        %get3A_575 = arith.constant 64 : index
        %get3A_576 = tpu.vector_load %arg10[%get3A_574, %get3A_575] {strides = array<i32>} : memref<1x128xi32, #tpu.memory_space<vmem>>, vector<1x16xi32>,
        %get3A_577 = vector.shape_cast %get3A_576 : vector<1x16xi32> to vector<16xi32>
        %add3A_578 = arith.constant 64 : i32
        %add3A_579 = arith.addi %multiple_of3A_463, %add3A_578 : i32
        %add3A_580 = vector.broadcast %add3A_579 : i32 to vector<16xi32>
        %add3A_581 = arith.addi %add3A_580, %iota3A : vector<16xi32>
        %ge3A_582 = vector.broadcast %max3A_467 : i32 to vector<16xi32>
        %ge3A_583 = arith.cmpi sge, %add3A_581, %ge3A_582 : vector<16xi32>
        %lt3A_584 = vector.broadcast %min3A_473 : i32 to vector<16xi32>
        %lt3A_585 = arith.cmpi slt, %add3A_581, %lt3A_584 : vector<16xi32>
        %and3A_586 = arith.andi %ge3A_583, %lt3A_585 : vector<16xi1>
        %sub3A_587 = vector.broadcast %mul3A_286 : i32 to vector<16xi32>
        %sub3A_588 = arith.subi %get3A_577, %sub3A_587 : vector<16xi32>
        %jit3A_589 = arith.constant 8192 : i32
        %broadcast_in_dim3A_590 = vector.broadcast %jit3A_589 : i32 to vector<16xi32>
        %select_n3A_591 = arith.select %and3A_586, %sub3A_588, %broadcast_in_dim3A_590 : vector<16xi1>, vector<16xi32>
        %swap3A_592 = arith.constant 0 : i32
        %swap3A_593 = arith.index_cast %swap3A_592 : i32 to index
        %swap3A_594 = arith.constant 64 : index
        %swap3A_595 = tpu.vector_load %arg10[%swap3A_593, %swap3A_594] {strides = array<i32>} : memref<1x128xi32, #tpu.memory_space<vmem>>, vector<1x16xi32>,
        %swap3A_596 = vector.shape_cast %swap3A_595 : vector<1x16xi32> to vector<16xi32>
        %swap3A_597 = vector.shape_cast %select_n3A_591 : vector<16xi32> to vector<1x16xi32>
        tpu.vector_store %arg10[%swap3A_593, %swap3A_594], %swap3A_597 {strides = array<i32>} : memref<1x128xi32, #tpu.memory_space<vmem>>, vector<1x16xi32>,
        %get3A_598 = arith.constant 0 : i32
        %get3A_599 = arith.index_cast %get3A_598 : i32 to index
        %get3A_600 = arith.constant 80 : index
        %get3A_601 = tpu.vector_load %arg10[%get3A_599, %get3A_600] {strides = array<i32>} : memref<1x128xi32, #tpu.memory_space<vmem>>, vector<1x16xi32>,
        %get3A_602 = vector.shape_cast %get3A_601 : vector<1x16xi32> to vector<16xi32>
        %add3A_603 = arith.constant 80 : i32
        %add3A_604 = arith.addi %multiple_of3A_463, %add3A_603 : i32
        %add3A_605 = vector.broadcast %add3A_604 : i32 to vector<16xi32>
        %add3A_606 = arith.addi %add3A_605, %iota3A : vector<16xi32>
        %ge3A_607 = vector.broadcast %max3A_467 : i32 to vector<16xi32>
        %ge3A_608 = arith.cmpi sge, %add3A_606, %ge3A_607 : vector<16xi32>
        %lt3A_609 = vector.broadcast %min3A_473 : i32 to vector<16xi32>
        %lt3A_610 = arith.cmpi slt, %add3A_606, %lt3A_609 : vector<16xi32>
        %and3A_611 = arith.andi %ge3A_608, %lt3A_610 : vector<16xi1>
        %sub3A_612 = vector.broadcast %mul3A_286 : i32 to vector<16xi32>
        %sub3A_613 = arith.subi %get3A_602, %sub3A_612 : vector<16xi32>
        %jit3A_614 = arith.constant 8192 : i32
        %broadcast_in_dim3A_615 = vector.broadcast %jit3A_614 : i32 to vector<16xi32>
        %select_n3A_616 = arith.select %and3A_611, %sub3A_613, %broadcast_in_dim3A_615 : vector<16xi1>, vector<16xi32>
        %swap3A_617 = arith.constant 0 : i32
        %swap3A_618 = arith.index_cast %swap3A_617 : i32 to index
        %swap3A_619 = arith.constant 80 : index
        %swap3A_620 = tpu.vector_load %arg10[%swap3A_618, %swap3A_619] {strides = array<i32>} : memref<1x128xi32, #tpu.memory_space<vmem>>, vector<1x16xi32>,
        %swap3A_621 = vector.shape_cast %swap3A_620 : vector<1x16xi32> to vector<16xi32>
        %swap3A_622 = vector.shape_cast %select_n3A_616 : vector<16xi32> to vector<1x16xi32>
        tpu.vector_store %arg10[%swap3A_618, %swap3A_619], %swap3A_622 {strides = array<i32>} : memref<1x128xi32, #tpu.memory_space<vmem>>, vector<1x16xi32>,
        %get3A_623 = arith.constant 0 : i32
        %get3A_624 = arith.index_cast %get3A_623 : i32 to index
        %get3A_625 = arith.constant 96 : index
        %get3A_626 = tpu.vector_load %arg10[%get3A_624, %get3A_625] {strides = array<i32>} : memref<1x128xi32, #tpu.memory_space<vmem>>, vector<1x16xi32>,
        %get3A_627 = vector.shape_cast %get3A_626 : vector<1x16xi32> to vector<16xi32>
        %add3A_628 = arith.constant 96 : i32
        %add3A_629 = arith.addi %multiple_of3A_463, %add3A_628 : i32
        %add3A_630 = vector.broadcast %add3A_629 : i32 to vector<16xi32>
        %add3A_631 = arith.addi %add3A_630, %iota3A : vector<16xi32>
        %ge3A_632 = vector.broadcast %max3A_467 : i32 to vector<16xi32>
        %ge3A_633 = arith.cmpi sge, %add3A_631, %ge3A_632 : vector<16xi32>
        %lt3A_634 = vector.broadcast %min3A_473 : i32 to vector<16xi32>
        %lt3A_635 = arith.cmpi slt, %add3A_631, %lt3A_634 : vector<16xi32>
        %and3A_636 = arith.andi %ge3A_633, %lt3A_635 : vector<16xi1>
        %sub3A_637 = vector.broadcast %mul3A_286 : i32 to vector<16xi32>
        %sub3A_638 = arith.subi %get3A_627, %sub3A_637 : vector<16xi32>
        %jit3A_639 = arith.constant 8192 : i32
        %broadcast_in_dim3A_640 = vector.broadcast %jit3A_639 : i32 to vector<16xi32>
        %select_n3A_641 = arith.select %and3A_636, %sub3A_638, %broadcast_in_dim3A_640 : vector<16xi1>, vector<16xi32>
        %swap3A_642 = arith.constant 0 : i32
        %swap3A_643 = arith.index_cast %swap3A_642 : i32 to index
        %swap3A_644 = arith.constant 96 : index
        %swap3A_645 = tpu.vector_load %arg10[%swap3A_643, %swap3A_644] {strides = array<i32>} : memref<1x128xi32, #tpu.memory_space<vmem>>, vector<1x16xi32>,
        %swap3A_646 = vector.shape_cast %swap3A_645 : vector<1x16xi32> to vector<16xi32>
        %swap3A_647 = vector.shape_cast %select_n3A_641 : vector<16xi32> to vector<1x16xi32>
        tpu.vector_store %arg10[%swap3A_643, %swap3A_644], %swap3A_647 {strides = array<i32>} : memref<1x128xi32, #tpu.memory_space<vmem>>, vector<1x16xi32>,
        %get3A_648 = arith.constant 0 : i32
        %get3A_649 = arith.index_cast %get3A_648 : i32 to index
        %get3A_650 = arith.constant 112 : index
        %get3A_651 = tpu.vector_load %arg10[%get3A_649, %get3A_650] {strides = array<i32>} : memref<1x128xi32, #tpu.memory_space<vmem>>, vector<1x16xi32>,
        %get3A_652 = vector.shape_cast %get3A_651 : vector<1x16xi32> to vector<16xi32>
        %add3A_653 = arith.constant 112 : i32
        %add3A_654 = arith.addi %multiple_of3A_463, %add3A_653 : i32
        %add3A_655 = vector.broadcast %add3A_654 : i32 to vector<16xi32>
        %add3A_656 = arith.addi %add3A_655, %iota3A : vector<16xi32>
        %ge3A_657 = vector.broadcast %max3A_467 : i32 to vector<16xi32>
        %ge3A_658 = arith.cmpi sge, %add3A_656, %ge3A_657 : vector<16xi32>
        %lt3A_659 = vector.broadcast %min3A_473 : i32 to vector<16xi32>
        %lt3A_660 = arith.cmpi slt, %add3A_656, %lt3A_659 : vector<16xi32>
        %and3A_661 = arith.andi %ge3A_658, %lt3A_660 : vector<16xi1>
        %sub3A_662 = vector.broadcast %mul3A_286 : i32 to vector<16xi32>
        %sub3A_663 = arith.subi %get3A_652, %sub3A_662 : vector<16xi32>
        %jit3A_664 = arith.constant 8192 : i32
        %broadcast_in_dim3A_665 = vector.broadcast %jit3A_664 : i32 to vector<16xi32>
        %select_n3A_666 = arith.select %and3A_661, %sub3A_663, %broadcast_in_dim3A_665 : vector<16xi1>, vector<16xi32>
        %swap3A_667 = arith.constant 0 : i32
        %swap3A_668 = arith.index_cast %swap3A_667 : i32 to index
        %swap3A_669 = arith.constant 112 : index
        %swap3A_670 = tpu.vector_load %arg10[%swap3A_668, %swap3A_669] {strides = array<i32>} : memref<1x128xi32, #tpu.memory_space<vmem>>, vector<1x16xi32>,
        %swap3A_671 = vector.shape_cast %swap3A_670 : vector<1x16xi32> to vector<16xi32>
        %swap3A_672 = vector.shape_cast %select_n3A_666 : vector<16xi32> to vector<1x16xi32>
        tpu.vector_store %arg10[%swap3A_668, %swap3A_669], %swap3A_672 {strides = array<i32>} : memref<1x128xi32, #tpu.memory_space<vmem>>, vector<1x16xi32>,
        %dma_start3A_673 = arith.constant 0 : i32
        %dma_start3A_674 = arith.constant 0 : i32
        %dma_start3A_675 = tpu.memref_slice %arg10[%dma_start3A_673, %dma_start3A_674] : memref<1x128xi32, #tpu.memory_space<vmem>> -> memref<1x128xi32, #tpu.memory_space<vmem>>
        %dma_start3A_676 = tpu.memref_squeeze %dma_start3A_675 : memref<1x128xi32, #tpu.memory_space<vmem>> -> memref<128xi32, #tpu.memory_space<vmem>>
        %dma_start3A_677 = arith.constant 0 : i32
        %dma_start3A_678 = arith.constant 0 : i32
        %dma_start3A_679 = tpu.memref_slice %arg5[%dma_start3A_677, %dma_start3A_678] : memref<8193x128xf32, #tpu.memory_space<vmem_shared>> -> memref<8193x128xf32, #tpu.memory_space<vmem_shared>>
        tpu.enqueue_indirect_dma source(%arg7 : memref<128x128xf32, #tpu.memory_space<vmem>>) target(%dma_start3A_679 : memref<8193x128xf32, #tpu.memory_space<vmem_shared>>) offsets(%dma_start3A_676 : memref<128xi32, #tpu.memory_space<vmem>>) semaphore(%arg20 : memref<!tpu.dma_semaphore, #tpu.memory_space<semaphore_mem>>) {add = true}
      } else {
      }
      %sub3A_402 = arith.constant 1 : i32
      %sub3A_403 = arith.subi %add3A_397, %sub3A_402 : i32
      %ge3A_404 = arith.constant 0 : i32
      %ge3A_405 = arith.cmpi sge, %sub3A_403, %ge3A_404 : i32
      %lt3A_406 = arith.cmpi slt, %sub3A_403, %select_n3A_284 : i32
      %and3A_407 = arith.andi %ge3A_405, %lt3A_406 : i1
      %convert_element_type3A_408 = arith.extui %and3A_407 : i1 to i32
      %cond3A_409 = arith.constant 0 : i32
      %cond3A_410 = arith.cmpi ne, %convert_element_type3A_408, %cond3A_409 : i32
      scf.if %cond3A_410 {
        %dma_wait3A_441 = arith.constant 0 : i32
        %dma_wait3A_442 = arith.constant 0 : i32
        %dma_wait3A_443 = tpu.memref_slice %arg9[%dma_wait3A_441, %dma_wait3A_442] : memref<1x128xi32, #tpu.memory_space<vmem>> -> memref<1x128xi32, #tpu.memory_space<vmem>>
        %dma_wait3A_444 = tpu.memref_squeeze %dma_wait3A_443 : memref<1x128xi32, #tpu.memory_space<vmem>> -> memref<128xi32, #tpu.memory_space<vmem>>
        %dma_wait3A_445 = arith.constant 0 : i32
        %dma_wait3A_446 = arith.constant 0 : i32
        %dma_wait3A_447 = tpu.memref_slice %arg5[%dma_wait3A_445, %dma_wait3A_446] : memref<8193x128xf32, #tpu.memory_space<vmem_shared>> -> memref<8193x128xf32, #tpu.memory_space<vmem_shared>>
        tpu.wait_indirect_dma semaphore(%arg19 : memref<!tpu.dma_semaphore, #tpu.memory_space<semaphore_mem>>) src(%arg6 : memref<128x128xf32, #tpu.memory_space<vmem>>) dst(%dma_wait3A_447 : memref<8193x128xf32, #tpu.memory_space<vmem_shared>>)
      } else {
      }
      %add3A_411 = arith.constant 2 : i32
      %add3A_412 = arith.addi %add3A_397, %add3A_411 : i32
      %lt3A_413 = arith.cmpi slt, %add3A_412, %select_n3A_284 : i32
      %convert_element_type3A_414 = arith.extui %lt3A_413 : i1 to i32
      %cond3A_415 = arith.constant 0 : i32
      %cond3A_416 = arith.cmpi ne, %convert_element_type3A_414, %cond3A_415 : i32
      scf.if %cond3A_416 {
        %mul3A_441 = arith.constant 128 : i32
        %mul3A_442 = arith.muli %add3A_412, %mul3A_441 : i32
        %add3A_443 = arith.addi %sub3A_257, %mul3A_442 : i32
        %min3A_444 = arith.constant 319872 : i32
        %min3A_445 = arith.minsi %add3A_443, %min3A_444 : i32
        %multiple_of3A_446 = tpu.assume_multiple %min3A_445, 8 : i32
        %dma_start3A_447 = arith.constant 0 : i32
        %dma_start3A_448 = tpu.memref_slice %arg2[%multiple_of3A_446, %dma_start3A_447] : memref<320000x128xf32, #tpu.memory_space<hbm>> -> memref<128x128xf32, #tpu.memory_space<hbm>>
        %dma_start3A_449 = arith.constant 0 : i32
        %dma_start3A_450 = tpu.memref_slice %arg2[%multiple_of3A_446, %dma_start3A_449] : memref<320000x128xf32, #tpu.memory_space<hbm>> -> memref<128x128xf32, #tpu.memory_space<hbm>>
        tpu.enqueue_dma source(%dma_start3A_450 : memref<128x128xf32, #tpu.memory_space<hbm>>) target(%arg6 : memref<128x128xf32, #tpu.memory_space<vmem>>) target_semaphore(%arg13 : memref<!tpu.dma_semaphore, #tpu.memory_space<semaphore_mem>>)
        %dma_start3A_451 = arith.constant 0 : i32
        %dma_start3A_452 = arith.constant 0 : i32
        %dma_start3A_453 = tpu.memref_slice %arg9[%dma_start3A_451, %dma_start3A_452] : memref<1x128xi32, #tpu.memory_space<vmem>> -> memref<1x128xi32, #tpu.memory_space<vmem>>
        %dma_start3A_454 = tpu.memref_squeeze %dma_start3A_453 : memref<1x128xi32, #tpu.memory_space<vmem>> -> memref<128xi32, #tpu.memory_space<vmem>>
        %dma_start3A_455 = tpu.memref_slice %arg3[%multiple_of3A_446] : memref<320000xi32, #tpu.memory_space<hbm>> -> memref<128xi32, #tpu.memory_space<hbm>>
        %dma_start3A_456 = arith.constant 0 : i32
        %dma_start3A_457 = tpu.memref_slice %arg9[%dma_start3A_451, %dma_start3A_456] : memref<1x128xi32, #tpu.memory_space<vmem>> -> memref<1x128xi32, #tpu.memory_space<vmem>>
        %dma_start3A_458 = tpu.memref_squeeze %dma_start3A_457 : memref<1x128xi32, #tpu.memory_space<vmem>> -> memref<128xi32, #tpu.memory_space<vmem>>
        %dma_start3A_459 = tpu.memref_slice %arg3[%multiple_of3A_446] : memref<320000xi32, #tpu.memory_space<hbm>> -> memref<128xi32, #tpu.memory_space<hbm>>
        tpu.enqueue_dma source(%dma_start3A_459 : memref<128xi32, #tpu.memory_space<hbm>>) target(%dma_start3A_458 : memref<128xi32, #tpu.memory_space<vmem>>) target_semaphore(%arg16 : memref<!tpu.dma_semaphore, #tpu.memory_space<semaphore_mem>>)
      } else {
      }
      %mul3A_417 = arith.constant 3 : i32
      %mul3A_418 = arith.muli %while3A_370, %mul3A_417 : i32
      %add3A_419 = arith.constant 2 : i32
      %add3A_420 = arith.addi %mul3A_418, %add3A_419 : i32
      %lt3A_421 = arith.cmpi slt, %add3A_420, %select_n3A_284 : i32
      %convert_element_type3A_422 = arith.extui %lt3A_421 : i1 to i32
      %cond3A_423 = arith.constant 0 : i32
      %cond3A_424 = arith.cmpi ne, %convert_element_type3A_422, %cond3A_423 : i32
      scf.if %cond3A_424 {
        %dma_wait3A_441 = arith.constant 0 : i32
        %dma_wait3A_442 = arith.constant 0 : i32
        %dma_wait3A_443 = tpu.memref_slice %arg2[%dma_wait3A_441, %dma_wait3A_442] : memref<320000x128xf32, #tpu.memory_space<hbm>> -> memref<128x128xf32, #tpu.memory_space<hbm>>
        %dma_wait3A_444 = arith.constant 0 : i32
        %dma_wait3A_445 = arith.constant 0 : i32
        %dma_wait3A_446 = tpu.memref_slice %arg2[%dma_wait3A_444, %dma_wait3A_445] : memref<320000x128xf32, #tpu.memory_space<hbm>> -> memref<128x128xf32, #tpu.memory_space<hbm>>
        tpu.wait_dma2 semaphore(%arg15 : memref<!tpu.dma_semaphore, #tpu.memory_space<semaphore_mem>>) src(%dma_wait3A_446 : memref<128x128xf32, #tpu.memory_space<hbm>>) dst(%arg8 : memref<128x128xf32, #tpu.memory_space<vmem>>)
        %dma_wait3A_447 = arith.constant 0 : i32
        %dma_wait3A_448 = arith.constant 0 : i32
        %dma_wait3A_449 = tpu.memref_slice %arg11[%dma_wait3A_447, %dma_wait3A_448] : memref<1x128xi32, #tpu.memory_space<vmem>> -> memref<1x128xi32, #tpu.memory_space<vmem>>
        %dma_wait3A_450 = tpu.memref_squeeze %dma_wait3A_449 : memref<1x128xi32, #tpu.memory_space<vmem>> -> memref<128xi32, #tpu.memory_space<vmem>>
        %dma_wait3A_451 = arith.constant 0 : i32
        %dma_wait3A_452 = tpu.memref_slice %arg3[%dma_wait3A_451] : memref<320000xi32, #tpu.memory_space<hbm>> -> memref<128xi32, #tpu.memory_space<hbm>>
        %dma_wait3A_453 = arith.constant 0 : i32
        %dma_wait3A_454 = tpu.memref_slice %arg11[%dma_wait3A_447, %dma_wait3A_453] : memref<1x128xi32, #tpu.memory_space<vmem>> -> memref<1x128xi32, #tpu.memory_space<vmem>>
        %dma_wait3A_455 = tpu.memref_squeeze %dma_wait3A_454 : memref<1x128xi32, #tpu.memory_space<vmem>> -> memref<128xi32, #tpu.memory_space<vmem>>
        %dma_wait3A_456 = arith.constant 0 : i32
        %dma_wait3A_457 = tpu.memref_slice %arg3[%dma_wait3A_456] : memref<320000xi32, #tpu.memory_space<hbm>> -> memref<128xi32, #tpu.memory_space<hbm>>
        tpu.wait_dma2 semaphore(%arg18 : memref<!tpu.dma_semaphore, #tpu.memory_space<semaphore_mem>>) src(%dma_wait3A_457 : memref<128xi32, #tpu.memory_space<hbm>>) dst(%dma_wait3A_455 : memref<128xi32, #tpu.memory_space<vmem>>)
        %mul3A_458 = arith.constant 128 : i32
        %mul3A_459 = arith.muli %add3A_420, %mul3A_458 : i32
        %add3A_460 = arith.addi %sub3A_257, %mul3A_459 : i32
        %min3A_461 = arith.constant 319872 : i32
        %min3A_462 = arith.minsi %add3A_460, %min3A_461 : i32
        %multiple_of3A_463 = tpu.assume_multiple %min3A_462, 8 : i32
        %mul3A_464 = arith.constant 128 : i32
        %mul3A_465 = arith.muli %add3A_420, %mul3A_464 : i32
        %add3A_466 = arith.addi %sub3A_257, %mul3A_465 : i32
        %max3A_467 = arith.maxsi %add3A_466, %add3A_226 : i32
        %mul3A_468 = arith.constant 128 : i32
        %mul3A_469 = arith.muli %add3A_420, %mul3A_468 : i32
        %add3A_470 = arith.addi %sub3A_257, %mul3A_469 : i32
        %add3A_471 = arith.constant 128 : i32
        %add3A_472 = arith.addi %add3A_470, %add3A_471 : i32
        %min3A_473 = arith.minsi %add3A_472, %add3A_254 : i32
        %get3A_474 = arith.constant 0 : i32
        %get3A_475 = arith.index_cast %get3A_474 : i32 to index
        %get3A_476 = arith.constant 0 : index
        %get3A_477 = tpu.vector_load %arg11[%get3A_475, %get3A_476] {strides = array<i32>} : memref<1x128xi32, #tpu.memory_space<vmem>>, vector<1x16xi32>,
        %get3A_478 = vector.shape_cast %get3A_477 : vector<1x16xi32> to vector<16xi32>
        %add3A_479 = arith.constant 0 : i32
        %add3A_480 = arith.addi %multiple_of3A_463, %add3A_479 : i32
        %add3A_481 = vector.broadcast %add3A_480 : i32 to vector<16xi32>
        %add3A_482 = arith.addi %add3A_481, %iota3A : vector<16xi32>
        %ge3A_483 = vector.broadcast %max3A_467 : i32 to vector<16xi32>
        %ge3A_484 = arith.cmpi sge, %add3A_482, %ge3A_483 : vector<16xi32>
        %lt3A_485 = vector.broadcast %min3A_473 : i32 to vector<16xi32>
        %lt3A_486 = arith.cmpi slt, %add3A_482, %lt3A_485 : vector<16xi32>
        %and3A_487 = arith.andi %ge3A_484, %lt3A_486 : vector<16xi1>
        %sub3A_488 = vector.broadcast %mul3A_286 : i32 to vector<16xi32>
        %sub3A_489 = arith.subi %get3A_478, %sub3A_488 : vector<16xi32>
        %jit3A_490 = arith.constant 8192 : i32
        %broadcast_in_dim3A_491 = vector.broadcast %jit3A_490 : i32 to vector<16xi32>
        %select_n3A_492 = arith.select %and3A_487, %sub3A_489, %broadcast_in_dim3A_491 : vector<16xi1>, vector<16xi32>
        %swap3A = arith.constant 0 : i32
        %swap3A_493 = arith.index_cast %swap3A : i32 to index
        %swap3A_494 = arith.constant 0 : index
        %swap3A_495 = tpu.vector_load %arg11[%swap3A_493, %swap3A_494] {strides = array<i32>} : memref<1x128xi32, #tpu.memory_space<vmem>>, vector<1x16xi32>,
        %swap3A_496 = vector.shape_cast %swap3A_495 : vector<1x16xi32> to vector<16xi32>
        %swap3A_497 = vector.shape_cast %select_n3A_492 : vector<16xi32> to vector<1x16xi32>
        tpu.vector_store %arg11[%swap3A_493, %swap3A_494], %swap3A_497 {strides = array<i32>} : memref<1x128xi32, #tpu.memory_space<vmem>>, vector<1x16xi32>,
        %get3A_498 = arith.constant 0 : i32
        %get3A_499 = arith.index_cast %get3A_498 : i32 to index
        %get3A_500 = arith.constant 16 : index
        %get3A_501 = tpu.vector_load %arg11[%get3A_499, %get3A_500] {strides = array<i32>} : memref<1x128xi32, #tpu.memory_space<vmem>>, vector<1x16xi32>,
        %get3A_502 = vector.shape_cast %get3A_501 : vector<1x16xi32> to vector<16xi32>
        %add3A_503 = arith.constant 16 : i32
        %add3A_504 = arith.addi %multiple_of3A_463, %add3A_503 : i32
        %add3A_505 = vector.broadcast %add3A_504 : i32 to vector<16xi32>
        %add3A_506 = arith.addi %add3A_505, %iota3A : vector<16xi32>
        %ge3A_507 = vector.broadcast %max3A_467 : i32 to vector<16xi32>
        %ge3A_508 = arith.cmpi sge, %add3A_506, %ge3A_507 : vector<16xi32>
        %lt3A_509 = vector.broadcast %min3A_473 : i32 to vector<16xi32>
        %lt3A_510 = arith.cmpi slt, %add3A_506, %lt3A_509 : vector<16xi32>
        %and3A_511 = arith.andi %ge3A_508, %lt3A_510 : vector<16xi1>
        %sub3A_512 = vector.broadcast %mul3A_286 : i32 to vector<16xi32>
        %sub3A_513 = arith.subi %get3A_502, %sub3A_512 : vector<16xi32>
        %jit3A_514 = arith.constant 8192 : i32
        %broadcast_in_dim3A_515 = vector.broadcast %jit3A_514 : i32 to vector<16xi32>
        %select_n3A_516 = arith.select %and3A_511, %sub3A_513, %broadcast_in_dim3A_515 : vector<16xi1>, vector<16xi32>
        %swap3A_517 = arith.constant 0 : i32
        %swap3A_518 = arith.index_cast %swap3A_517 : i32 to index
        %swap3A_519 = arith.constant 16 : index
        %swap3A_520 = tpu.vector_load %arg11[%swap3A_518, %swap3A_519] {strides = array<i32>} : memref<1x128xi32, #tpu.memory_space<vmem>>, vector<1x16xi32>,
        %swap3A_521 = vector.shape_cast %swap3A_520 : vector<1x16xi32> to vector<16xi32>
        %swap3A_522 = vector.shape_cast %select_n3A_516 : vector<16xi32> to vector<1x16xi32>
        tpu.vector_store %arg11[%swap3A_518, %swap3A_519], %swap3A_522 {strides = array<i32>} : memref<1x128xi32, #tpu.memory_space<vmem>>, vector<1x16xi32>,
        %get3A_523 = arith.constant 0 : i32
        %get3A_524 = arith.index_cast %get3A_523 : i32 to index
        %get3A_525 = arith.constant 32 : index
        %get3A_526 = tpu.vector_load %arg11[%get3A_524, %get3A_525] {strides = array<i32>} : memref<1x128xi32, #tpu.memory_space<vmem>>, vector<1x16xi32>,
        %get3A_527 = vector.shape_cast %get3A_526 : vector<1x16xi32> to vector<16xi32>
        %add3A_528 = arith.constant 32 : i32
        %add3A_529 = arith.addi %multiple_of3A_463, %add3A_528 : i32
        %add3A_530 = vector.broadcast %add3A_529 : i32 to vector<16xi32>
        %add3A_531 = arith.addi %add3A_530, %iota3A : vector<16xi32>
        %ge3A_532 = vector.broadcast %max3A_467 : i32 to vector<16xi32>
        %ge3A_533 = arith.cmpi sge, %add3A_531, %ge3A_532 : vector<16xi32>
        %lt3A_534 = vector.broadcast %min3A_473 : i32 to vector<16xi32>
        %lt3A_535 = arith.cmpi slt, %add3A_531, %lt3A_534 : vector<16xi32>
        %and3A_536 = arith.andi %ge3A_533, %lt3A_535 : vector<16xi1>
        %sub3A_537 = vector.broadcast %mul3A_286 : i32 to vector<16xi32>
        %sub3A_538 = arith.subi %get3A_527, %sub3A_537 : vector<16xi32>
        %jit3A_539 = arith.constant 8192 : i32
        %broadcast_in_dim3A_540 = vector.broadcast %jit3A_539 : i32 to vector<16xi32>
        %select_n3A_541 = arith.select %and3A_536, %sub3A_538, %broadcast_in_dim3A_540 : vector<16xi1>, vector<16xi32>
        %swap3A_542 = arith.constant 0 : i32
        %swap3A_543 = arith.index_cast %swap3A_542 : i32 to index
        %swap3A_544 = arith.constant 32 : index
        %swap3A_545 = tpu.vector_load %arg11[%swap3A_543, %swap3A_544] {strides = array<i32>} : memref<1x128xi32, #tpu.memory_space<vmem>>, vector<1x16xi32>,
        %swap3A_546 = vector.shape_cast %swap3A_545 : vector<1x16xi32> to vector<16xi32>
        %swap3A_547 = vector.shape_cast %select_n3A_541 : vector<16xi32> to vector<1x16xi32>
        tpu.vector_store %arg11[%swap3A_543, %swap3A_544], %swap3A_547 {strides = array<i32>} : memref<1x128xi32, #tpu.memory_space<vmem>>, vector<1x16xi32>,
        %get3A_548 = arith.constant 0 : i32
        %get3A_549 = arith.index_cast %get3A_548 : i32 to index
        %get3A_550 = arith.constant 48 : index
        %get3A_551 = tpu.vector_load %arg11[%get3A_549, %get3A_550] {strides = array<i32>} : memref<1x128xi32, #tpu.memory_space<vmem>>, vector<1x16xi32>,
        %get3A_552 = vector.shape_cast %get3A_551 : vector<1x16xi32> to vector<16xi32>
        %add3A_553 = arith.constant 48 : i32
        %add3A_554 = arith.addi %multiple_of3A_463, %add3A_553 : i32
        %add3A_555 = vector.broadcast %add3A_554 : i32 to vector<16xi32>
        %add3A_556 = arith.addi %add3A_555, %iota3A : vector<16xi32>
        %ge3A_557 = vector.broadcast %max3A_467 : i32 to vector<16xi32>
        %ge3A_558 = arith.cmpi sge, %add3A_556, %ge3A_557 : vector<16xi32>
        %lt3A_559 = vector.broadcast %min3A_473 : i32 to vector<16xi32>
        %lt3A_560 = arith.cmpi slt, %add3A_556, %lt3A_559 : vector<16xi32>
        %and3A_561 = arith.andi %ge3A_558, %lt3A_560 : vector<16xi1>
        %sub3A_562 = vector.broadcast %mul3A_286 : i32 to vector<16xi32>
        %sub3A_563 = arith.subi %get3A_552, %sub3A_562 : vector<16xi32>
        %jit3A_564 = arith.constant 8192 : i32
        %broadcast_in_dim3A_565 = vector.broadcast %jit3A_564 : i32 to vector<16xi32>
        %select_n3A_566 = arith.select %and3A_561, %sub3A_563, %broadcast_in_dim3A_565 : vector<16xi1>, vector<16xi32>
        %swap3A_567 = arith.constant 0 : i32
        %swap3A_568 = arith.index_cast %swap3A_567 : i32 to index
        %swap3A_569 = arith.constant 48 : index
        %swap3A_570 = tpu.vector_load %arg11[%swap3A_568, %swap3A_569] {strides = array<i32>} : memref<1x128xi32, #tpu.memory_space<vmem>>, vector<1x16xi32>,
        %swap3A_571 = vector.shape_cast %swap3A_570 : vector<1x16xi32> to vector<16xi32>
        %swap3A_572 = vector.shape_cast %select_n3A_566 : vector<16xi32> to vector<1x16xi32>
        tpu.vector_store %arg11[%swap3A_568, %swap3A_569], %swap3A_572 {strides = array<i32>} : memref<1x128xi32, #tpu.memory_space<vmem>>, vector<1x16xi32>,
        %get3A_573 = arith.constant 0 : i32
        %get3A_574 = arith.index_cast %get3A_573 : i32 to index
        %get3A_575 = arith.constant 64 : index
        %get3A_576 = tpu.vector_load %arg11[%get3A_574, %get3A_575] {strides = array<i32>} : memref<1x128xi32, #tpu.memory_space<vmem>>, vector<1x16xi32>,
        %get3A_577 = vector.shape_cast %get3A_576 : vector<1x16xi32> to vector<16xi32>
        %add3A_578 = arith.constant 64 : i32
        %add3A_579 = arith.addi %multiple_of3A_463, %add3A_578 : i32
        %add3A_580 = vector.broadcast %add3A_579 : i32 to vector<16xi32>
        %add3A_581 = arith.addi %add3A_580, %iota3A : vector<16xi32>
        %ge3A_582 = vector.broadcast %max3A_467 : i32 to vector<16xi32>
        %ge3A_583 = arith.cmpi sge, %add3A_581, %ge3A_582 : vector<16xi32>
        %lt3A_584 = vector.broadcast %min3A_473 : i32 to vector<16xi32>
        %lt3A_585 = arith.cmpi slt, %add3A_581, %lt3A_584 : vector<16xi32>
        %and3A_586 = arith.andi %ge3A_583, %lt3A_585 : vector<16xi1>
        %sub3A_587 = vector.broadcast %mul3A_286 : i32 to vector<16xi32>
        %sub3A_588 = arith.subi %get3A_577, %sub3A_587 : vector<16xi32>
        %jit3A_589 = arith.constant 8192 : i32
        %broadcast_in_dim3A_590 = vector.broadcast %jit3A_589 : i32 to vector<16xi32>
        %select_n3A_591 = arith.select %and3A_586, %sub3A_588, %broadcast_in_dim3A_590 : vector<16xi1>, vector<16xi32>
        %swap3A_592 = arith.constant 0 : i32
        %swap3A_593 = arith.index_cast %swap3A_592 : i32 to index
        %swap3A_594 = arith.constant 64 : index
        %swap3A_595 = tpu.vector_load %arg11[%swap3A_593, %swap3A_594] {strides = array<i32>} : memref<1x128xi32, #tpu.memory_space<vmem>>, vector<1x16xi32>,
        %swap3A_596 = vector.shape_cast %swap3A_595 : vector<1x16xi32> to vector<16xi32>
        %swap3A_597 = vector.shape_cast %select_n3A_591 : vector<16xi32> to vector<1x16xi32>
        tpu.vector_store %arg11[%swap3A_593, %swap3A_594], %swap3A_597 {strides = array<i32>} : memref<1x128xi32, #tpu.memory_space<vmem>>, vector<1x16xi32>,
        %get3A_598 = arith.constant 0 : i32
        %get3A_599 = arith.index_cast %get3A_598 : i32 to index
        %get3A_600 = arith.constant 80 : index
        %get3A_601 = tpu.vector_load %arg11[%get3A_599, %get3A_600] {strides = array<i32>} : memref<1x128xi32, #tpu.memory_space<vmem>>, vector<1x16xi32>,
        %get3A_602 = vector.shape_cast %get3A_601 : vector<1x16xi32> to vector<16xi32>
        %add3A_603 = arith.constant 80 : i32
        %add3A_604 = arith.addi %multiple_of3A_463, %add3A_603 : i32
        %add3A_605 = vector.broadcast %add3A_604 : i32 to vector<16xi32>
        %add3A_606 = arith.addi %add3A_605, %iota3A : vector<16xi32>
        %ge3A_607 = vector.broadcast %max3A_467 : i32 to vector<16xi32>
        %ge3A_608 = arith.cmpi sge, %add3A_606, %ge3A_607 : vector<16xi32>
        %lt3A_609 = vector.broadcast %min3A_473 : i32 to vector<16xi32>
        %lt3A_610 = arith.cmpi slt, %add3A_606, %lt3A_609 : vector<16xi32>
        %and3A_611 = arith.andi %ge3A_608, %lt3A_610 : vector<16xi1>
        %sub3A_612 = vector.broadcast %mul3A_286 : i32 to vector<16xi32>
        %sub3A_613 = arith.subi %get3A_602, %sub3A_612 : vector<16xi32>
        %jit3A_614 = arith.constant 8192 : i32
        %broadcast_in_dim3A_615 = vector.broadcast %jit3A_614 : i32 to vector<16xi32>
        %select_n3A_616 = arith.select %and3A_611, %sub3A_613, %broadcast_in_dim3A_615 : vector<16xi1>, vector<16xi32>
        %swap3A_617 = arith.constant 0 : i32
        %swap3A_618 = arith.index_cast %swap3A_617 : i32 to index
        %swap3A_619 = arith.constant 80 : index
        %swap3A_620 = tpu.vector_load %arg11[%swap3A_618, %swap3A_619] {strides = array<i32>} : memref<1x128xi32, #tpu.memory_space<vmem>>, vector<1x16xi32>,
        %swap3A_621 = vector.shape_cast %swap3A_620 : vector<1x16xi32> to vector<16xi32>
        %swap3A_622 = vector.shape_cast %select_n3A_616 : vector<16xi32> to vector<1x16xi32>
        tpu.vector_store %arg11[%swap3A_618, %swap3A_619], %swap3A_622 {strides = array<i32>} : memref<1x128xi32, #tpu.memory_space<vmem>>, vector<1x16xi32>,
        %get3A_623 = arith.constant 0 : i32
        %get3A_624 = arith.index_cast %get3A_623 : i32 to index
        %get3A_625 = arith.constant 96 : index
        %get3A_626 = tpu.vector_load %arg11[%get3A_624, %get3A_625] {strides = array<i32>} : memref<1x128xi32, #tpu.memory_space<vmem>>, vector<1x16xi32>,
        %get3A_627 = vector.shape_cast %get3A_626 : vector<1x16xi32> to vector<16xi32>
        %add3A_628 = arith.constant 96 : i32
        %add3A_629 = arith.addi %multiple_of3A_463, %add3A_628 : i32
        %add3A_630 = vector.broadcast %add3A_629 : i32 to vector<16xi32>
        %add3A_631 = arith.addi %add3A_630, %iota3A : vector<16xi32>
        %ge3A_632 = vector.broadcast %max3A_467 : i32 to vector<16xi32>
        %ge3A_633 = arith.cmpi sge, %add3A_631, %ge3A_632 : vector<16xi32>
        %lt3A_634 = vector.broadcast %min3A_473 : i32 to vector<16xi32>
        %lt3A_635 = arith.cmpi slt, %add3A_631, %lt3A_634 : vector<16xi32>
        %and3A_636 = arith.andi %ge3A_633, %lt3A_635 : vector<16xi1>
        %sub3A_637 = vector.broadcast %mul3A_286 : i32 to vector<16xi32>
        %sub3A_638 = arith.subi %get3A_627, %sub3A_637 : vector<16xi32>
        %jit3A_639 = arith.constant 8192 : i32
        %broadcast_in_dim3A_640 = vector.broadcast %jit3A_639 : i32 to vector<16xi32>
        %select_n3A_641 = arith.select %and3A_636, %sub3A_638, %broadcast_in_dim3A_640 : vector<16xi1>, vector<16xi32>
        %swap3A_642 = arith.constant 0 : i32
        %swap3A_643 = arith.index_cast %swap3A_642 : i32 to index
        %swap3A_644 = arith.constant 96 : index
        %swap3A_645 = tpu.vector_load %arg11[%swap3A_643, %swap3A_644] {strides = array<i32>} : memref<1x128xi32, #tpu.memory_space<vmem>>, vector<1x16xi32>,
        %swap3A_646 = vector.shape_cast %swap3A_645 : vector<1x16xi32> to vector<16xi32>
        %swap3A_647 = vector.shape_cast %select_n3A_641 : vector<16xi32> to vector<1x16xi32>
        tpu.vector_store %arg11[%swap3A_643, %swap3A_644], %swap3A_647 {strides = array<i32>} : memref<1x128xi32, #tpu.memory_space<vmem>>, vector<1x16xi32>,
        %get3A_648 = arith.constant 0 : i32
        %get3A_649 = arith.index_cast %get3A_648 : i32 to index
        %get3A_650 = arith.constant 112 : index
        %get3A_651 = tpu.vector_load %arg11[%get3A_649, %get3A_650] {strides = array<i32>} : memref<1x128xi32, #tpu.memory_space<vmem>>, vector<1x16xi32>,
        %get3A_652 = vector.shape_cast %get3A_651 : vector<1x16xi32> to vector<16xi32>
        %add3A_653 = arith.constant 112 : i32
        %add3A_654 = arith.addi %multiple_of3A_463, %add3A_653 : i32
        %add3A_655 = vector.broadcast %add3A_654 : i32 to vector<16xi32>
        %add3A_656 = arith.addi %add3A_655, %iota3A : vector<16xi32>
        %ge3A_657 = vector.broadcast %max3A_467 : i32 to vector<16xi32>
        %ge3A_658 = arith.cmpi sge, %add3A_656, %ge3A_657 : vector<16xi32>
        %lt3A_659 = vector.broadcast %min3A_473 : i32 to vector<16xi32>
        %lt3A_660 = arith.cmpi slt, %add3A_656, %lt3A_659 : vector<16xi32>
        %and3A_661 = arith.andi %ge3A_658, %lt3A_660 : vector<16xi1>
        %sub3A_662 = vector.broadcast %mul3A_286 : i32 to vector<16xi32>
        %sub3A_663 = arith.subi %get3A_652, %sub3A_662 : vector<16xi32>
        %jit3A_664 = arith.constant 8192 : i32
        %broadcast_in_dim3A_665 = vector.broadcast %jit3A_664 : i32 to vector<16xi32>
        %select_n3A_666 = arith.select %and3A_661, %sub3A_663, %broadcast_in_dim3A_665 : vector<16xi1>, vector<16xi32>
        %swap3A_667 = arith.constant 0 : i32
        %swap3A_668 = arith.index_cast %swap3A_667 : i32 to index
        %swap3A_669 = arith.constant 112 : index
        %swap3A_670 = tpu.vector_load %arg11[%swap3A_668, %swap3A_669] {strides = array<i32>} : memref<1x128xi32, #tpu.memory_space<vmem>>, vector<1x16xi32>,
        %swap3A_671 = vector.shape_cast %swap3A_670 : vector<1x16xi32> to vector<16xi32>
        %swap3A_672 = vector.shape_cast %select_n3A_666 : vector<16xi32> to vector<1x16xi32>
        tpu.vector_store %arg11[%swap3A_668, %swap3A_669], %swap3A_672 {strides = array<i32>} : memref<1x128xi32, #tpu.memory_space<vmem>>, vector<1x16xi32>,
        %dma_start3A_673 = arith.constant 0 : i32
        %dma_start3A_674 = arith.constant 0 : i32
        %dma_start3A_675 = tpu.memref_slice %arg11[%dma_start3A_673, %dma_start3A_674] : memref<1x128xi32, #tpu.memory_space<vmem>> -> memref<1x128xi32, #tpu.memory_space<vmem>>
        %dma_start3A_676 = tpu.memref_squeeze %dma_start3A_675 : memref<1x128xi32, #tpu.memory_space<vmem>> -> memref<128xi32, #tpu.memory_space<vmem>>
        %dma_start3A_677 = arith.constant 0 : i32
        %dma_start3A_678 = arith.constant 0 : i32
        %dma_start3A_679 = tpu.memref_slice %arg5[%dma_start3A_677, %dma_start3A_678] : memref<8193x128xf32, #tpu.memory_space<vmem_shared>> -> memref<8193x128xf32, #tpu.memory_space<vmem_shared>>
        tpu.enqueue_indirect_dma source(%arg8 : memref<128x128xf32, #tpu.memory_space<vmem>>) target(%dma_start3A_679 : memref<8193x128xf32, #tpu.memory_space<vmem_shared>>) offsets(%dma_start3A_676 : memref<128xi32, #tpu.memory_space<vmem>>) semaphore(%arg21 : memref<!tpu.dma_semaphore, #tpu.memory_space<semaphore_mem>>) {add = true}
      } else {
      }
      %sub3A_425 = arith.constant 1 : i32
      %sub3A_426 = arith.subi %add3A_420, %sub3A_425 : i32
      %ge3A_427 = arith.constant 0 : i32
      %ge3A_428 = arith.cmpi sge, %sub3A_426, %ge3A_427 : i32
      %lt3A_429 = arith.cmpi slt, %sub3A_426, %select_n3A_284 : i32
      %and3A_430 = arith.andi %ge3A_428, %lt3A_429 : i1
      %convert_element_type3A_431 = arith.extui %and3A_430 : i1 to i32
      %cond3A_432 = arith.constant 0 : i32
      %cond3A_433 = arith.cmpi ne, %convert_element_type3A_431, %cond3A_432 : i32
      scf.if %cond3A_433 {
        %dma_wait3A_441 = arith.constant 0 : i32
        %dma_wait3A_442 = arith.constant 0 : i32
        %dma_wait3A_443 = tpu.memref_slice %arg10[%dma_wait3A_441, %dma_wait3A_442] : memref<1x128xi32, #tpu.memory_space<vmem>> -> memref<1x128xi32, #tpu.memory_space<vmem>>
        %dma_wait3A_444 = tpu.memref_squeeze %dma_wait3A_443 : memref<1x128xi32, #tpu.memory_space<vmem>> -> memref<128xi32, #tpu.memory_space<vmem>>
        %dma_wait3A_445 = arith.constant 0 : i32
        %dma_wait3A_446 = arith.constant 0 : i32
        %dma_wait3A_447 = tpu.memref_slice %arg5[%dma_wait3A_445, %dma_wait3A_446] : memref<8193x128xf32, #tpu.memory_space<vmem_shared>> -> memref<8193x128xf32, #tpu.memory_space<vmem_shared>>
        tpu.wait_indirect_dma semaphore(%arg20 : memref<!tpu.dma_semaphore, #tpu.memory_space<semaphore_mem>>) src(%arg7 : memref<128x128xf32, #tpu.memory_space<vmem>>) dst(%dma_wait3A_447 : memref<8193x128xf32, #tpu.memory_space<vmem_shared>>)
      } else {
      }
      %add3A_434 = arith.constant 2 : i32
      %add3A_435 = arith.addi %add3A_420, %add3A_434 : i32
      %lt3A_436 = arith.cmpi slt, %add3A_435, %select_n3A_284 : i32
      %convert_element_type3A_437 = arith.extui %lt3A_436 : i1 to i32
      %cond3A_438 = arith.constant 0 : i32
      %cond3A_439 = arith.cmpi ne, %convert_element_type3A_437, %cond3A_438 : i32
      scf.if %cond3A_439 {
        %mul3A_441 = arith.constant 128 : i32
        %mul3A_442 = arith.muli %add3A_435, %mul3A_441 : i32
        %add3A_443 = arith.addi %sub3A_257, %mul3A_442 : i32
        %min3A_444 = arith.constant 319872 : i32
        %min3A_445 = arith.minsi %add3A_443, %min3A_444 : i32
        %multiple_of3A_446 = tpu.assume_multiple %min3A_445, 8 : i32
        %dma_start3A_447 = arith.constant 0 : i32
        %dma_start3A_448 = tpu.memref_slice %arg2[%multiple_of3A_446, %dma_start3A_447] : memref<320000x128xf32, #tpu.memory_space<hbm>> -> memref<128x128xf32, #tpu.memory_space<hbm>>
        %dma_start3A_449 = arith.constant 0 : i32
        %dma_start3A_450 = tpu.memref_slice %arg2[%multiple_of3A_446, %dma_start3A_449] : memref<320000x128xf32, #tpu.memory_space<hbm>> -> memref<128x128xf32, #tpu.memory_space<hbm>>
        tpu.enqueue_dma source(%dma_start3A_450 : memref<128x128xf32, #tpu.memory_space<hbm>>) target(%arg7 : memref<128x128xf32, #tpu.memory_space<vmem>>) target_semaphore(%arg14 : memref<!tpu.dma_semaphore, #tpu.memory_space<semaphore_mem>>)
        %dma_start3A_451 = arith.constant 0 : i32
        %dma_start3A_452 = arith.constant 0 : i32
        %dma_start3A_453 = tpu.memref_slice %arg10[%dma_start3A_451, %dma_start3A_452] : memref<1x128xi32, #tpu.memory_space<vmem>> -> memref<1x128xi32, #tpu.memory_space<vmem>>
        %dma_start3A_454 = tpu.memref_squeeze %dma_start3A_453 : memref<1x128xi32, #tpu.memory_space<vmem>> -> memref<128xi32, #tpu.memory_space<vmem>>
        %dma_start3A_455 = tpu.memref_slice %arg3[%multiple_of3A_446] : memref<320000xi32, #tpu.memory_space<hbm>> -> memref<128xi32, #tpu.memory_space<hbm>>
        %dma_start3A_456 = arith.constant 0 : i32
        %dma_start3A_457 = tpu.memref_slice %arg10[%dma_start3A_451, %dma_start3A_456] : memref<1x128xi32, #tpu.memory_space<vmem>> -> memref<1x128xi32, #tpu.memory_space<vmem>>
        %dma_start3A_458 = tpu.memref_squeeze %dma_start3A_457 : memref<1x128xi32, #tpu.memory_space<vmem>> -> memref<128xi32, #tpu.memory_space<vmem>>
        %dma_start3A_459 = tpu.memref_slice %arg3[%multiple_of3A_446] : memref<320000xi32, #tpu.memory_space<hbm>> -> memref<128xi32, #tpu.memory_space<hbm>>
        tpu.enqueue_dma source(%dma_start3A_459 : memref<128xi32, #tpu.memory_space<hbm>>) target(%dma_start3A_458 : memref<128xi32, #tpu.memory_space<vmem>>) target_semaphore(%arg17 : memref<!tpu.dma_semaphore, #tpu.memory_space<semaphore_mem>>)
      } else {
      }
      %while3A_440 = arith.constant 0 : i32
      scf.yield %while3A_440 : i32
    }
    %rem3A_351 = arith.constant 3 : i32
    %rem3A_352 = arith.remsi %select_n3A_284, %rem3A_351 : i32
    %eq3A_353 = arith.constant 0 : i32
    %eq3A_354 = arith.cmpi eq, %rem3A_352, %eq3A_353 : i32
    %gt3A = arith.constant 0 : i32
    %gt3A_355 = arith.cmpi sgt, %select_n3A_284, %gt3A : i32
    %and3A_356 = arith.andi %eq3A_354, %gt3A_355 : i1
    %convert_element_type3A_357 = arith.extui %and3A_356 : i1 to i32
    %cond3A_358 = arith.constant 0 : i32
    %cond3A_359 = arith.cmpi ne, %convert_element_type3A_357, %cond3A_358 : i32
    scf.if %cond3A_359 {
      %dma_wait3A_370 = arith.constant 0 : i32
      %dma_wait3A_371 = arith.constant 0 : i32
      %dma_wait3A_372 = tpu.memref_slice %arg11[%dma_wait3A_370, %dma_wait3A_371] : memref<1x128xi32, #tpu.memory_space<vmem>> -> memref<1x128xi32, #tpu.memory_space<vmem>>
      %dma_wait3A_373 = tpu.memref_squeeze %dma_wait3A_372 : memref<1x128xi32, #tpu.memory_space<vmem>> -> memref<128xi32, #tpu.memory_space<vmem>>
      %dma_wait3A_374 = arith.constant 0 : i32
      %dma_wait3A_375 = arith.constant 0 : i32
      %dma_wait3A_376 = tpu.memref_slice %arg5[%dma_wait3A_374, %dma_wait3A_375] : memref<8193x128xf32, #tpu.memory_space<vmem_shared>> -> memref<8193x128xf32, #tpu.memory_space<vmem_shared>>
      tpu.wait_indirect_dma semaphore(%arg21 : memref<!tpu.dma_semaphore, #tpu.memory_space<semaphore_mem>>) src(%arg8 : memref<128x128xf32, #tpu.memory_space<vmem>>) dst(%dma_wait3A_376 : memref<8193x128xf32, #tpu.memory_space<vmem_shared>>)
    } else {
    }
    %barrier3A_360 = arith.constant 0 : index
    tpu.barrier barrier_id(%barrier3A_360)
    %mul3A_361 = arith.constant 512 : i32
    %mul3A_362 = arith.muli %arg1, %mul3A_361 : i32
    %multiple_of3A_363 = tpu.assume_multiple %mul3A_362, 512 : i32
    %mul3A_364 = arith.constant 8192 : i32
    %mul3A_365 = arith.muli %arg0, %mul3A_364 : i32
    %mul3A_366 = arith.constant 512 : i32
    %mul3A_367 = arith.muli %arg1, %mul3A_366 : i32
    %add3A_368 = arith.addi %mul3A_365, %mul3A_367 : i32
    %multiple_of3A_369 = tpu.assume_multiple %add3A_368, 512 : i32
    "tpu.region"() ({
      %run_scoped3A = tpu.sem_alloc : memref<!tpu.dma_semaphore, #tpu.memory_space<semaphore_mem>>
      %dma_start3A_370 = arith.constant 0 : i32
      %dma_start3A_371 = tpu.memref_slice %arg4[%multiple_of3A_369, %dma_start3A_370] : memref<16384x128xf32, #tpu.memory_space<hbm>> -> memref<512x128xf32, #tpu.memory_space<hbm>>
      %dma_start3A_372 = arith.constant 0 : i32
      %dma_start3A_373 = tpu.memref_slice %arg5[%multiple_of3A_363, %dma_start3A_372] : memref<8193x128xf32, #tpu.memory_space<vmem_shared>> -> memref<512x128xf32, #tpu.memory_space<vmem_shared>>
      tpu.enqueue_dma source(%dma_start3A_373 : memref<512x128xf32, #tpu.memory_space<vmem_shared>>) target(%dma_start3A_371 : memref<512x128xf32, #tpu.memory_space<hbm>>) target_semaphore(%run_scoped3A : memref<!tpu.dma_semaphore, #tpu.memory_space<semaphore_mem>>)
      %dma_wait3A_374 = arith.constant 0 : i32
      %dma_wait3A_375 = tpu.memref_slice %arg4[%multiple_of3A_369, %dma_wait3A_374] : memref<16384x128xf32, #tpu.memory_space<hbm>> -> memref<512x128xf32, #tpu.memory_space<hbm>>
      %dma_wait3A_376 = arith.constant 0 : i32
      %dma_wait3A_377 = tpu.memref_slice %arg5[%multiple_of3A_363, %dma_wait3A_376] : memref<8193x128xf32, #tpu.memory_space<vmem_shared>> -> memref<512x128xf32, #tpu.memory_space<vmem_shared>>
      tpu.wait_dma2 semaphore(%run_scoped3A : memref<!tpu.dma_semaphore, #tpu.memory_space<semaphore_mem>>) src(%dma_wait3A_377 : memref<512x128xf32, #tpu.memory_space<vmem_shared>>) dst(%dma_wait3A_375 : memref<512x128xf32, #tpu.memory_space<hbm>>)
      tpu.yield
    }) : () -> ()
    return
  }
}

</mosaic_0001>

<sc_bundles>
// kernel: _segment_sum.3.cloned.1.call-start
scs
__scs_entry_jumppad:
0x0: {  	(pc) =	sbr.rel $0x88, $3  }
0x1: {  	(tag) =	ssettag $0x0;
	lr =	simm.s32 $0x1  }
0x2: {  	[smem:$0x3F9F] =	sst lr;
	_ =	strace $0xD0000000  }
0x3: {  	_ = 	snop  }
0x4: {  	_ = 	snop  }
0x5: {  	_ = 	snop  }
0x6: {  	_ = 	snop  }
0x7: {  	_ = 	snop  }
__scs_overlays_trampoline_lowered:
0x8: {  	[smem:$0x3FAE] =	sst s0  }
0x9: {  	[smem:$0x3FAF] =	sst s1  }
0xa: {  	[smem:$0x3FB0] =	sst s2  }
0xb: {  	[smem:$0x3FB1] =	sst s3  }
0xc: {  	[smem:$0x3FB2] =	sst s4  }
0xd: {  	[smem:$0x3FB3] =	sst s5  }
0xe: {  	[smem:$0x3FB4] =	sst s6  }
0xf: {  	[smem:$0x3FB5] =	sst s7  }
0x10: {  	[smem:$0x3FB6] =	sst s8  }
0x11: {  	[smem:$0x3FB7] =	sst s9;
	s0 =	simm.s32 @!p0 $0x0  }
0x12: {  	s1 =	sld [smem:$0x3F9D];
	s0 =	simm.s32 @p0 $0x1  }
0x13: {  	[smem:$0x3FB8] =	sst s0;
	s0 =	simm.s32 @!p1 $0x0  }
0x14: {  	s2 =	sld [smem:$0x3F9C];
	s0 =	simm.s32 @p1 $0x1  }
0x15: {  	[smem:$0x3FB9] =	sst s0;
	s0 =	simm.s32 @!p2 $0x0  }
0x16: {  	s3 =	sld [smem:$0x3FDB];
	s0 =	simm.s32 @p2 $0x1  }
0x17: {  	s4 =	simm.s32 $0x1BF5;
	[smem:$0x3FBB] =	sst s0  }
0x18: {  	s0 =	sld [smem:$0x3F9E];
	_ =	swait.ge [sflag:s4], $0x0  }
0x19: {  	s7 =	sld [smem:$0x3F9F]  }
0x1a: {  	s8 =	sadd.s32 $0xFFFFE003, lr  }
0x1b: {  	s9 =	sadd.s32 $0xFFFFFEF7, lr;
	s5 =	simm.s32 $0xFFFFFFFF;
	p2 =	slt.u32 s8, $0xFFFFF086  }
0x1c: {  	p1 =	slt.u32 s9, $0xF7A;
	s5 =	simm.s32 @!p2 $0x0  }
0x1d: {  	s5 =	simm.s32 @p1 $0x1;
	p0 =	seq.s32 s7, s2  }
0x1e: {  	s7 =	smul.u32 @!p0 $0xF7A, s2;
	p2 =	seq.s32 @!p0 s5, $0x0  }
0x1f: {  	s9 =	smul.u32 $0xF7A, s1;
	s8 =	simm.s32 @!p0 $0x1BF5;
	p2 =	por !p2, p0  }
0x20: {  	[sflag:s8] =	ssyncset.s32 @!p0 $0xFFFFF086;
	s6 =	sadd.s32 @!p0 s3, s7;
	s7 =	simm.s32 @!p0 $0x108  }
0x21: {  	s3 =	sadd.s32 s3, s9;
	s6 =	sadd.s32 @!p0 $0x88, s6;
	s7 =	simm.s32 @p2 $0x1082  }
0x22: {  	[simem:s7], [sflag:s8] =	dma.local @!p0 [hbm:s6], $0xF7A  }
0x23: {  	s9 =	sor.u32 $0xD0000000, s2;
	s6 =	simm.s32 $0x108;
	_ =	swait.ge @!p0 [sflag:s8], $0x0  }
0x24: {  	s3 =	sadd.s32 $0x88, s3;
	s6 =	simm.s32 @!p1 $0x1082;
	[sflag:s4] =	ssyncset.s32 $0xFFFFF086  }
0x25: {  	[simem:s6], [sflag:s4] =	dma.local [hbm:s3], $0xF7A  }
0x26: {  	[smem:$0x3F9F] =	sst s1;
	(tag) =	ssettag s2;
	_ =	strace s9  }
0x27: {  	s1 =	sld [smem:$0x3FAF]  }
0x28: {  	s2 =	sld [smem:$0x3FB0]  }
0x29: {  	s4 =	sld [smem:$0x3FB2]  }
0x2a: {  	p0 =	seq.s32 s5, $0x0;
	s5 =	sld [smem:$0x3FB3]  }
0x2b: {  	s6 =	sld [smem:$0x3FB4]  }
0x2c: {  	s7 =	sld [smem:$0x3FB5]  }
0x2d: {  	s3 =	simm.s32 $0x108;
	s8 =	sld [smem:$0x3FB6]  }
0x2e: {  	s3 =	simm.s32 @!p0 $0x1082;
	s9 =	sld [smem:$0x3FB7]  }
0x2f: {  	lr =	sadd.s32 s0, s3;
	s0 =	sld [smem:$0x3FAE]  }
0x30: {  	s3 =	sld [smem:$0x3FB1]  }
0x31: {  	[smem:$0x3FBA] =	sst s10  }
0x32: {  	s10 =	sld [smem:$0x3FB8];
	_ =	sdelay $0x3  }
0x33: {  	p0 =	seq.s32 s10, $0x1;
	s10 =	sld [smem:$0x3FBA];
	_ =	sdelay $0x3  }
0x34: {  	[smem:$0x3FBA] =	sst s10  }
0x35: {  	s10 =	sld [smem:$0x3FB9];
	_ =	sdelay $0x3  }
0x36: {  	p1 =	seq.s32 s10, $0x1;
	s10 =	sld [smem:$0x3FBA];
	_ =	sdelay $0x3  }
0x37: {  	[smem:$0x3FBA] =	sst s10  }
0x38: {  	s10 =	sld [smem:$0x3FBB]  }
0x39: {  	_ = 	snop;
	(pc) =	sbr.ind lr, $3  }
0x3a: {  	_ = 	snop  }
0x3b: {  	_ = 	snop  }
0x3c: {  	p2 =	seq.s32 s10, $0x1;
	s10 =	sld [smem:$0x3FBA]  }
0x3d: {  	_ =	shalt  }
0x3e: {  	_ =	shalt  }
0x3f: {  	_ =	shalt  }
0x40: {  	_ =	shalt  }
0x41: {  	_ =	shalt  }
0x42: {  	_ =	shalt  }
0x43: {  	_ =	shalt  }
0x44: {  	_ =	shalt  }
0x45: {  	_ =	shalt  }
0x46: {  	_ =	shalt  }
0x47: {  	_ =	shalt  }
0x48: {  	_ =	shalt  }
0x49: {  	_ =	shalt  }
0x4a: {  	_ =	shalt  }
0x4b: {  	_ =	shalt  }
0x4c: {  	_ =	shalt  }
0x4d: {  	_ =	shalt  }
0x4e: {  	_ =	shalt  }
0x4f: {  	_ =	shalt  }
0x50: {  	_ =	shalt  }
0x51: {  	_ =	shalt  }
0x52: {  	_ =	shalt  }
0x53: {  	_ =	shalt  }
0x54: {  	_ =	shalt  }
0x55: {  	_ =	shalt  }
0x56: {  	_ =	shalt  }
0x57: {  	_ =	shalt  }
0x58: {  	_ =	shalt  }
0x59: {  	_ =	shalt  }
0x5a: {  	_ =	shalt  }
0x5b: {  	_ =	shalt  }
0x5c: {  	_ =	shalt  }
0x5d: {  	_ =	shalt  }
0x5e: {  	_ =	shalt  }
0x5f: {  	_ =	shalt  }
0x60: {  	_ =	shalt  }
0x61: {  	_ =	shalt  }
0x62: {  	_ =	shalt  }
0x63: {  	_ =	shalt  }
0x64: {  	_ =	shalt  }
0x65: {  	_ =	shalt  }
0x66: {  	_ =	shalt  }
0x67: {  	_ =	shalt  }
0x68: {  	_ =	shalt  }
0x69: {  	_ =	shalt  }
0x6a: {  	_ =	shalt  }
0x6b: {  	_ =	shalt  }
0x6c: {  	_ =	shalt  }
0x6d: {  	_ =	shalt  }
0x6e: {  	_ =	shalt  }
0x6f: {  	_ =	shalt  }
0x70: {  	_ =	shalt  }
0x71: {  	_ =	shalt  }
0x72: {  	_ =	shalt  }
0x73: {  	_ =	shalt  }
0x74: {  	_ =	shalt  }
0x75: {  	_ =	shalt  }
0x76: {  	_ =	shalt  }
0x77: {  	_ =	shalt  }
0x78: {  	_ =	shalt  }
0x79: {  	_ =	shalt  }
0x7a: {  	_ =	shalt  }
0x7b: {  	_ =	shalt  }
0x7c: {  	_ =	shalt  }
0x7d: {  	_ =	shalt  }
0x7e: {  	_ =	shalt  }
0x7f: {  	_ =	shalt  }
0x80: {  	_ =	shalt  }
0x81: {  	_ =	shalt  }
0x82: {  	_ =	shalt  }
0x83: {  	_ =	shalt  }
0x84: {  	_ =	shalt  }
0x85: {  	_ =	shalt  }
0x86: {  	_ =	shalt  }
0x87: {  	_ =	shalt  }
.Lfunc_end0:
.L_simem_size_0:
called_computation_lowered:
.L_overlay_start_0:
0x88: {  	s2 =	sld [smem:$0x3FD9]  }
0x89: {  	s3 =	sld [smem:$0x3FFE];
	_ =	sdelay $0x1  }
0x8a: {  	s1 =	srdreg.scid  }
0x8b: {  	s0 =	sand.u32 $0x1, s1  }
0x8c: {  	s18 =	sshll.u32 s0, $0xA;
	s2 =	sadd.s32 s3, s2  }
0x8d: {  	s2 =	sadd.s32 s2, s18  }
0x8e: {  	[smem:$0x3FC6] =	sst s2  }
0x8f: {  	_ = 	snop  }
0x90: {  	s2 =	sld [smem:$0x3FC9]  }
0x91: {  	s19 =	sld [smem:$0x3FC8]  }
0x92: {  	s4 =	sld [smem:$0x3FD0];
	(tm) =	ssettm $0x1  }
0x93: {  	s5 =	sld [smem:$0x3FFB];
	_ =	sdelay $0x3  }
0x94: {  	_ =	strace s5  }
0x95: {  	s5 =	sld [smem:$0x3FFC];
	_ =	sdelay $0x3  }
0x96: {  	_ =	strace s5  }
0x97: {  	s5 =	sld [smem:$0x3FFD];
	_ =	sdelay $0x3  }
0x98: {  	_ =	strace s5  }
0x99: {  	_ =	strace $0x8FFFFFFF  }
0x9a: {  	s20 =	sld [smem:$0x3FDB];
	_ =	sdelay $0x1  }
0x9b: {  	s6 =	simm.s32 $_scs_section_size  }
0x9c: {  	s7 =	simm.s32 $_size__tile_overlayer_lowered;
	s8 =	simm.s32 $_tile_overlayer_lowered  }
0x9d: {  	s23 =	simm.s32 $0x1BFF;
	s22 =	sshll.u32 s8, $0x1;
	s5 =	sadd.s32 s6, s20  }
0x9e: {  	s9 =	simm.s32 $0x0;
	s21 =	sshll.u32 s7, $0x1;
	s7 =	sadd.s32 s22, s5  }
0x9f: {  	[timem:s9], [sflag:s23] =	dma.local [hbm:s7], s21  }
0xa0: {  	_ =	swait.ge [sflag:s23], s21  }
0xa1: {  	s6 =	ssub.s32 $0x0, s21;
	[sflag:s23] =	ssyncset.done $0x0  }
0xa2: {  	[sflag:s23] =	ssyncadd.s32 s6;
	_ =	sdelay $0x1  }
0xa3: {  	s24 =	simm.s32 $0x1B8B  }
0xa4: {  	_ =	swait.ge [sflag:s24], $0x1  }
0xa5: {  	[sflag:s24] =	ssyncset.done $0x0  }
0xa6: {  	s25 =	simm.s32 $0x1B8E;
	[sflag:s24] =	ssyncadd.s32 $0xFFFFFFFF  }
0xa7: {  	s26 =	simm.s32 $execute0_lowered;
	[smem:$0x3FD2] =	sst s25  }
0xa8: {  	s6 =	sshll.u32 s26, $0x1;
	_ =	strace $0x80000046;
	[dreg:$0x1] =	wrdreg $0xFFFFFFFF  }
0xa9: {  	s28 =	simm.s32 $_size_execute0_lowered;
	s5 =	sadd.s32 s5, s6;
	[dreg:$0x0] =	wrdreg $0x0  }
0xaa: {  	s6 =	sshll.u32 s28, $0x1;
	[dreg:$0x2] =	wrdreg s5  }
0xab: {  	[dreg:$0x3] =	wrdreg s6  }
0xac: {  	[dreg:$0x4] =	wrdreg $0xC0  }
0xad: {  	_ =	task [dreg:s9], $0x5FFFF  }
0xae: {  	[dreg:$0x1] =	wrdreg $0xFFFFFFFF  }
0xaf: {  	[dreg:$0x0] =	wrdreg $0x60  }
0xb0: {  	[dreg:$0x2] =	wrdreg s2  }
0xb1: {  	[dreg:$0x3] =	wrdreg s19  }
0xb2: {  	[dreg:$0x4] =	wrdreg s4  }
0xb3: {  	[dreg:$0x5] =	wrdreg $0x0  }
0xb4: {  	[dreg:$0x6] =	wrdreg $0x9  }
0xb5: {  	_ =	task.clear_ibuf [dreg:s9], $0x7FFFF;
	_ =	strace $0x90000046  }
0xb6: {  	s29 =	simm.s32 $0x9;
	_ =	strace $0x80000048  }
0xb7: {  	_ =	swait.ge [sflag:s29], $0x1  }
0xb8: {  	[sflag:s29] =	ssyncadd.s32 $0xFFFFFFFF  }
0xb9: {  	_ =	strace $0x90000048  }
0xba: {  	_ =	sfence  }
0xbb: {  	s30 =	sld [smem:$0x0];
	_ =	sdelay $0x2  }
0xbc: {  	s31 =	sshll.u32 s1, $0xD;
	s1 =	sshrl.u32 s1, $0x2  }
0xbd: {  	s3 =	sand.u32 $0x4000, s31;
	s1 =	sadd.s32 s1, s30  }
0xbe: {  	s0 =	sor.u32 s3, s0;
	s1 =	sshll.u32 s1, $0x11  }
0xbf: {  	s0 =	sor.u32 s1, s0  }
0xc0: {  	s0 =	sadd.s32 $0x8F2B, s0  }
0xc1: {  	[sflag:s0] =	ssyncadd.remote.s32 $0x1  }
0xc2: {  	_ =	sfence.sel $0xFFFF  }
0xc3: {  	[dreg:$0x0] =	wrdreg $0xFFFFFFFF;
	(pc) =	sbr.abs _section_cstart, $3  }
0xc4: {  	[dreg:$0x1] =	wrdreg $0xFFFFFFFF  }
0xc5: {  	_ =	task.clear_ibuf [dreg:s9], $0x2FFFF;
	_ =	strace $0x9FFFFFFF  }
0xc6: {  	(tm) =	ssettm $0x7FFFFFFF  }
0xc7: {  	_ =	shalt  }
tec
execute0_lowered:
.L_overlay_start_1:
0x0: {  	(tag) =	ssettag $0x1  }
0x1: {  	s1 =	rddreg [dreg:$0x0]  }
0x2: {  	s2 =	rddreg [dreg:$0x1]  }
0x3: {  	s0 =	rddreg [dreg:$0x2]  }
0x4: {  	s4 =	rddreg [dreg:$0x3]  }
0x5: {  	s3 =	srdreg.scid;
	s5 =	simm.s32 $0x0;
	s10 =	stileid.u32  }
0x6: {  	s15 =	simm.s32 $0x1;
	s16 =	simm.s32 $0x1C188;
	s17 =	simm.s32 $0xA  }
0x7: {  	s20 =	simm.s32 $0x4;
	s21 =	simm.s32 $0x80;
	s22 =	simm.s32 $0x2  }
0x8: {  	s23 =	simm.s32 $0x5;
	s28 =	simm.s32 $0x6;
	s3 =	sand.u32 $0x1, s3  }
0x9: {  	[smem:$0x7FF] =	sst s5;
	s7 =	sshll.u32 s10, $0x10;
	s26 =	sadd.s32 $0x1, s10  }
0xa: {  	s9 =	sshll.u32 s10, $0xD;
	s11 =	sadd.s32 $0x3FEA, s10;
	s6 =	ssub.s32 $0x2, s3  }
0xb: {  	_ =	strace $0x80000047;
	s12 =	sadd.s32 s7, s4;
	[dreg:$0x9] =	wrdreg s26  }
0xc: {  	s29 =	sshll.u32 s3, $0x11;
	s30 =	sshll.u32 s3, $0xD;
	p0 =	seq.s32 s3, $0x0  }
0xd: {  	s8 =	sshrl.u32 s6, $0x1;
	s7 =	sadd.s32 $0x4000, s12;
	[dreg:$0x5] =	wrdreg s12  }
.Ltmp0:
0xe: {  	s24 =	sadd.s32 $0x8000, s12;
	[dreg:$0x6] =	wrdreg s7;
	(pc) =	sbr.rel .LBB2_1-.Ltmp0, $4  }
0xf: {  	s25 =	sadd.s32 $0xC000, s12;
	s0 =	sadd.s32 s0, s29;
	[dreg:$0x7] =	wrdreg s24  }
0x10: {  	s6 =	ssub.s32 s6, s8;
	[dreg:$0x8] =	wrdreg s25;
	s0 =	sadd.s32 s9, s0  }
0x11: {  	s26 =	simm.s32 $0x3;
	[dreg:$0xa] =	wrdreg s0;
	s31 =	smax.u32 s6, $0x1  }
0x12: {  	v1 =	vimm.f32 $0.0e+00;
	v2 =	vlaneseq.u32;
	s3 =	simm.s32 $0x0;
	v0 =	vmov s30;
	s25 =	simm.s32 $0x10008;
	[dreg:$0xb] =	wrdreg s31  }
.LBB2_15:
0x13: {  	s0 =	smulhi.u32 $0x55555556, s9;
	s3 =	sshra.s32 s9, $0x1F  }
0x14: {  	s3 =	smul.u32 $0x55555556, s3;
	_ =	sdelay $0x1  }
0x15: {  	s0 =	sadd.s32 s3, s0  }
0x16: {  	s3 =	sshrl.u32 s0, $0x1F  }
0x17: {  	s0 =	sadd.s32 s3, s0  }
0x18: {  	s0 =	smul.u32 $0x3, s0;
	_ =	sdelay $0x1  }
0x19: {  	s0 =	ssub.s32 s9, s0  }
0x1a: {  	p2 =	sne.s32 @!p1 s0, $0x0  }
0x1b: {  	p1 =	por p2, p1  }
0x1c: {  	s0 =	simm.s32 @!p1 $0x9  }
0x1d: {  	_ =	swait.ge @!p1 [sflag:s0], $0x4000  }
0x1e: {  	[sflag:s0] =	ssyncset.done @!p1 $0x0  }
0x1f: {  	[sflag:s0] =	ssyncadd.s32 @!p1 $0xFFFFC000  }
0x20: {  	[bflag:$0x0] =	sbarrier.arrive $0xFFFF  }
0x21: {  	s24 =	sshll.u32 s19, $0x6;
	s12 =	rddreg [dreg:$0x5]  }
0x22: {  	s0 =	sor.u32 $0x1C0A, s24;
	s6 =	rddreg [dreg:$0xa];
	s29 =	sshrl.u32 s12, $0x3  }
0x23: {  	[hbm:s6], [sflag:s0] =	dma.local [spmem:s29], $0x2000  }
0x24: {  	_ =	swait.ge [sflag:s17], $0x2000  }
0x25: {  	s30 =	rddreg [dreg:$0xc]  }
0x26: {  	s31 =	rddreg [dreg:$0xb];
	s3 =	sadd.s32 $0x1, s30  }
0x27: {  	p1 =	sne.s32 s3, s31  }
.Ltmp1:
0x28: {  	_ = 	snop;
	(pc) =	sbr.rel @!p1 .LBB2_16-.Ltmp1, $3  }
0x29: {  	_ =	sdelay $0x1  }
0x2a: {  	[sflag:s17] =	ssyncset.done $0x0  }
0x2b: {  	[sflag:s17] =	ssyncadd.s32 $0xFFFFE000  }
.LBB2_1:
0x2c: {  	[dreg:$0xc] =	wrdreg s3;
	s0 =	simm.s32 $0x0;
	s3 =	simm.s32 $0x200  }
.LBB2_2:
0x2d: {  	p1 =	sne.s32 s3, $0xFE00;
	[tilespmem:s0+$0x10078] =	vst v1  }
0x2e: {  	[tilespmem:s0+$0x10008] =	vst v1  }
0x2f: {  	[tilespmem:s0+$0x10018] =	vst v1  }
.Ltmp2:
0x30: {  	[tilespmem:s0+$0x10028] =	vst v1;
	(pc) =	sbr.rel @p1 .LBB2_2-.Ltmp2, $4  }
0x31: {  	[tilespmem:s0+$0x10038] =	vst v1  }
0x32: {  	[tilespmem:s0+$0x10048] =	vst v1  }
0x33: {  	[tilespmem:s0+$0x10058] =	vst v1  }
0x34: {  	[tilespmem:s0+$0x10068] =	vst v1;
	s0 =	sshra.s32 s3, $0x2;
	s3 =	sadd.s32 $0x200, s3  }
0x35: {  	[tilespmem:s0+$0x10078] =	vst v1  }
0x36: {  	[tilespmem:s0+$0x10008] =	vst v1  }
0x37: {  	[tilespmem:s0+$0x10018] =	vst v1  }
0x38: {  	[tilespmem:s0+$0x10028] =	vst v1  }
0x39: {  	[tilespmem:s0+$0x10038] =	vst v1  }
0x3a: {  	[tilespmem:s0+$0x10048] =	vst v1  }
0x3b: {  	[tilespmem:s0+$0x10058] =	vst v1  }
0x3c: {  	[tilespmem:s0+$0x10068] =	vst v1;
	p1 =	por $0x1, $0x1;
	s0 =	simm.s32 $0x1  }
0x3d: {  	[spmem:s12] =	stream.linear.scatter [tilespmem:s25], [sflag:$0x7], $0x4000, $0x38;
	[tilespmem:$0x1C208] =	vst v63  }
0x3e: {  	s3 =	simm.s32 $0x4E21;
	s6 =	simm.s32 $0x0;
	s0 =	simm.s32 @!p1 $0x0  }
0x3f: {  	s24 =	rddreg [dreg:$0x6];
	s3 =	sand.u32 $0x1, s3;
	s0 =	sor.u32 s0, s6  }
0x40: {  	[spmem:s24] =	stream.linear.scatter [tilespmem:s25], [sflag:$0x7], $0x4000, $0x38;
	[tilespmem:$0x1C208] =	vst v63  }
0x41: {  	p2 =	seq.s32 s3, $0x1;
	p6 =	sne.s32 s0, $0x1  }
0x42: {  	s29 =	rddreg [dreg:$0x7];
	p1 =	por !p6, !p2  }
0x43: {  	[spmem:s29] =	stream.linear.scatter [tilespmem:s25], [sflag:$0x7], $0x4000, $0x38;
	[tilespmem:$0x1C208] =	vst v63  }
0x44: {  	s0 =	simm.s32 $0x1;
	p1 =	por !p1, !p1  }
0x45: {  	s30 =	rddreg [dreg:$0x8];
	s0 =	simm.s32 @!p1 $0x0  }
0x46: {  	[spmem:s30] =	stream.linear.scatter [tilespmem:s25], [sflag:$0x7], $0x4000, $0x38;
	[tilespmem:$0x1C208] =	vst v63  }
0x47: {  	s9 =	ssub.s32 $0x270F, s0  }
0x48: {  	p1 =	sgt.s32 s9, $0x0;
	s0 =	smov.u32 s9  }
0x49: {  	s0 =	simm.s32 @!p1 $0x0  }
0x4a: {  	s0 =	sshll.u32 s0, $0x1  }
0x4b: {  	s0 =	sand.u32 $0x1FFFFFFE, s0  }
0x4c: {  	s0 =	sadd.s32 s2, s0  }
0x4d: {  	[tilespmem:s16], [sflag:$0xA] =	stream.linear.gather [hbm4b:s0+s5], $0x10, $0x38;
	[tilespmem:$0x1C208] =	vst v63  }
0x4e: {  	_ =	swait.ge [sflag:s17], $0x10  }
0x4f: {  	[sflag:s17] =	ssyncset.done $0x0  }
0x50: {  	[sflag:s17] =	ssyncadd.s32 $0xFFFFFFF0  }
0x51: {  	v3 =	vld [tilespmem:$0x1C188];
	_ =	sdelay $0x4  }
0x52: {  	(v2sf) =	vpush v3, $0x0;
	_ =	sdelay $0xd  }
0x53: {  	s7 =	simm.s32 $0x4E20;
	s8 =	simm.s32 $0xE  }
0x54: {  	s3 =	simm.s32 $0xFFFFFFFF;
	s6 =	simm.s32 $0x4E20;
	s31 =	spop (v2sf)  }
0x55: {  	p2 =	por $0x1, $0x1;
	p1 =	slt.s32 s31, $0x2000;
	p3 =	sgt.s32 s31, $0x1FFF  }
0x56: {  	s0 =	simm.s32 $0xFFFFFFFF;
	s3 =	smov.u32 @p1 s9;
	s6 =	smov.u32 @p3 s9  }
.LBB2_4:
0x57: {  	p1 =	sne.s32 s8, $0x1  }
0x58: {  	s0 =	smov.u32 @p2 s3;
	s7 =	smov.u32 @p2 s6;
	s8 =	sadd.s32 $0xFFFFFFFF, s8  }
0x59: {  	s6 =	simm.s32 $0x1;
	s9 =	ssub.s32 s7, s0;
	p2 =	sne.s32 s7, s0  }
0x5a: {  	s3 =	sshra.s32 s9, $0x1F;
	s6 =	simm.s32 @!p2 $0x0;
	s10 =	sand.u32 $0x1, s9  }
0x5b: {  	s12 =	sshrl.u32 s9, $0x1F;
	s3 =	sor.u32 s6, s3  }
0x5c: {  	s6 =	sadd.s32 s12, s9;
	p3 =	seq.s32 s10, $0x1;
	p2 =	sne.s32 s3, $0x1  }
0x5d: {  	s3 =	sshra.s32 s6, $0x1;
	p2 =	por !p2, !p3  }
0x5e: {  	s6 =	simm.s32 $0x1;
	p2 =	por !p2, !p2  }
0x5f: {  	s3 =	sadd.s32 s0, s3;
	s6 =	simm.s32 @!p2 $0x0  }
0x60: {  	s10 =	ssub.s32 s3, s6  }
0x61: {  	p2 =	sgt.s32 s10, $0x0;
	s3 =	smov.u32 s10  }
0x62: {  	s3 =	simm.s32 @!p2 $0x0  }
0x63: {  	s3 =	sshll.u32 s3, $0x1  }
0x64: {  	s3 =	sand.u32 $0x1FFFFFFE, s3  }
0x65: {  	s3 =	sadd.s32 s2, s3  }
0x66: {  	[tilespmem:s16], [sflag:$0xA] =	stream.linear.gather [hbm4b:s3+s5], $0x10, $0x38;
	[tilespmem:$0x1C208] =	vst v63  }
0x67: {  	_ =	swait.ge [sflag:s17], $0x10  }
0x68: {  	[sflag:s17] =	ssyncset.done $0x0  }
0x69: {  	[sflag:s17] =	ssyncadd.s32 $0xFFFFFFF0  }
0x6a: {  	v3 =	vld [tilespmem:$0x1C188];
	_ =	sdelay $0x4  }
0x6b: {  	(v2sf) =	vpush v3, $0x0;
	_ =	sdelay $0xc  }
.Ltmp3:
0x6c: {  	(pc) =	sbr.rel @p1 .LBB2_4-.Ltmp3, $4  }
0x6d: {  	_ = 	snop  }
0x6e: {  	s6 =	smov.u32 s7;
	s3 =	spop (v2sf)  }
0x6f: {  	p3 =	slt.s32 s3, $0x2000;
	p4 =	sgt.s32 s3, $0x1FFF;
	s3 =	smov.u32 s0  }
0x70: {  	p2 =	sgt.s32 s9, $0x1;
	s3 =	smov.u32 @p3 s10;
	s6 =	smov.u32 @p4 s10  }
0x71: {  	s0 =	smov.u32 @p2 s3  }
0x72: {  	p1 =	sgt.s32 s0, $0x0;
	s3 =	smov.u32 s0  }
0x73: {  	s3 =	simm.s32 @!p1 $0x0  }
0x74: {  	s3 =	sshll.u32 s3, $0x1  }
0x75: {  	s3 =	sand.u32 $0x1FFFFFFE, s3  }
0x76: {  	s3 =	sadd.s32 s2, s3  }
0x77: {  	[tilespmem:s16], [sflag:$0xA] =	stream.linear.gather [hbm4b:s3+s5], $0x10, $0x38;
	[tilespmem:$0x1C208] =	vst v63  }
0x78: {  	_ =	swait.ge [sflag:s17], $0x10  }
0x79: {  	[sflag:s17] =	ssyncset.done $0x0  }
0x7a: {  	[sflag:s17] =	ssyncadd.s32 $0xFFFFFFF0  }
0x7b: {  	v3 =	vld [tilespmem:$0x1C188];
	_ =	sdelay $0x4  }
0x7c: {  	v3 =	vadd.s32 $0xFFFFDFFF, v3  }
0x7d: {  	(v2sf) =	vpush v3, $0x0;
	_ =	sdelay $0x1  }
0x7e: {  	(v2sf) =	vpush v3, $0x1  }
0x7f: {  	(v2sf) =	vpush v3, $0x2  }
0x80: {  	(v2sf) =	vpush v3, $0x3  }
0x81: {  	(v2sf) =	vpush v3, $0x4  }
0x82: {  	(v2sf) =	vpush v3, $0x5  }
0x83: {  	(v2sf) =	vpush v3, $0x6  }
0x84: {  	(v2sf) =	vpush v3, $0x7  }
0x85: {  	(v2sf) =	vpush v3, $0x8  }
0x86: {  	(v2sf) =	vpush v3, $0x9  }
0x87: {  	(v2sf) =	vpush v3, $0xA  }
0x88: {  	(v2sf) =	vpush v3, $0xB  }
0x89: {  	(v2sf) =	vpush v3, $0xC  }
0x8a: {  	(v2sf) =	vpush v3, $0xD  }
0x8b: {  	s14 =	spop (v2sf);
	(v2sf) =	vpush v3, $0xE;
	_ =	sdelay $0x1  }
0x8c: {  	s6 =	spop (v2sf)  }
0x8d: {  	s7 =	spop (v2sf)  }
0x8e: {  	s8 =	spop (v2sf)  }
0x8f: {  	s9 =	spop (v2sf)  }
0x90: {  	s10 =	spop (v2sf)  }
0x91: {  	s12 =	spop (v2sf)  }
0x92: {  	s3 =	simm.s32 $0x1;
	p1 =	slt.s32 s14, $0xFFFFFFFF;
	s13 =	spop (v2sf)  }
0x93: {  	s3 =	simm.s32 @!p1 $0x0;
	s24 =	spop (v2sf)  }
0x94: {  	p1 =	slt.s32 s6, $0xFFFFFFFF;
	s6 =	simm.s32 $0x1;
	s25 =	spop (v2sf)  }
0x95: {  	s14 =	sshll.u32 s0, $0x4;
	s6 =	simm.s32 @!p1 $0x0;
	s29 =	spop (v2sf)  }
0x96: {  	p1 =	slt.s32 s7, $0xFFFFFFFF;
	s7 =	simm.s32 $0x1;
	s30 =	spop (v2sf)  }
0x97: {  	s7 =	simm.s32 @!p1 $0x0;
	p1 =	slt.s32 s8, $0xFFFFFFFF;
	s19 =	spop (v2sf)  }
0x98: {  	s8 =	simm.s32 $0x1;
	s6 =	sor.u32 s6, s14;
	s18 =	spop (v2sf)  }
0x99: {  	s8 =	simm.s32 @!p1 $0x0;
	p1 =	slt.s32 s9, $0xFFFFFFFF;
	s31 =	spop (v2sf);
	(v2sf) =	vpush v3, $0xF  }
0x9a: {  	s9 =	simm.s32 $0x1;
	s3 =	sadd.s32 s3, s6;
	s6 =	simm.s32 $0x1  }
0x9b: {  	p2 =	slt.s32 s10, $0xFFFFFFFF;
	s10 =	simm.s32 $0x1;
	s9 =	simm.s32 @!p1 $0x0  }
0x9c: {  	s3 =	sadd.s32 s7, s3;
	s7 =	simm.s32 $0x1;
	s10 =	simm.s32 @!p2 $0x0  }
0x9d: {  	p1 =	slt.s32 s12, $0xFFFFFFFF;
	s12 =	simm.s32 $0x1;
	s3 =	sadd.s32 s8, s3  }
0x9e: {  	s8 =	simm.s32 $0x1;
	p2 =	slt.s32 s13, $0xFFFFFFFF;
	s13 =	simm.s32 $0x1  }
0x9f: {  	s12 =	simm.s32 @!p1 $0x0;
	s3 =	sadd.s32 s9, s3;
	s9 =	simm.s32 $0x1  }
0xa0: {  	s13 =	simm.s32 @!p2 $0x0;
	p1 =	slt.s32 s24, $0xFFFFFFFF;
	s3 =	sadd.s32 s10, s3  }
0xa1: {  	s10 =	simm.s32 $0x1;
	p2 =	slt.s32 s25, $0xFFFFFFFF;
	s6 =	simm.s32 @!p1 $0x0  }
0xa2: {  	s3 =	sadd.s32 s12, s3;
	s7 =	simm.s32 @!p2 $0x0;
	p1 =	slt.s32 s29, $0xFFFFFFFF  }
0xa3: {  	s3 =	sadd.s32 s13, s3;
	p2 =	slt.s32 s30, $0xFFFFFFFF;
	s8 =	simm.s32 @!p1 $0x0  }
0xa4: {  	s3 =	sadd.s32 s6, s3;
	s6 =	simm.s32 $0x1;
	s9 =	simm.s32 @!p2 $0x0  }
0xa5: {  	p1 =	slt.s32 s19, $0xFFFFFFFF;
	s3 =	sadd.s32 s7, s3;
	s7 =	simm.s32 $0x1  }
0xa6: {  	p2 =	slt.s32 s18, $0xFFFFFFFF;
	s10 =	simm.s32 @!p1 $0x0;
	s3 =	sadd.s32 s8, s3  }
0xa7: {  	s8 =	simm.s32 $0x1;
	s6 =	simm.s32 @!p2 $0x0;
	s3 =	sadd.s32 s9, s3  }
0xa8: {  	p1 =	slt.s32 s31, $0xFFFFFFFF;
	s3 =	sadd.s32 s10, s3;
	s24 =	spop (v2sf)  }
0xa9: {  	s7 =	simm.s32 @!p1 $0x0;
	s3 =	sadd.s32 s6, s3;
	p1 =	slt.s32 s24, $0xFFFFFFFF  }
0xaa: {  	s3 =	sadd.s32 s7, s3;
	s8 =	simm.s32 @!p1 $0x0  }
0xab: {  	p1 =	slt.s32 s0, $0x0;
	s0 =	sadd.s32 s8, s3  }
0xac: {  	s0 =	simm.s32 @p1 $0x0  }
0xad: {  	s6 =	smov.u32 s0  }
0xae: {  	s0 =	simm.s32 @!p0 $0x4E200;
	s6 =	simm.s32 @p0 $0x0  }
0xaf: {  	s19 =	stileid.u32;
	s0 =	ssub.s32 s0, s6  }
0xb0: {  	s8 =	rddreg [dreg:$0x9];
	s25 =	smul.u32 s19, s0  }
0xb1: {  	s0 =	smul.u32 s8, s0;
	s8 =	simm.s32 $0x1  }
0xb2: {  	s30 =	sshra.s32 s25, $0x1F;
	s31 =	sand.u32 $0xF, s25;
	p5 =	slt.s32 s25, $0x1  }
0xb3: {  	s9 =	sshra.s32 s0, $0x1F;
	s7 =	sshrl.u32 s30, $0x1C;
	p6 =	sne.s32 s31, $0x0  }
0xb4: {  	s12 =	sand.u32 $0xF, s0;
	s3 =	sadd.s32 s7, s25;
	p1 =	por !p5, !p6  }
0xb5: {  	s7 =	simm.s32 $0x1;
	s3 =	sshra.s32 s3, $0x4;
	p1 =	por !p1, !p1  }
0xb6: {  	p3 =	slt.s32 s0, $0x1;
	s3 =	sadd.s32 s6, s3;
	s7 =	simm.s32 @!p1 $0x0  }
0xb7: {  	s10 =	sshrl.u32 s9, $0x1C;
	p4 =	sne.s32 s12, $0x0;
	s3 =	ssub.s32 s3, s7  }
0xb8: {  	p1 =	por !p3, !p4;
	s7 =	sadd.s32 s10, s0;
	s14 =	sshra.s32 s3, $0x1F  }
0xb9: {  	p1 =	por !p1, !p1;
	s13 =	sshra.s32 s7, $0x4;
	s7 =	sshrl.u32 s14, $0x1D  }
0xba: {  	s8 =	simm.s32 @!p1 $0x0;
	s0 =	sadd.s32 s6, s13;
	s18 =	sadd.s32 s7, s3  }
0xbb: {  	s25 =	simm.s32 $0x7;
	s24 =	ssub.s32 s0, s8;
	s8 =	sand.u32 $0xFFFFFFF8, s18  }
0xbc: {  	_ =	swait.ge [sflag:s25], $0x4000;
	s0 =	ssub.s32 s24, s8  }
0xbd: {  	[sflag:s25] =	ssyncset.done $0x0;
	s0 =	sadd.s32 $0x7F, s0  }
0xbe: {  	[sflag:s25] =	ssyncadd.s32 $0xFFFFC000;
	s31 =	sand.u32 $0x7F, s0  }
0xbf: {  	s30 =	sshra.s32 s0, $0x1F;
	p5 =	slt.s32 s0, $0x1;
	p6 =	sne.s32 s31, $0x0  }
0xc0: {  	_ =	swait.ge [sflag:s25], $0x4000;
	s6 =	sshrl.u32 s30, $0x19;
	p1 =	por !p5, !p6  }
0xc1: {  	s0 =	sadd.s32 s6, s0;
	s6 =	simm.s32 $0x1;
	p1 =	por !p1, !p1  }
0xc2: {  	[sflag:s25] =	ssyncset.done $0x0;
	s0 =	sshra.s32 s0, $0x7;
	s6 =	simm.s32 @!p1 $0x0  }
0xc3: {  	[sflag:s25] =	ssyncadd.s32 $0xFFFFC000;
	s9 =	ssub.s32 s0, s6  }
0xc4: {  	_ =	swait.ge [sflag:s25], $0x4000;
	p1 =	slt.s32 s9, $0x1  }
.Ltmp4:
0xc5: {  	[sflag:s25] =	ssyncset.done $0x0;
	(pc) =	sbr.rel @p1 .LBB2_7-.Ltmp4, $4  }
0xc6: {  	[sflag:s25] =	ssyncadd.s32 $0xFFFFC000  }
0xc7: {  	_ =	swait.ge [sflag:s25], $0x4000  }
0xc8: {  	[sflag:s25] =	ssyncset.done $0x0  }
0xc9: {  	s29 =	simm.s32 $0x1C008;
	[sflag:s25] =	ssyncadd.s32 $0xFFFFC000;
	s25 =	simm.s32 $0x10008  }
0xca: {  	p2 =	slt.s32 s8, $0x4E180;
	s0 =	smov.u32 s8  }
0xcb: {  	s0 =	simm.s32 @!p2 $0x4E180  }
0xcc: {  	s6 =	sshll.u32 s0, $0x4  }
0xcd: {  	s6 =	sand.u32 $0xFFFFF80, s6  }
0xce: {  	s6 =	sadd.s32 s1, s6  }
0xcf: {  	[tilespmem:s25], [sflag:$0x1] =	stream.linear.gather [hbm4b:s6+s5], $0x4000, $0x38;
	[tilespmem:$0x1C208] =	vst v63  }
0xd0: {  	s6 =	sld [smem:$0x7FF]  }
0xd1: {  	s7 =	sand.u32 $0x7, s0  }
0xd2: {  	p2 =	seq.s32 s7, $0x0  }
0xd3: {  	p3 =	sne.s32 @!p2 s6, $0x1  }
0xd4: {  	p2 =	por !p3, p2  }
0xd5: {  	s6 =	sor.u32 @!p2 $0x100000, s11  }
0xd6: {  	[smem:s6], [sflag:$0x0] =	smem.add.s32 @!p2 $0x142;
	s6 =	simm.s32 @!p2 $0x0  }
0xd7: {  	s7 =	simm.s32 @!p2 $0x1;
	_ =	swait.done @!p2 [sflag:s6]  }
0xd8: {  	[smem:$0x7FF] =	sst @!p2 s7  }
0xd9: {  	s0 =	sshrl.u32 s0, $0x3;
	_ =	sint @!p2 $0x2  }
0xda: {  	s0 =	sadd.s32 s2, s0;
	_ =	swait.notdone @!p2 [sflag:s6];
	p2 =	seq.s32 s9, $0x1  }
0xdb: {  	[tilespmem:s29], [sflag:$0x4] =	stream.linear.gather [hbm4b:s0+s5], $0x80, $0x38;
	[tilespmem:$0x1C208] =	vst v63  }
0xdc: {  	s0 =	sadd.s32 @!p2 $0x80, s8  }
0xdd: {  	p3 =	slt.s32 @!p2 s0, $0x4E180  }
0xde: {  	p3 =	por !p3, p2  }
0xdf: {  	s0 =	simm.s32 @p3 $0x4E180  }
0xe0: {  	s6 =	sshll.u32 @!p2 s0, $0x4  }
0xe1: {  	s6 =	sand.u32 @!p2 $0xFFFFF80, s6  }
0xe2: {  	s7 =	simm.s32 @!p2 $0x0;
	s10 =	simm.s32 @!p2 $0x14008;
	s6 =	sadd.s32 @!p2 s1, s6  }
0xe3: {  	[tilespmem:s10], [sflag:$0x2] =	stream.linear.gather @!p2 [hbm4b:s6+s7], $0x4000, $0x38;
	[tilespmem:$0x1C208] =	vst v63  }
0xe4: {  	s6 =	sand.u32 @!p2 $0x7, s0;
	s10 =	sld @!p2 [smem:$0x7FF]  }
0xe5: {  	p3 =	seq.s32 @!p2 s6, $0x0  }
0xe6: {  	p4 =	por p3, p2  }
0xe7: {  	p4 =	sne.s32 @!p4 s10, $0x1  }
0xe8: {  	p3 =	por @!p2 !p4, p3  }
0xe9: {  	p3 =	por p3, p2  }
0xea: {  	s6 =	sor.u32 @!p3 $0x100000, s11  }
0xeb: {  	[smem:s6], [sflag:$0x0] =	smem.add.s32 @!p3 $0x14E;
	s6 =	simm.s32 @!p3 $0x0  }
0xec: {  	s10 =	simm.s32 @!p3 $0x1;
	_ =	swait.done @!p3 [sflag:s6]  }
0xed: {  	[smem:$0x7FF] =	sst @!p3 s10  }
0xee: {  	s0 =	sshrl.u32 @!p2 s0, $0x3;
	_ =	sint @!p3 $0x2  }
0xef: {  	s0 =	sadd.s32 @!p2 s2, s0;
	_ =	swait.notdone @!p3 [sflag:s6];
	s6 =	simm.s32 @!p2 $0x1C088  }
0xf0: {  	[tilespmem:s6], [sflag:$0x5] =	stream.linear.gather @!p2 [hbm4b:s0+s7], $0x80, $0x38;
	[tilespmem:$0x1C208] =	vst v63  }
.LBB2_7:
0xf1: {  	s0 =	sadd.s32 $0x2, s9  }
0xf2: {  	s6 =	smulhi.u32 $0x55555556, s0;
	s0 =	sshra.s32 s0, $0x1F  }
0xf3: {  	s0 =	smul.u32 $0x55555556, s0;
	_ =	sdelay $0x1  }
0xf4: {  	s0 =	sadd.s32 s0, s6  }
0xf5: {  	s6 =	sshrl.u32 s0, $0x1F  }
0xf6: {  	s0 =	sadd.s32 s6, s0  }
0xf7: {  	s6 =	smul.u32 $0xFFFFFFFD, s0  }
0xf8: {  	s7 =	ssub.s32 $0xFFFFFFFE, s9  }
0xf9: {  	p2 =	slt.s32 s9, $0xFFFFFFFF;
	p3 =	sne.s32 s6, s7  }
0xfa: {  	p2 =	por !p2, !p3  }
0xfb: {  	s6 =	simm.s32 $0x1;
	p2 =	por !p2, !p2  }
0xfc: {  	s6 =	simm.s32 @!p2 $0x0  }
0xfd: {  	s10 =	ssub.s32 s0, s6  }
0xfe: {  	p2 =	slt.s32 s10, $0x1  }
.Ltmp5:
0xff: {  	_ = 	snop;
	(pc) =	sbr.rel @!p2 .LBB2_8-.Ltmp5, $4  }
.Ltmp6:
0x100: {  	_ = 	snop;
	(pc) =	sbr.rel @p2 .LBB2_15-.Ltmp6, $4  }
0x101: {  	_ = 	snop  }
0x102: {  	[bflag:$0x0] =	sbarrier.arrive $0xFFFF  }
0x103: {  	s12 =	simm.s32 $0x0;
	s30 =	simm.s32 $0x1C088;
	s31 =	simm.s32 $0x14008  }
0x104: {  	_ = 	snop  }
.LBB2_14:
0x105: {  	s0 =	sadd.s32 $0x4, s12  }
0x106: {  	p2 =	sge.s32 s0, s9  }
0x107: {  	s0 =	sadd.s32 @!p2 $0x200, s8  }
0x108: {  	p4 =	slt.s32 @!p2 s0, $0x4E180  }
0x109: {  	s6 =	simm.s32 @!p3 $0x8;
	p4 =	por !p4, p2  }
0x10a: {  	_ =	swait.ge @!p3 [sflag:s6], $0x4000;
	s0 =	simm.s32 @p4 $0x4E180  }
0x10b: {  	[sflag:s6] =	ssyncset.done @!p3 $0x0;
	s7 =	sshll.u32 @!p2 s0, $0x4  }
0x10c: {  	[sflag:s6] =	ssyncadd.s32 @!p3 $0xFFFFC000;
	s6 =	sand.u32 @!p2 $0xFFFFF80, s7  }
0x10d: {  	s12 =	simm.s32 @!p2 $0x14008;
	s7 =	simm.s32 @!p2 $0x0;
	s6 =	sadd.s32 @!p2 s1, s6  }
0x10e: {  	[tilespmem:s12], [sflag:$0x2] =	stream.linear.gather @!p2 [hbm4b:s6+s7], $0x4000, $0x38;
	[tilespmem:$0x1C208] =	vst v63  }
0x10f: {  	s6 =	sand.u32 @!p2 $0x7, s0;
	s12 =	sld @!p2 [smem:$0x7FF]  }
0x110: {  	p3 =	seq.s32 @!p2 s6, $0x0  }
0x111: {  	p4 =	por p3, p2  }
0x112: {  	p4 =	sne.s32 @!p4 s12, $0x1  }
0x113: {  	p3 =	por @!p2 !p4, p3  }
0x114: {  	p3 =	por p3, p2  }
0x115: {  	s6 =	sor.u32 @!p3 $0x100000, s11  }
0x116: {  	[smem:s6], [sflag:$0x0] =	smem.add.s32 @!p3 $0x325;
	s6 =	simm.s32 @!p3 $0x0  }
0x117: {  	s12 =	simm.s32 @!p3 $0x1;
	_ =	swait.done @!p3 [sflag:s6]  }
0x118: {  	[smem:$0x7FF] =	sst @!p3 s12  }
0x119: {  	s10 =	sadd.s32 $0xFFFFFFFF, s10;
	s0 =	sshrl.u32 @!p2 s0, $0x3;
	_ =	sint @!p3 $0x2  }
0x11a: {  	s0 =	sadd.s32 @!p2 s2, s0;
	_ =	swait.notdone @!p3 [sflag:s6];
	s6 =	simm.s32 @!p2 $0x1C088  }
0x11b: {  	[tilespmem:s6], [sflag:$0x5] =	stream.linear.gather @!p2 [hbm4b:s0+s7], $0x80, $0x38;
	[tilespmem:$0x1C208] =	vst v63  }
0x11c: {  	p2 =	sne.s32 s10, $0x0  }
.Ltmp7:
0x11d: {  	_ = 	snop;
	(pc) =	sbr.rel @!p2 .LBB2_15-.Ltmp7, $2  }
0x11e: {  	_ =	sdelay $0x2  }
0x11f: {  	s8 =	sadd.s32 $0x180, s8;
	s12 =	smov.u32 s13  }
.LBB2_8:
0x120: {  	p2 =	sge.s32 s12, s9  }
.Ltmp8:
0x121: {  	_ = 	snop;
	(pc) =	sbr.rel @p2 .LBB2_10-.Ltmp8, $1  }
0x122: {  	_ =	sdelay $0x3  }
0x123: {  	_ =	swait.ge [sflag:s15], $0x4000  }
0x124: {  	p3 =	slt.s32 s8, $0x4E180;
	s0 =	smov.u32 s8;
	s6 =	sadd.s32 $0x80, s8  }
0x125: {  	s13 =	smov.u32 s3;
	s7 =	smov.u32 s24;
	[sflag:s15] =	ssyncset.done $0x0  }
0x126: {  	s0 =	simm.s32 @!p3 $0x4E180;
	p3 =	sgt.s32 s8, s3;
	p4 =	slt.s32 s6, s24  }
0x127: {  	[sflag:s15] =	ssyncadd.s32 $0xFFFFC000;
	s13 =	smov.u32 @p3 s8;
	s7 =	smov.u32 @p4 s6;
	v4 =	vadd.s32 s0, v2  }
0x128: {  	s14 =	sadd.s32 $0x10, s0;
	s18 =	sadd.s32 $0x20, s0;
	_ =	swait.ge [sflag:s20], $0x80;
	vm0 =	vge.s32 v4, s13  }
0x129: {  	vm1 =	vlt.s32 v4, s7;
	v51 =	vadd.s32 s14, v2;
	v52 =	vadd.s32 s18, v2;
	[sflag:s20] =	ssyncset.done $0x0  }
0x12a: {  	s14 =	sadd.s32 $0x30, s0;
	vm0 =	vmand vm0, vm1;
	vm8 =	vge.s32 v51, s13;
	vm2 =	vlt.s32 v51, s7;
	[sflag:s20] =	ssyncadd.s32 $0xFFFFFF80  }
0x12b: {  	s18 =	sadd.s32 $0x40, s0;
	vm10 =	vge.s32 v52, s13;
	vm11 =	vlt.s32 v52, s7;
	v54 =	vadd.s32 s14, v2;
	v3 =	vld [tilespmem:$0x1C008]  }
0x12c: {  	v56 =	vadd.s32 s18, v2;
	vm9 =	vmand vm8, vm2;
	vm12 =	vmand vm10, vm11;
	v5 =	vld [tilespmem:$0x1C018]  }
0x12d: {  	s14 =	sadd.s32 $0x50, s0;
	s18 =	sadd.s32 $0x60, s0;
	vm13 =	vge.s32 v54, s13;
	vm14 =	vlt.s32 v54, s7;
	vm4 =	vge.s32 v56, s13;
	v6 =	vld [tilespmem:$0x1C028]  }
0x12e: {  	s0 =	sadd.s32 $0x70, s0;
	vm5 =	vlt.s32 v56, s7;
	v58 =	vadd.s32 s14, v2;
	v60 =	vadd.s32 s18, v2;
	v7 =	vld [tilespmem:$0x1C038]  }
0x12f: {  	v62 =	vadd.s32 s0, v2;
	v8 =	vld [tilespmem:$0x1C048];
	vm15 =	vmand vm13, vm14;
	vm6 =	vmand vm4, vm5  }
0x130: {  	v9 =	vld [tilespmem:$0x1C058];
	vm7 =	vge.s32 v58, s13;
	vm8 =	vlt.s32 v58, s7;
	v3 =	vsub.s32 v3, v0  }
0x131: {  	v10 =	vld [tilespmem:$0x1C068];
	vm10 =	vge.s32 v60, s13;
	v5 =	vsub.s32 v5, v0;
	v3 =	vnsel vm0, $0x2000, v3  }
0x132: {  	v59 =	vld [tilespmem:$0x1C078];
	vm11 =	vlt.s32 v60, s7;
	v6 =	vsub.s32 v6, v0;
	v53 =	vnsel vm9, $0x2000, v5;
	[tilespmem:$0x1C008] =	vst v3  }
0x133: {  	vm13 =	vge.s32 v62, s13;
	v7 =	vsub.s32 v7, v0;
	v55 =	vnsel vm12, $0x2000, v6;
	[tilespmem:$0x1C018] =	vst v53  }
0x134: {  	vm14 =	vlt.s32 v62, s7;
	v57 =	vnsel vm15, $0x2000, v7;
	v3 =	vsub.s32 v8, v0;
	[tilespmem:$0x1C028] =	vst v55  }
0x135: {  	v61 =	vsub.s32 v9, v0;
	vm9 =	vmand vm7, vm8;
	[tilespmem:$0x1C038] =	vst v57;
	v3 =	vnsel vm6, $0x2000, v3  }
0x136: {  	vm12 =	vmand vm10, vm11;
	v4 =	vnsel vm9, $0x2000, v61;
	[tilespmem:$0x1C048] =	vst v3;
	v3 =	vsub.s32 v10, v0  }
0x137: {  	v63 =	vsub.s32 v59, v0;
	vm15 =	vmand vm13, vm14;
	[tilespmem:$0x1C058] =	vst v4;
	v3 =	vnsel vm12, $0x2000, v3  }
0x138: {  	[tilespmem:$0x1C068] =	vst v3;
	v3 =	vnsel vm15, $0x2000, v63  }
0x139: {  	[tilespmem:$0x1C078] =	vst v3  }
0x13a: {  	[spmem:s4] =	stream.indirect.scatter.add.f32 [tilespmem:s25], [sflag:$0x7], $0x80, s29, s21, $0xb8;
	[tilespmem:$0x1C208] =	vst v63  }
.LBB2_10:
0x13b: {  	s0 =	sadd.s32 $0x2, s12  }
0x13c: {  	p3 =	seq.s32 s12, $0x0;
	p4 =	sge.s32 s0, s9  }
0x13d: {  	p5 =	sgt.s32 @!p3 s12, s9;
	s0 =	sadd.s32 @!p4 $0x100, s8  }
0x13e: {  	p3 =	por p5, p3;
	p5 =	slt.s32 @!p4 s0, $0x4E180  }
0x13f: {  	s6 =	simm.s32 @!p3 $0x9;
	p5 =	por !p5, p4  }
0x140: {  	_ =	swait.ge @!p3 [sflag:s6], $0x4000;
	s0 =	simm.s32 @p5 $0x4E180  }
0x141: {  	[sflag:s6] =	ssyncset.done @!p3 $0x0;
	s7 =	sshll.u32 @!p4 s0, $0x4  }
0x142: {  	[sflag:s6] =	ssyncadd.s32 @!p3 $0xFFFFC000;
	s6 =	sand.u32 @!p4 $0xFFFFF80, s7  }
0x143: {  	s13 =	simm.s32 @!p4 $0x18008;
	s7 =	simm.s32 @!p4 $0x0;
	s6 =	sadd.s32 @!p4 s1, s6  }
0x144: {  	[tilespmem:s13], [sflag:$0x3] =	stream.linear.gather @!p4 [hbm4b:s6+s7], $0x4000, $0x38;
	[tilespmem:$0x1C208] =	vst v63  }
0x145: {  	s6 =	sand.u32 @!p4 $0x7, s0;
	s13 =	sld @!p4 [smem:$0x7FF]  }
0x146: {  	p3 =	seq.s32 @!p4 s6, $0x0  }
0x147: {  	p5 =	por p3, p4  }
0x148: {  	p5 =	sne.s32 @!p5 s13, $0x1  }
0x149: {  	p3 =	por @!p4 !p5, p3  }
0x14a: {  	p3 =	por p3, p4  }
0x14b: {  	s6 =	sor.u32 @!p3 $0x100000, s11  }
0x14c: {  	[smem:s6], [sflag:$0x0] =	smem.add.s32 @!p3 $0x1FD;
	s6 =	simm.s32 @!p3 $0x0  }
0x14d: {  	s13 =	simm.s32 @!p3 $0x1;
	_ =	swait.done @!p3 [sflag:s6]  }
0x14e: {  	[smem:$0x7FF] =	sst @!p3 s13  }
0x14f: {  	s18 =	sadd.s32 $0x1, s12;
	_ =	sint @!p3 $0x2  }
0x150: {  	_ =	swait.notdone @!p3 [sflag:s6];
	p3 =	sge.s32 s18, s9  }
.Ltmp9:
0x151: {  	_ = 	snop;
	(pc) =	sbr.rel @p3 .LBB2_12-.Ltmp9, $4  }
0x152: {  	_ = 	snop  }
0x153: {  	s0 =	sshrl.u32 @!p4 s0, $0x3  }
0x154: {  	s0 =	sadd.s32 @!p4 s2, s0;
	s6 =	simm.s32 @!p4 $0x1C108  }
0x155: {  	[tilespmem:s6], [sflag:$0x6] =	stream.linear.gather @!p4 [hbm4b:s0+s7], $0x80, $0x38;
	[tilespmem:$0x1C208] =	vst v63  }
0x156: {  	_ =	swait.ge [sflag:s22], $0x4000;
	s6 =	sadd.s32 $0x80, s8  }
0x157: {  	s14 =	sadd.s32 $0x100, s8;
	s13 =	smov.u32 s3;
	s7 =	smov.u32 s24  }
0x158: {  	[sflag:s22] =	ssyncset.done $0x0;
	p5 =	slt.s32 s6, $0x4E180;
	s0 =	smov.u32 s6  }
0x159: {  	p6 =	slt.s32 s14, s24;
	s0 =	simm.s32 @!p5 $0x4E180;
	p5 =	sgt.s32 s6, s3  }
0x15a: {  	[sflag:s22] =	ssyncadd.s32 $0xFFFFC000;
	s7 =	smov.u32 @p6 s14;
	s13 =	smov.u32 @p5 s6;
	v4 =	vadd.s32 s0, v2  }
0x15b: {  	_ =	swait.ge [sflag:s23], $0x80;
	s14 =	sadd.s32 $0x10, s0;
	s18 =	sadd.s32 $0x20, s0;
	vm0 =	vge.s32 v4, s13  }
0x15c: {  	[sflag:s23] =	ssyncset.done $0x0;
	vm1 =	vlt.s32 v4, s7;
	v51 =	vadd.s32 s14, v2;
	v52 =	vadd.s32 s18, v2  }
0x15d: {  	s14 =	sadd.s32 $0x30, s0;
	[sflag:s23] =	ssyncadd.s32 $0xFFFFFF80;
	vm0 =	vmand vm0, vm1;
	vm8 =	vge.s32 v51, s13;
	vm2 =	vlt.s32 v51, s7  }
0x15e: {  	s18 =	sadd.s32 $0x40, s0;
	vm10 =	vge.s32 v52, s13;
	vm11 =	vlt.s32 v52, s7;
	v54 =	vadd.s32 s14, v2;
	v3 =	vld [tilespmem:$0x1C088]  }
0x15f: {  	v56 =	vadd.s32 s18, v2;
	v5 =	vld [tilespmem:$0x1C098];
	vm9 =	vmand vm8, vm2;
	vm12 =	vmand vm10, vm11  }
0x160: {  	s14 =	sadd.s32 $0x50, s0;
	s18 =	sadd.s32 $0x60, s0;
	v6 =	vld [tilespmem:$0x1C0A8];
	vm13 =	vge.s32 v54, s13;
	vm14 =	vlt.s32 v54, s7;
	vm4 =	vge.s32 v56, s13  }
0x161: {  	s0 =	sadd.s32 $0x70, s0;
	v7 =	vld [tilespmem:$0x1C0B8];
	vm5 =	vlt.s32 v56, s7;
	v58 =	vadd.s32 s14, v2;
	v60 =	vadd.s32 s18, v2  }
0x162: {  	v8 =	vld [tilespmem:$0x1C0C8];
	v62 =	vadd.s32 s0, v2;
	vm15 =	vmand vm13, vm14;
	vm6 =	vmand vm4, vm5  }
0x163: {  	v9 =	vld [tilespmem:$0x1C0D8];
	vm7 =	vge.s32 v58, s13;
	vm8 =	vlt.s32 v58, s7;
	v3 =	vsub.s32 v3, v0  }
0x164: {  	v10 =	vld [tilespmem:$0x1C0E8];
	vm10 =	vge.s32 v60, s13;
	v5 =	vsub.s32 v5, v0;
	v3 =	vnsel vm0, $0x2000, v3  }
0x165: {  	v59 =	vld [tilespmem:$0x1C0F8];
	vm11 =	vlt.s32 v60, s7;
	v6 =	vsub.s32 v6, v0;
	v53 =	vnsel vm9, $0x2000, v5;
	[tilespmem:$0x1C088] =	vst v3  }
0x166: {  	vm13 =	vge.s32 v62, s13;
	v7 =	vsub.s32 v7, v0;
	v55 =	vnsel vm12, $0x2000, v6;
	[tilespmem:$0x1C098] =	vst v53  }
0x167: {  	vm14 =	vlt.s32 v62, s7;
	v57 =	vnsel vm15, $0x2000, v7;
	v3 =	vsub.s32 v8, v0;
	[tilespmem:$0x1C0A8] =	vst v55  }
0x168: {  	v61 =	vsub.s32 v9, v0;
	vm9 =	vmand vm7, vm8;
	[tilespmem:$0x1C0B8] =	vst v57;
	v3 =	vnsel vm6, $0x2000, v3  }
0x169: {  	vm12 =	vmand vm10, vm11;
	v4 =	vnsel vm9, $0x2000, v61;
	[tilespmem:$0x1C0C8] =	vst v3;
	v3 =	vsub.s32 v10, v0  }
0x16a: {  	v63 =	vsub.s32 v59, v0;
	vm15 =	vmand vm13, vm14;
	[tilespmem:$0x1C0D8] =	vst v4;
	v3 =	vnsel vm12, $0x2000, v3  }
0x16b: {  	[tilespmem:$0x1C0E8] =	vst v3;
	v3 =	vnsel vm15, $0x2000, v63  }
0x16c: {  	[tilespmem:$0x1C0F8] =	vst v3  }
0x16d: {  	[spmem:s4] =	stream.indirect.scatter.add.f32 [tilespmem:s31], [sflag:$0x8], $0x80, s30, s21, $0xb8;
	[tilespmem:$0x1C208] =	vst v63  }
.LBB2_12:
0x16e: {  	s13 =	sadd.s32 $0x3, s12  }
0x16f: {  	p5 =	sge.s32 s13, s9  }
0x170: {  	s0 =	sadd.s32 @!p5 $0x180, s8  }
0x171: {  	p6 =	slt.s32 @!p5 s0, $0x4E180  }
0x172: {  	s6 =	simm.s32 @!p2 $0x7;
	p6 =	por !p6, p5  }
0x173: {  	_ =	swait.ge @!p2 [sflag:s6], $0x4000;
	s0 =	simm.s32 @p6 $0x4E180  }
0x174: {  	[sflag:s6] =	ssyncset.done @!p2 $0x0;
	s7 =	sshll.u32 @!p5 s0, $0x4  }
0x175: {  	[sflag:s6] =	ssyncadd.s32 @!p2 $0xFFFFC000;
	s6 =	sand.u32 @!p5 $0xFFFFF80, s7  }
0x176: {  	s14 =	simm.s32 @!p5 $0x10008;
	s7 =	simm.s32 @!p5 $0x0;
	s6 =	sadd.s32 @!p5 s1, s6  }
0x177: {  	[tilespmem:s14], [sflag:$0x1] =	stream.linear.gather @!p5 [hbm4b:s6+s7], $0x4000, $0x38;
	[tilespmem:$0x1C208] =	vst v63  }
0x178: {  	s6 =	sand.u32 @!p5 $0x7, s0;
	s14 =	sld @!p5 [smem:$0x7FF]  }
0x179: {  	p2 =	seq.s32 @!p5 s6, $0x0  }
0x17a: {  	p6 =	por p2, p5  }
0x17b: {  	p6 =	sne.s32 @!p6 s14, $0x1  }
0x17c: {  	p2 =	por @!p5 !p6, p2  }
0x17d: {  	p2 =	por p2, p5  }
0x17e: {  	s6 =	sor.u32 @!p2 $0x100000, s11  }
0x17f: {  	[smem:s6], [sflag:$0x0] =	smem.add.s32 @!p2 $0x291;
	s6 =	simm.s32 @!p2 $0x0  }
.Ltmp10:
0x180: {  	s14 =	simm.s32 @!p2 $0x1;
	_ =	swait.done @!p2 [sflag:s6];
	(pc) =	sbr.rel @p4 .LBB2_14-.Ltmp10, $4  }
0x181: {  	[smem:$0x7FF] =	sst @!p2 s14  }
0x182: {  	s0 =	sshrl.u32 @!p5 s0, $0x3;
	_ =	sint @!p2 $0x2  }
0x183: {  	s0 =	sadd.s32 @!p5 s2, s0;
	_ =	swait.notdone @!p2 [sflag:s6];
	s6 =	simm.s32 @!p5 $0x1C008  }
0x184: {  	[tilespmem:s6], [sflag:$0x4] =	stream.linear.gather @!p5 [hbm4b:s0+s7], $0x80, $0x38;
	[tilespmem:$0x1C208] =	vst v63  }
0x185: {  	_ =	swait.ge [sflag:s26], $0x4000;
	s14 =	sadd.s32 $0x100, s8  }
0x186: {  	s18 =	sadd.s32 $0x180, s8;
	s0 =	smov.u32 s3;
	s6 =	smov.u32 s24  }
0x187: {  	[sflag:s26] =	ssyncset.done $0x0;
	p2 =	slt.s32 s14, $0x4E180;
	s7 =	smov.u32 s14  }
0x188: {  	p4 =	slt.s32 s18, s24;
	s7 =	simm.s32 @!p2 $0x4E180;
	p2 =	sgt.s32 s14, s3  }
0x189: {  	[sflag:s26] =	ssyncadd.s32 $0xFFFFC000;
	s6 =	smov.u32 @p4 s18;
	s0 =	smov.u32 @p2 s14;
	v4 =	vadd.s32 s7, v2  }
0x18a: {  	_ =	swait.ge [sflag:s28], $0x80;
	s18 =	sadd.s32 $0x10, s7;
	vm0 =	vge.s32 v4, s0;
	vm1 =	vlt.s32 v4, s6  }
0x18b: {  	[sflag:s28] =	ssyncset.done $0x0;
	v51 =	vadd.s32 s18, v2;
	s18 =	sadd.s32 $0x20, s7;
	vm0 =	vmand vm0, vm1  }
0x18c: {  	[sflag:s28] =	ssyncadd.s32 $0xFFFFFF80;
	vm8 =	vge.s32 v51, s0;
	vm2 =	vlt.s32 v51, s6;
	v52 =	vadd.s32 s18, v2;
	s18 =	sadd.s32 $0x30, s7  }
0x18d: {  	v3 =	vld [tilespmem:$0x1C108];
	vm9 =	vmand vm8, vm2;
	vm10 =	vge.s32 v52, s0;
	v54 =	vadd.s32 s18, v2  }
0x18e: {  	v5 =	vld [tilespmem:$0x1C118];
	vm11 =	vlt.s32 v52, s6;
	s18 =	sadd.s32 $0x40, s7;
	vm13 =	vge.s32 v54, s0;
	vm14 =	vlt.s32 v54, s6  }
0x18f: {  	v6 =	vld [tilespmem:$0x1C128];
	vm12 =	vmand vm10, vm11;
	v56 =	vadd.s32 s18, v2;
	s18 =	sadd.s32 $0x50, s7;
	vm15 =	vmand vm13, vm14  }
0x190: {  	v7 =	vld [tilespmem:$0x1C138];
	vm4 =	vge.s32 v56, s0;
	vm5 =	vlt.s32 v56, s6;
	v58 =	vadd.s32 s18, v2  }
0x191: {  	v8 =	vld [tilespmem:$0x1C148];
	s18 =	sadd.s32 $0x60, s7;
	s7 =	sadd.s32 $0x70, s7;
	vm6 =	vmand vm4, vm5;
	vm7 =	vge.s32 v58, s0;
	vm8 =	vlt.s32 v58, s6  }
0x192: {  	v9 =	vld [tilespmem:$0x1C158];
	v60 =	vadd.s32 s18, v2;
	v62 =	vadd.s32 s7, v2;
	v3 =	vsub.s32 v3, v0  }
0x193: {  	v10 =	vld [tilespmem:$0x1C168];
	vm10 =	vge.s32 v60, s0;
	v5 =	vsub.s32 v5, v0;
	v3 =	vnsel vm0, $0x2000, v3  }
0x194: {  	v59 =	vld [tilespmem:$0x1C178];
	vm11 =	vlt.s32 v60, s6;
	v6 =	vsub.s32 v6, v0;
	v53 =	vnsel vm9, $0x2000, v5;
	[tilespmem:$0x1C108] =	vst v3  }
0x195: {  	vm13 =	vge.s32 v62, s0;
	v7 =	vsub.s32 v7, v0;
	v55 =	vnsel vm12, $0x2000, v6;
	[tilespmem:$0x1C118] =	vst v53  }
0x196: {  	vm14 =	vlt.s32 v62, s6;
	v57 =	vnsel vm15, $0x2000, v7;
	v3 =	vsub.s32 v8, v0;
	[tilespmem:$0x1C128] =	vst v55  }
0x197: {  	v61 =	vsub.s32 v9, v0;
	vm9 =	vmand vm7, vm8;
	[tilespmem:$0x1C138] =	vst v57;
	v3 =	vnsel vm6, $0x2000, v3  }
.Ltmp11:
0x198: {  	vm12 =	vmand vm10, vm11;
	v4 =	vnsel vm9, $0x2000, v61;
	[tilespmem:$0x1C148] =	vst v3;
	v3 =	vsub.s32 v10, v0;
	(pc) =	sbr.rel .LBB2_14-.Ltmp11, $4  }
0x199: {  	v63 =	vsub.s32 v59, v0;
	vm15 =	vmand vm13, vm14;
	[tilespmem:$0x1C158] =	vst v4;
	v3 =	vnsel vm12, $0x2000, v3  }
0x19a: {  	[tilespmem:$0x1C168] =	vst v3;
	v3 =	vnsel vm15, $0x2000, v63  }
0x19b: {  	s14 =	simm.s32 $0x1C108;
	s18 =	simm.s32 $0x18008;
	[tilespmem:$0x1C178] =	vst v3  }
0x19c: {  	[spmem:s4] =	stream.indirect.scatter.add.f32 [tilespmem:s18], [sflag:$0x9], $0x80, s14, s21, $0xb8;
	[tilespmem:$0x1C208] =	vst v63  }
.LBB2_16:
0x19d: {  	_ =	sfence.sel $0x180000  }
0x19e: {  	[bflag:$0x0] =	sbarrier.arrive $0xFFFF  }
0x19f: {  	_ =	strace $0x90000047  }
0x1a0: {  	[bflag:$0x2] =	sbarrier.arrive $0xFFFF  }
0x1a1: {  	p0 =	sne.s32 s19, $0x0;
	s0 =	rddreg [dreg:$0x4]  }
0x1a2: {  	s0 =	sadd.s32 @!p0 $0x100000, s0  }
0x1a3: {  	[sflag:s0] =	ssyncadd.tile.s32 @!p0 $0x1;
	_ =	shalt  }
.Lfunc_end2:
_tile_overlayer_lowered:
.L_overlay_start_2:
0x1a4: {  	(tag) =	ssettag $0x2  }
0x1a5: {  	s0 =	rddreg [dreg:$0x0];
	s2 =	stileid.u32  }
0x1a6: {  	s1 =	rddreg [dreg:$0x1];
	p0 =	sne.s32 s2, $0x0  }
0x1a7: {  	s3 =	rddreg [dreg:$0x2];
	[bflag:$0x3] =	sbarrier.arrive $0xFFFF;
	s2 =	simm.s32 @!p0 $0x1C0A  }
0x1a8: {  	[timem:s3], [sflag:s2] =	dma.local @!p0 [hbm:s0], s1  }
0x1a9: {  	s0 =	simm.s32 @!p0 $0xA  }
0x1aa: {  	_ =	swait.ge @!p0 [sflag:s0], s1  }
0x1ab: {  	s1 =	ssub.s32 @!p0 $0x0, s1;
	[sflag:s0] =	ssyncset.done @!p0 $0x0  }
0x1ac: {  	[sflag:s0] =	ssyncadd.s32 @!p0 s1  }
0x1ad: {  	[bflag:$0x3] =	sbarrier.arrive $0xFFFF  }
0x1ae: {  	_ =	shalt  }

</sc_bundles>
